<compile_context>
chip_gen: v7x
topology: tpu7x:2x2x1
jax: 0.10.2.dev20260603
libtpu: 0.0.44.dev20260713+nightly
codegen_flags: <defaults>
</compile_context>

<pallas_src>
import functools

import jax
import jax.numpy as jnp
from jax import lax
from jax.experimental import pallas as pl
from jax.experimental.pallas import tpu as pltpu
from jax.experimental.pallas import tpu_sc as plsc

NC = 2
NS = 16
L = 16
NW = NC * NS
BINS = 10


def _sc_histogram(pred_blocks, target, rows_w, chunk_rows):
    n_chunks = rows_w // chunk_rows
    unroll = 2
    mesh = plsc.VectorSubcoreMesh(
        core_axis_name="c", subcore_axis_name="s",
        num_cores=NC, num_subcores=NS)

    @functools.partial(
        pl.kernel,
        out_type=jax.ShapeDtypeStruct((2, NW, BINS * L), jnp.float32),
        mesh=mesh,
        scratch_types=[
            pltpu.VMEM((2 * chunk_rows,), jnp.float32),
            pltpu.VMEM((chunk_rows,), jnp.int32),
            pltpu.VMEM((2 * chunk_rows,), jnp.float32),
            pltpu.VMEM((chunk_rows,), jnp.int32),
            pltpu.VMEM((BINS * L,), jnp.float32),
            pltpu.VMEM((BINS * L,), jnp.float32),
            pltpu.VMEM((BINS * L,), jnp.float32),
            pltpu.VMEM((BINS * L,), jnp.float32),
            pltpu.SemaphoreType.DMA,
            pltpu.SemaphoreType.DMA,
        ],
        compiler_params=pltpu.CompilerParams(needs_layout_passes=False),
    )
    def hist(pred_hbm, tgt_hbm, out_hbm,
             pa, ta, pb, tb, cnt0, cnt1, ps0, ps1, sema, semb):
        wid = lax.axis_index("c") * NS + lax.axis_index("s")
        lane = lax.iota(jnp.int32, L)
        zeros = jnp.zeros((L,), jnp.float32)
        ones = jnp.full((L,), 1.0, jnp.float32)
        onef = jnp.full((L,), 1.0, jnp.float32)
        tenf = jnp.full((L,), 10.0, jnp.float32)
        ninef = jnp.full((L,), float(BINS - 1), jnp.float32)

        for b in range(BINS):
            cnt0[pl.ds(b * L, L)] = zeros
            cnt1[pl.ds(b * L, L)] = zeros
            ps0[pl.ds(b * L, L)] = zeros
            ps1[pl.ds(b * L, L)] = zeros

        row_base = wid * rows_w
        bufs = [(pa, ta, sema), (pb, tb, semb)]

        def start(c, buf):
            bp, bt, sem = buf
            base = row_base + c * chunk_rows
            return (
                pltpu.async_copy(
                    pred_hbm.at[pl.ds(2 * base, 2 * chunk_rows)], bp, sem),
                pltpu.async_copy(tgt_hbm.at[pl.ds(base, chunk_rows)], bt, sem),
            )

        def wait(buf):
            bp, bt, sem = buf
            pltpu.make_async_copy(
                pred_hbm.at[pl.ds(0, 2 * chunk_rows)], bp, sem).wait()
            pltpu.make_async_copy(
                tgt_hbm.at[pl.ds(0, chunk_rows)], bt, sem).wait()

        def process(buf):
            bp, bt, _ = buf

            @plsc.parallel_loop(0, chunk_rows // 128, 1, unroll=unroll)
            def _blk_body(g):
                pbase = g * (2 * 128)
                tbase = g * 128
                for u in range(8):
                    p0 = bp[pl.ds(pbase + u * L, L)]
                    p1 = bp[pl.ds(pbase + 128 + u * L, L)]
                    t = bt[pl.ds(tbase + u * L, L)]
                    m0 = t == 0
                    g0 = jnp.where(m0, onef - p0, p0)
                    g1 = jnp.where(m0, p1, onef - p1)
                    p = jnp.where(m0, p0, p1)
                    i0 = jnp.minimum(g0 * tenf, ninef).astype(jnp.int32)
                    i1 = jnp.minimum(g1 * tenf, ninef).astype(jnp.int32)
                    a0 = i0 * L + lane
                    a1 = i1 * L + lane
                    plsc.addupdate_scatter(cnt0, [a0], ones)
                    plsc.addupdate_scatter(ps0, [a0], p)
                    plsc.addupdate_scatter(cnt1, [a1], ones)
                    plsc.addupdate_scatter(ps1, [a1], p)

        n_pairs = n_chunks // 2
        start(0, bufs[0])
        start(1, bufs[1])

        def pair_body(cp, _):
            wait(bufs[0])
            process(bufs[0])

            @pl.when(cp + 1 < n_pairs)
            def _():
                start(2 * cp + 2, bufs[0])

            wait(bufs[1])
            process(bufs[1])

            @pl.when(cp + 1 < n_pairs)
            def _():
                start(2 * cp + 3, bufs[1])

            return 0

        lax.fori_loop(0, n_pairs, pair_body, 0)

        for b in range(BINS):
            cnt0[pl.ds(b * L, L)] = cnt0[pl.ds(b * L, L)] + cnt1[pl.ds(b * L, L)]
            ps0[pl.ds(b * L, L)] = ps0[pl.ds(b * L, L)] + ps1[pl.ds(b * L, L)]
        pltpu.sync_copy(cnt0, out_hbm.at[0, wid])
        pltpu.sync_copy(ps0, out_hbm.at[1, wid])

    return hist(pred_blocks, target)


def _combine_body(part_ref, out_ref):
    x = part_ref[...]
    cnt = jnp.sum(x[0], axis=0, keepdims=True)
    ps = jnp.sum(x[1], axis=0, keepdims=True)
    total = jnp.float32(0.0)
    n = jnp.float32(0.0)
    for b in range(BINS):
        cb = jnp.sum(cnt[:, b * L:(b + 1) * L])
        sb = jnp.sum(ps[:, b * L:(b + 1) * L])
        nzb = cb > 0.0
        n = n + nzb.astype(jnp.float32)
        total = total + jnp.where(nzb, sb / jnp.where(nzb, cb, 1.0), 0.0)
    out_ref[0, 0] = jnp.where(n > 0.0, -total / (2.0 * n), 0.0)


def kernel(pred, target):
    n_rows = pred.shape[0]
    rows_w = n_rows // NW
    chunk_rows = min(rows_w, 16384)
    pred_blocks = pred.reshape(n_rows // 128, 128, 2).transpose(0, 2, 1)
    pred_blocks = pred_blocks.reshape(2 * n_rows)
    partials = _sc_histogram(pred_blocks, target, rows_w, chunk_rows)
    out = pl.pallas_call(
        _combine_body,
        out_shape=jax.ShapeDtypeStruct((1, 1), jnp.float32),
        in_specs=[pl.BlockSpec(memory_space=pltpu.VMEM)],
        out_specs=pl.BlockSpec(memory_space=pltpu.SMEM),
    )(partials)
    return out[0, 0]

# --- scband reference (transcript-rebuilt; emitter-appended) ---
"""Pipeline reference for scband-ghmcloss-69063074119704 (READ-ONLY COPY).

The authoritative reference and input builder live on the scoring server;
editing this copy changes nothing except your own understanding.
"""

import jax, jax.numpy as jnp
import numpy as np

BINS = 10


def setup_inputs(seed: int = 0) -> dict:
    key = jax.random.key(seed)
    k1, k2 = jax.random.split(key)
    N = 2097152
    pred = jax.random.uniform(k1, (N, 2), dtype=jnp.float32)
    target = jax.random.randint(k2, (N,), 0, 2, dtype=jnp.int32)
    return {"pred": pred, "target": target}


def reference(pred, target):
    bins = BINS
    edges = jnp.arange(bins + 1, dtype=jnp.float32) / bins
    edges = edges.at[-1].add(1e-06)
    target_one_hot = jax.nn.one_hot(target, 2, dtype=jnp.float32)
    # grad uses detached probs in the torch code -> stop_gradient here
    g = jnp.abs(jax.lax.stop_gradient(pred) - target_one_hot)
    tot = pred.shape[0]
    g_flat = g.reshape(-1)
    # bin i covers [edges[i], edges[i+1]) ; searchsorted(side='right')-1 reproduces this
    idx = jnp.searchsorted(edges, g_flat, side='right') - 1
    idx = jnp.clip(idx, 0, bins - 1)
    counts = jnp.bincount(idx, length=bins)
    n = (counts > 0).sum()
    counts_f = counts.astype(jnp.float32)
    w_flat = jnp.where(counts[idx] > 0, jnp.float32(tot) / counts_f[idx], 0.0)
    weights = w_flat.reshape(pred.shape)
    weights = jnp.where(n > 0, weights / n.astype(jnp.float32), weights)
    weights = jax.lax.stop_gradient(weights)
    # nll_loss(pred, target, reduction='none') = -pred[i, target[i]]
    loss = -jnp.take_along_axis(pred, target[:, None].astype(jnp.int32), axis=1)[:, 0]
    weighted_loss = (loss * weights.mean(axis=1)).sum() / jnp.float32(tot)
    return weighted_loss

if __name__ == "__main__":
    import jax
    _d = setup_inputs()
    print(jax.jit(kernel)(*tuple(_d.values())))

</pallas_src>

<mosaic_0001>
#map = affine_map<(d0, d1) -> (0)>
#map1 = affine_map<(d0, d1) -> (0, 0, 0)>
module attributes {stable_mosaic.version = 14 : i64} {
  func.func @hist(%arg0: i32, %arg1: i32, %arg2: memref<4194304xf32, #tpu.memory_space<hbm>>, %arg3: memref<2097152xi32, #tpu.memory_space<hbm>>, %arg4: memref<2x32x160xf32, #tpu.memory_space<hbm>>, %arg5: memref<32768xf32, #tpu.memory_space<vmem>>, %arg6: memref<16384xi32, #tpu.memory_space<vmem>>, %arg7: memref<32768xf32, #tpu.memory_space<vmem>>, %arg8: memref<16384xi32, #tpu.memory_space<vmem>>, %arg9: memref<160xf32, #tpu.memory_space<vmem>>, %arg10: memref<160xf32, #tpu.memory_space<vmem>>, %arg11: memref<160xf32, #tpu.memory_space<vmem>>, %arg12: memref<160xf32, #tpu.memory_space<vmem>>, %arg13: memref<!tpu.dma_semaphore, #tpu.memory_space<semaphore_mem>>, %arg14: memref<!tpu.dma_semaphore, #tpu.memory_space<semaphore_mem>>) attributes {dimension_semantics = [#tpu.dimension_semantics<core_parallel>, #tpu.dimension_semantics<subcore_parallel>], iteration_bounds = array<i64: 2, 16>, scalar_prefetch = 0 : i64, scratch_operands = 10 : i64, tpu.core_type = #tpu.core_type<sc_vector_subcore>, window_params = [{transform_indices = #map}, {transform_indices = #map}, {transform_indices = #map1}]} {
    %mul3A = arith.constant 16 : i32
    %mul3A_0 = arith.muli %arg0, %mul3A : i32
    %add3A = arith.addi %mul3A_0, %arg1 : i32
    %iota3A = tpu.iota {dimensions = array<i32: 0>} : vector<16xi32>
    %broadcast_in_dim3A = arith.constant 0.000000e+00 : f32
    %broadcast_in_dim3A_1 = vector.broadcast %broadcast_in_dim3A : f32 to vector<16xf32>
    %broadcast_in_dim3A_2 = arith.constant 1.000000e+00 : f32
    %broadcast_in_dim3A_3 = vector.broadcast %broadcast_in_dim3A_2 : f32 to vector<16xf32>
    %broadcast_in_dim3A_4 = arith.constant 1.000000e+00 : f32
    %broadcast_in_dim3A_5 = vector.broadcast %broadcast_in_dim3A_4 : f32 to vector<16xf32>
    %broadcast_in_dim3A_6 = arith.constant 1.000000e+01 : f32
    %broadcast_in_dim3A_7 = vector.broadcast %broadcast_in_dim3A_6 : f32 to vector<16xf32>
    %broadcast_in_dim3A_8 = arith.constant 9.000000e+00 : f32
    %broadcast_in_dim3A_9 = vector.broadcast %broadcast_in_dim3A_8 : f32 to vector<16xf32>
    %swap3A = arith.constant 0 : index
    %swap3A_10 = tpu.vector_load %arg9[%swap3A] {strides = array<i32>} : memref<160xf32, #tpu.memory_space<vmem>>, vector<16xf32>,
    tpu.vector_store %arg9[%swap3A], %broadcast_in_dim3A_1 {strides = array<i32>} : memref<160xf32, #tpu.memory_space<vmem>>, vector<16xf32>,
    %swap3A_11 = arith.constant 0 : index
    %swap3A_12 = tpu.vector_load %arg10[%swap3A_11] {strides = array<i32>} : memref<160xf32, #tpu.memory_space<vmem>>, vector<16xf32>,
    tpu.vector_store %arg10[%swap3A_11], %broadcast_in_dim3A_1 {strides = array<i32>} : memref<160xf32, #tpu.memory_space<vmem>>, vector<16xf32>,
    %swap3A_13 = arith.constant 0 : index
    %swap3A_14 = tpu.vector_load %arg11[%swap3A_13] {strides = array<i32>} : memref<160xf32, #tpu.memory_space<vmem>>, vector<16xf32>,
    tpu.vector_store %arg11[%swap3A_13], %broadcast_in_dim3A_1 {strides = array<i32>} : memref<160xf32, #tpu.memory_space<vmem>>, vector<16xf32>,
    %swap3A_15 = arith.constant 0 : index
    %swap3A_16 = tpu.vector_load %arg12[%swap3A_15] {strides = array<i32>} : memref<160xf32, #tpu.memory_space<vmem>>, vector<16xf32>,
    tpu.vector_store %arg12[%swap3A_15], %broadcast_in_dim3A_1 {strides = array<i32>} : memref<160xf32, #tpu.memory_space<vmem>>, vector<16xf32>,
    %swap3A_17 = arith.constant 16 : index
    %swap3A_18 = tpu.vector_load %arg9[%swap3A_17] {strides = array<i32>} : memref<160xf32, #tpu.memory_space<vmem>>, vector<16xf32>,
    tpu.vector_store %arg9[%swap3A_17], %broadcast_in_dim3A_1 {strides = array<i32>} : memref<160xf32, #tpu.memory_space<vmem>>, vector<16xf32>,
    %swap3A_19 = arith.constant 16 : index
    %swap3A_20 = tpu.vector_load %arg10[%swap3A_19] {strides = array<i32>} : memref<160xf32, #tpu.memory_space<vmem>>, vector<16xf32>,
    tpu.vector_store %arg10[%swap3A_19], %broadcast_in_dim3A_1 {strides = array<i32>} : memref<160xf32, #tpu.memory_space<vmem>>, vector<16xf32>,
    %swap3A_21 = arith.constant 16 : index
    %swap3A_22 = tpu.vector_load %arg11[%swap3A_21] {strides = array<i32>} : memref<160xf32, #tpu.memory_space<vmem>>, vector<16xf32>,
    tpu.vector_store %arg11[%swap3A_21], %broadcast_in_dim3A_1 {strides = array<i32>} : memref<160xf32, #tpu.memory_space<vmem>>, vector<16xf32>,
    %swap3A_23 = arith.constant 16 : index
    %swap3A_24 = tpu.vector_load %arg12[%swap3A_23] {strides = array<i32>} : memref<160xf32, #tpu.memory_space<vmem>>, vector<16xf32>,
    tpu.vector_store %arg12[%swap3A_23], %broadcast_in_dim3A_1 {strides = array<i32>} : memref<160xf32, #tpu.memory_space<vmem>>, vector<16xf32>,
    %swap3A_25 = arith.constant 32 : index
    %swap3A_26 = tpu.vector_load %arg9[%swap3A_25] {strides = array<i32>} : memref<160xf32, #tpu.memory_space<vmem>>, vector<16xf32>,
    tpu.vector_store %arg9[%swap3A_25], %broadcast_in_dim3A_1 {strides = array<i32>} : memref<160xf32, #tpu.memory_space<vmem>>, vector<16xf32>,
    %swap3A_27 = arith.constant 32 : index
    %swap3A_28 = tpu.vector_load %arg10[%swap3A_27] {strides = array<i32>} : memref<160xf32, #tpu.memory_space<vmem>>, vector<16xf32>,
    tpu.vector_store %arg10[%swap3A_27], %broadcast_in_dim3A_1 {strides = array<i32>} : memref<160xf32, #tpu.memory_space<vmem>>, vector<16xf32>,
    %swap3A_29 = arith.constant 32 : index
    %swap3A_30 = tpu.vector_load %arg11[%swap3A_29] {strides = array<i32>} : memref<160xf32, #tpu.memory_space<vmem>>, vector<16xf32>,
    tpu.vector_store %arg11[%swap3A_29], %broadcast_in_dim3A_1 {strides = array<i32>} : memref<160xf32, #tpu.memory_space<vmem>>, vector<16xf32>,
    %swap3A_31 = arith.constant 32 : index
    %swap3A_32 = tpu.vector_load %arg12[%swap3A_31] {strides = array<i32>} : memref<160xf32, #tpu.memory_space<vmem>>, vector<16xf32>,
    tpu.vector_store %arg12[%swap3A_31], %broadcast_in_dim3A_1 {strides = array<i32>} : memref<160xf32, #tpu.memory_space<vmem>>, vector<16xf32>,
    %swap3A_33 = arith.constant 48 : index
    %swap3A_34 = tpu.vector_load %arg9[%swap3A_33] {strides = array<i32>} : memref<160xf32, #tpu.memory_space<vmem>>, vector<16xf32>,
    tpu.vector_store %arg9[%swap3A_33], %broadcast_in_dim3A_1 {strides = array<i32>} : memref<160xf32, #tpu.memory_space<vmem>>, vector<16xf32>,
    %swap3A_35 = arith.constant 48 : index
    %swap3A_36 = tpu.vector_load %arg10[%swap3A_35] {strides = array<i32>} : memref<160xf32, #tpu.memory_space<vmem>>, vector<16xf32>,
    tpu.vector_store %arg10[%swap3A_35], %broadcast_in_dim3A_1 {strides = array<i32>} : memref<160xf32, #tpu.memory_space<vmem>>, vector<16xf32>,
    %swap3A_37 = arith.constant 48 : index
    %swap3A_38 = tpu.vector_load %arg11[%swap3A_37] {strides = array<i32>} : memref<160xf32, #tpu.memory_space<vmem>>, vector<16xf32>,
    tpu.vector_store %arg11[%swap3A_37], %broadcast_in_dim3A_1 {strides = array<i32>} : memref<160xf32, #tpu.memory_space<vmem>>, vector<16xf32>,
    %swap3A_39 = arith.constant 48 : index
    %swap3A_40 = tpu.vector_load %arg12[%swap3A_39] {strides = array<i32>} : memref<160xf32, #tpu.memory_space<vmem>>, vector<16xf32>,
    tpu.vector_store %arg12[%swap3A_39], %broadcast_in_dim3A_1 {strides = array<i32>} : memref<160xf32, #tpu.memory_space<vmem>>, vector<16xf32>,
    %swap3A_41 = arith.constant 64 : index
    %swap3A_42 = tpu.vector_load %arg9[%swap3A_41] {strides = array<i32>} : memref<160xf32, #tpu.memory_space<vmem>>, vector<16xf32>,
    tpu.vector_store %arg9[%swap3A_41], %broadcast_in_dim3A_1 {strides = array<i32>} : memref<160xf32, #tpu.memory_space<vmem>>, vector<16xf32>,
    %swap3A_43 = arith.constant 64 : index
    %swap3A_44 = tpu.vector_load %arg10[%swap3A_43] {strides = array<i32>} : memref<160xf32, #tpu.memory_space<vmem>>, vector<16xf32>,
    tpu.vector_store %arg10[%swap3A_43], %broadcast_in_dim3A_1 {strides = array<i32>} : memref<160xf32, #tpu.memory_space<vmem>>, vector<16xf32>,
    %swap3A_45 = arith.constant 64 : index
    %swap3A_46 = tpu.vector_load %arg11[%swap3A_45] {strides = array<i32>} : memref<160xf32, #tpu.memory_space<vmem>>, vector<16xf32>,
    tpu.vector_store %arg11[%swap3A_45], %broadcast_in_dim3A_1 {strides = array<i32>} : memref<160xf32, #tpu.memory_space<vmem>>, vector<16xf32>,
    %swap3A_47 = arith.constant 64 : index
    %swap3A_48 = tpu.vector_load %arg12[%swap3A_47] {strides = array<i32>} : memref<160xf32, #tpu.memory_space<vmem>>, vector<16xf32>,
    tpu.vector_store %arg12[%swap3A_47], %broadcast_in_dim3A_1 {strides = array<i32>} : memref<160xf32, #tpu.memory_space<vmem>>, vector<16xf32>,
    %swap3A_49 = arith.constant 80 : index
    %swap3A_50 = tpu.vector_load %arg9[%swap3A_49] {strides = array<i32>} : memref<160xf32, #tpu.memory_space<vmem>>, vector<16xf32>,
    tpu.vector_store %arg9[%swap3A_49], %broadcast_in_dim3A_1 {strides = array<i32>} : memref<160xf32, #tpu.memory_space<vmem>>, vector<16xf32>,
    %swap3A_51 = arith.constant 80 : index
    %swap3A_52 = tpu.vector_load %arg10[%swap3A_51] {strides = array<i32>} : memref<160xf32, #tpu.memory_space<vmem>>, vector<16xf32>,
    tpu.vector_store %arg10[%swap3A_51], %broadcast_in_dim3A_1 {strides = array<i32>} : memref<160xf32, #tpu.memory_space<vmem>>, vector<16xf32>,
    %swap3A_53 = arith.constant 80 : index
    %swap3A_54 = tpu.vector_load %arg11[%swap3A_53] {strides = array<i32>} : memref<160xf32, #tpu.memory_space<vmem>>, vector<16xf32>,
    tpu.vector_store %arg11[%swap3A_53], %broadcast_in_dim3A_1 {strides = array<i32>} : memref<160xf32, #tpu.memory_space<vmem>>, vector<16xf32>,
    %swap3A_55 = arith.constant 80 : index
    %swap3A_56 = tpu.vector_load %arg12[%swap3A_55] {strides = array<i32>} : memref<160xf32, #tpu.memory_space<vmem>>, vector<16xf32>,
    tpu.vector_store %arg12[%swap3A_55], %broadcast_in_dim3A_1 {strides = array<i32>} : memref<160xf32, #tpu.memory_space<vmem>>, vector<16xf32>,
    %swap3A_57 = arith.constant 96 : index
    %swap3A_58 = tpu.vector_load %arg9[%swap3A_57] {strides = array<i32>} : memref<160xf32, #tpu.memory_space<vmem>>, vector<16xf32>,
    tpu.vector_store %arg9[%swap3A_57], %broadcast_in_dim3A_1 {strides = array<i32>} : memref<160xf32, #tpu.memory_space<vmem>>, vector<16xf32>,
    %swap3A_59 = arith.constant 96 : index
    %swap3A_60 = tpu.vector_load %arg10[%swap3A_59] {strides = array<i32>} : memref<160xf32, #tpu.memory_space<vmem>>, vector<16xf32>,
    tpu.vector_store %arg10[%swap3A_59], %broadcast_in_dim3A_1 {strides = array<i32>} : memref<160xf32, #tpu.memory_space<vmem>>, vector<16xf32>,
    %swap3A_61 = arith.constant 96 : index
    %swap3A_62 = tpu.vector_load %arg11[%swap3A_61] {strides = array<i32>} : memref<160xf32, #tpu.memory_space<vmem>>, vector<16xf32>,
    tpu.vector_store %arg11[%swap3A_61], %broadcast_in_dim3A_1 {strides = array<i32>} : memref<160xf32, #tpu.memory_space<vmem>>, vector<16xf32>,
    %swap3A_63 = arith.constant 96 : index
    %swap3A_64 = tpu.vector_load %arg12[%swap3A_63] {strides = array<i32>} : memref<160xf32, #tpu.memory_space<vmem>>, vector<16xf32>,
    tpu.vector_store %arg12[%swap3A_63], %broadcast_in_dim3A_1 {strides = array<i32>} : memref<160xf32, #tpu.memory_space<vmem>>, vector<16xf32>,
    %swap3A_65 = arith.constant 112 : index
    %swap3A_66 = tpu.vector_load %arg9[%swap3A_65] {strides = array<i32>} : memref<160xf32, #tpu.memory_space<vmem>>, vector<16xf32>,
    tpu.vector_store %arg9[%swap3A_65], %broadcast_in_dim3A_1 {strides = array<i32>} : memref<160xf32, #tpu.memory_space<vmem>>, vector<16xf32>,
    %swap3A_67 = arith.constant 112 : index
    %swap3A_68 = tpu.vector_load %arg10[%swap3A_67] {strides = array<i32>} : memref<160xf32, #tpu.memory_space<vmem>>, vector<16xf32>,
    tpu.vector_store %arg10[%swap3A_67], %broadcast_in_dim3A_1 {strides = array<i32>} : memref<160xf32, #tpu.memory_space<vmem>>, vector<16xf32>,
    %swap3A_69 = arith.constant 112 : index
    %swap3A_70 = tpu.vector_load %arg11[%swap3A_69] {strides = array<i32>} : memref<160xf32, #tpu.memory_space<vmem>>, vector<16xf32>,
    tpu.vector_store %arg11[%swap3A_69], %broadcast_in_dim3A_1 {strides = array<i32>} : memref<160xf32, #tpu.memory_space<vmem>>, vector<16xf32>,
    %swap3A_71 = arith.constant 112 : index
    %swap3A_72 = tpu.vector_load %arg12[%swap3A_71] {strides = array<i32>} : memref<160xf32, #tpu.memory_space<vmem>>, vector<16xf32>,
    tpu.vector_store %arg12[%swap3A_71], %broadcast_in_dim3A_1 {strides = array<i32>} : memref<160xf32, #tpu.memory_space<vmem>>, vector<16xf32>,
    %swap3A_73 = arith.constant 128 : index
    %swap3A_74 = tpu.vector_load %arg9[%swap3A_73] {strides = array<i32>} : memref<160xf32, #tpu.memory_space<vmem>>, vector<16xf32>,
    tpu.vector_store %arg9[%swap3A_73], %broadcast_in_dim3A_1 {strides = array<i32>} : memref<160xf32, #tpu.memory_space<vmem>>, vector<16xf32>,
    %swap3A_75 = arith.constant 128 : index
    %swap3A_76 = tpu.vector_load %arg10[%swap3A_75] {strides = array<i32>} : memref<160xf32, #tpu.memory_space<vmem>>, vector<16xf32>,
    tpu.vector_store %arg10[%swap3A_75], %broadcast_in_dim3A_1 {strides = array<i32>} : memref<160xf32, #tpu.memory_space<vmem>>, vector<16xf32>,
    %swap3A_77 = arith.constant 128 : index
    %swap3A_78 = tpu.vector_load %arg11[%swap3A_77] {strides = array<i32>} : memref<160xf32, #tpu.memory_space<vmem>>, vector<16xf32>,
    tpu.vector_store %arg11[%swap3A_77], %broadcast_in_dim3A_1 {strides = array<i32>} : memref<160xf32, #tpu.memory_space<vmem>>, vector<16xf32>,
    %swap3A_79 = arith.constant 128 : index
    %swap3A_80 = tpu.vector_load %arg12[%swap3A_79] {strides = array<i32>} : memref<160xf32, #tpu.memory_space<vmem>>, vector<16xf32>,
    tpu.vector_store %arg12[%swap3A_79], %broadcast_in_dim3A_1 {strides = array<i32>} : memref<160xf32, #tpu.memory_space<vmem>>, vector<16xf32>,
    %swap3A_81 = arith.constant 144 : index
    %swap3A_82 = tpu.vector_load %arg9[%swap3A_81] {strides = array<i32>} : memref<160xf32, #tpu.memory_space<vmem>>, vector<16xf32>,
    tpu.vector_store %arg9[%swap3A_81], %broadcast_in_dim3A_1 {strides = array<i32>} : memref<160xf32, #tpu.memory_space<vmem>>, vector<16xf32>,
    %swap3A_83 = arith.constant 144 : index
    %swap3A_84 = tpu.vector_load %arg10[%swap3A_83] {strides = array<i32>} : memref<160xf32, #tpu.memory_space<vmem>>, vector<16xf32>,
    tpu.vector_store %arg10[%swap3A_83], %broadcast_in_dim3A_1 {strides = array<i32>} : memref<160xf32, #tpu.memory_space<vmem>>, vector<16xf32>,
    %swap3A_85 = arith.constant 144 : index
    %swap3A_86 = tpu.vector_load %arg11[%swap3A_85] {strides = array<i32>} : memref<160xf32, #tpu.memory_space<vmem>>, vector<16xf32>,
    tpu.vector_store %arg11[%swap3A_85], %broadcast_in_dim3A_1 {strides = array<i32>} : memref<160xf32, #tpu.memory_space<vmem>>, vector<16xf32>,
    %swap3A_87 = arith.constant 144 : index
    %swap3A_88 = tpu.vector_load %arg12[%swap3A_87] {strides = array<i32>} : memref<160xf32, #tpu.memory_space<vmem>>, vector<16xf32>,
    tpu.vector_store %arg12[%swap3A_87], %broadcast_in_dim3A_1 {strides = array<i32>} : memref<160xf32, #tpu.memory_space<vmem>>, vector<16xf32>,
    %mul3A_89 = arith.constant 65536 : i32
    %mul3A_90 = arith.muli %add3A, %mul3A_89 : i32
    %add3A_91 = arith.constant 0 : i32
    %add3A_92 = arith.addi %mul3A_90, %add3A_91 : i32
    %mul3A_93 = arith.constant 2 : i32
    %mul3A_94 = arith.muli %mul3A_93, %add3A_92 : i32
    %dma_start3A = tpu.memref_slice %arg2[%mul3A_94] : memref<4194304xf32, #tpu.memory_space<hbm>> -> memref<32768xf32, #tpu.memory_space<hbm>>
    %dma_start3A_95 = tpu.memref_slice %arg2[%mul3A_94] : memref<4194304xf32, #tpu.memory_space<hbm>> -> memref<32768xf32, #tpu.memory_space<hbm>>
    tpu.enqueue_dma source(%dma_start3A_95 : memref<32768xf32, #tpu.memory_space<hbm>>) target(%arg5 : memref<32768xf32, #tpu.memory_space<vmem>>) target_semaphore(%arg13 : memref<!tpu.dma_semaphore, #tpu.memory_space<semaphore_mem>>)
    %dma_start3A_96 = tpu.memref_slice %arg3[%add3A_92] : memref<2097152xi32, #tpu.memory_space<hbm>> -> memref<16384xi32, #tpu.memory_space<hbm>>
    %dma_start3A_97 = tpu.memref_slice %arg3[%add3A_92] : memref<2097152xi32, #tpu.memory_space<hbm>> -> memref<16384xi32, #tpu.memory_space<hbm>>
    tpu.enqueue_dma source(%dma_start3A_97 : memref<16384xi32, #tpu.memory_space<hbm>>) target(%arg6 : memref<16384xi32, #tpu.memory_space<vmem>>) target_semaphore(%arg13 : memref<!tpu.dma_semaphore, #tpu.memory_space<semaphore_mem>>)
    %add3A_98 = arith.constant 16384 : i32
    %add3A_99 = arith.addi %mul3A_90, %add3A_98 : i32
    %mul3A_100 = arith.constant 2 : i32
    %mul3A_101 = arith.muli %mul3A_100, %add3A_99 : i32
    %dma_start3A_102 = tpu.memref_slice %arg2[%mul3A_101] : memref<4194304xf32, #tpu.memory_space<hbm>> -> memref<32768xf32, #tpu.memory_space<hbm>>
    %dma_start3A_103 = tpu.memref_slice %arg2[%mul3A_101] : memref<4194304xf32, #tpu.memory_space<hbm>> -> memref<32768xf32, #tpu.memory_space<hbm>>
    tpu.enqueue_dma source(%dma_start3A_103 : memref<32768xf32, #tpu.memory_space<hbm>>) target(%arg7 : memref<32768xf32, #tpu.memory_space<vmem>>) target_semaphore(%arg14 : memref<!tpu.dma_semaphore, #tpu.memory_space<semaphore_mem>>)
    %dma_start3A_104 = tpu.memref_slice %arg3[%add3A_99] : memref<2097152xi32, #tpu.memory_space<hbm>> -> memref<16384xi32, #tpu.memory_space<hbm>>
    %dma_start3A_105 = tpu.memref_slice %arg3[%add3A_99] : memref<2097152xi32, #tpu.memory_space<hbm>> -> memref<16384xi32, #tpu.memory_space<hbm>>
    tpu.enqueue_dma source(%dma_start3A_105 : memref<16384xi32, #tpu.memory_space<hbm>>) target(%arg8 : memref<16384xi32, #tpu.memory_space<vmem>>) target_semaphore(%arg14 : memref<!tpu.dma_semaphore, #tpu.memory_space<semaphore_mem>>)
    %scan3A = arith.constant 0 : i32
    %scan3A_106 = arith.constant 0 : i32
    %scan3A_107 = arith.constant 2 : i32
    %scan3A_108 = arith.addi %scan3A_106, %scan3A_107 : i32
    %scan3A_109 = arith.constant 1 : i32
    %scan3A_110 = scf.for %scan3A_252 = %scan3A_106 to %scan3A_108 step %scan3A_109 iter_args(%scan3A_253 = %scan3A) -> (i32)  : i32 {
      %dma_wait3A = arith.constant 0 : i32
      %dma_wait3A_254 = tpu.memref_slice %arg2[%dma_wait3A] : memref<4194304xf32, #tpu.memory_space<hbm>> -> memref<32768xf32, #tpu.memory_space<hbm>>
      %dma_wait3A_255 = arith.constant 0 : i32
      %dma_wait3A_256 = tpu.memref_slice %arg2[%dma_wait3A_255] : memref<4194304xf32, #tpu.memory_space<hbm>> -> memref<32768xf32, #tpu.memory_space<hbm>>
      tpu.wait_dma2 semaphore(%arg13 : memref<!tpu.dma_semaphore, #tpu.memory_space<semaphore_mem>>) src(%dma_wait3A_256 : memref<32768xf32, #tpu.memory_space<hbm>>) dst(%arg5 : memref<32768xf32, #tpu.memory_space<vmem>>)
      %dma_wait3A_257 = arith.constant 0 : i32
      %dma_wait3A_258 = tpu.memref_slice %arg3[%dma_wait3A_257] : memref<2097152xi32, #tpu.memory_space<hbm>> -> memref<16384xi32, #tpu.memory_space<hbm>>
      %dma_wait3A_259 = arith.constant 0 : i32
      %dma_wait3A_260 = tpu.memref_slice %arg3[%dma_wait3A_259] : memref<2097152xi32, #tpu.memory_space<hbm>> -> memref<16384xi32, #tpu.memory_space<hbm>>
      tpu.wait_dma2 semaphore(%arg13 : memref<!tpu.dma_semaphore, #tpu.memory_space<semaphore_mem>>) src(%dma_wait3A_260 : memref<16384xi32, #tpu.memory_space<hbm>>) dst(%arg6 : memref<16384xi32, #tpu.memory_space<vmem>>)
      %parallel_loop3A = arith.constant 0 : i32
      %parallel_loop3A_261 = arith.constant 128 : i32
      %parallel_loop3A_262 = arith.constant 1 : i32
      scf.for %parallel_loop3A_286 = %parallel_loop3A to %parallel_loop3A_261 step %parallel_loop3A_262  : i32 {
        %parallel_loop3A_287 = arith.constant 256 : i32
        %parallel_loop3A_288 = arith.muli %parallel_loop3A_286, %parallel_loop3A_287 : i32
        %parallel_loop3A_289 = arith.constant 128 : i32
        %parallel_loop3A_290 = arith.muli %parallel_loop3A_286, %parallel_loop3A_289 : i32
        %parallel_loop3A_291 = arith.constant 0 : i32
        %parallel_loop3A_292 = arith.addi %parallel_loop3A_288, %parallel_loop3A_291 : i32
        %parallel_loop3A_293 = arith.index_cast %parallel_loop3A_292 : i32 to index
        %parallel_loop3A_294 = tpu.vector_load %arg5[%parallel_loop3A_293] {strides = array<i32>} : memref<32768xf32, #tpu.memory_space<vmem>>, vector<16xf32>,
        %parallel_loop3A_295 = arith.constant 128 : i32
        %parallel_loop3A_296 = arith.addi %parallel_loop3A_288, %parallel_loop3A_295 : i32
        %parallel_loop3A_297 = arith.constant 0 : i32
        %parallel_loop3A_298 = arith.addi %parallel_loop3A_296, %parallel_loop3A_297 : i32
        %parallel_loop3A_299 = arith.index_cast %parallel_loop3A_298 : i32 to index
        %parallel_loop3A_300 = tpu.vector_load %arg5[%parallel_loop3A_299] {strides = array<i32>} : memref<32768xf32, #tpu.memory_space<vmem>>, vector<16xf32>,
        %parallel_loop3A_301 = arith.constant 0 : i32
        %parallel_loop3A_302 = arith.addi %parallel_loop3A_290, %parallel_loop3A_301 : i32
        %parallel_loop3A_303 = arith.index_cast %parallel_loop3A_302 : i32 to index
        %parallel_loop3A_304 = tpu.vector_load %arg6[%parallel_loop3A_303] {strides = array<i32>} : memref<16384xi32, #tpu.memory_space<vmem>>, vector<16xi32>,
        %parallel_loop3A_305 = arith.constant 0 : i32
        %parallel_loop3A_306 = vector.broadcast %parallel_loop3A_305 : i32 to vector<16xi32>
        %parallel_loop3A_307 = arith.cmpi eq, %parallel_loop3A_304, %parallel_loop3A_306 : vector<16xi32>
        %parallel_loop3A_308 = arith.subf %broadcast_in_dim3A_5, %parallel_loop3A_294 : vector<16xf32>
        %parallel_loop3A_309 = arith.select %parallel_loop3A_307, %parallel_loop3A_308, %parallel_loop3A_294 : vector<16xi1>, vector<16xf32>
        %parallel_loop3A_310 = arith.subf %broadcast_in_dim3A_5, %parallel_loop3A_300 : vector<16xf32>
        %parallel_loop3A_311 = arith.select %parallel_loop3A_307, %parallel_loop3A_300, %parallel_loop3A_310 : vector<16xi1>, vector<16xf32>
        %parallel_loop3A_312 = arith.select %parallel_loop3A_307, %parallel_loop3A_294, %parallel_loop3A_300 : vector<16xi1>, vector<16xf32>
        %parallel_loop3A_313 = arith.mulf %parallel_loop3A_309, %broadcast_in_dim3A_7 : vector<16xf32>
        %parallel_loop3A_314 = arith.minimumf %parallel_loop3A_313, %broadcast_in_dim3A_9 : vector<16xf32>
        %parallel_loop3A_315 = arith.fptosi %parallel_loop3A_314 : vector<16xf32> to vector<16xi32>
        %parallel_loop3A_316 = arith.mulf %parallel_loop3A_311, %broadcast_in_dim3A_7 : vector<16xf32>
        %parallel_loop3A_317 = arith.minimumf %parallel_loop3A_316, %broadcast_in_dim3A_9 : vector<16xf32>
        %parallel_loop3A_318 = arith.fptosi %parallel_loop3A_317 : vector<16xf32> to vector<16xi32>
        %parallel_loop3A_319 = arith.constant 16 : i32
        %parallel_loop3A_320 = vector.broadcast %parallel_loop3A_319 : i32 to vector<16xi32>
        %parallel_loop3A_321 = arith.muli %parallel_loop3A_315, %parallel_loop3A_320 : vector<16xi32>
        %parallel_loop3A_322 = arith.addi %parallel_loop3A_321, %iota3A : vector<16xi32>
        %parallel_loop3A_323 = arith.constant 16 : i32
        %parallel_loop3A_324 = vector.broadcast %parallel_loop3A_323 : i32 to vector<16xi32>
        %parallel_loop3A_325 = arith.muli %parallel_loop3A_318, %parallel_loop3A_324 : vector<16xi32>
        %parallel_loop3A_326 = arith.addi %parallel_loop3A_325, %iota3A : vector<16xi32>
        tpu.vector_store_idx %arg9[%parallel_loop3A_322], %broadcast_in_dim3A_3 {add = true} : memref<160xf32, #tpu.memory_space<vmem>>[vector<16xi32>], vector<16xf32>,
        tpu.vector_store_idx %arg11[%parallel_loop3A_322], %parallel_loop3A_312 {add = true} : memref<160xf32, #tpu.memory_space<vmem>>[vector<16xi32>], vector<16xf32>,
        tpu.vector_store_idx %arg10[%parallel_loop3A_326], %broadcast_in_dim3A_3 {add = true} : memref<160xf32, #tpu.memory_space<vmem>>[vector<16xi32>], vector<16xf32>,
        tpu.vector_store_idx %arg12[%parallel_loop3A_326], %parallel_loop3A_312 {add = true} : memref<160xf32, #tpu.memory_space<vmem>>[vector<16xi32>], vector<16xf32>,
        %parallel_loop3A_327 = arith.constant 16 : i32
        %parallel_loop3A_328 = arith.addi %parallel_loop3A_288, %parallel_loop3A_327 : i32
        %parallel_loop3A_329 = arith.index_cast %parallel_loop3A_328 : i32 to index
        %parallel_loop3A_330 = tpu.vector_load %arg5[%parallel_loop3A_329] {strides = array<i32>} : memref<32768xf32, #tpu.memory_space<vmem>>, vector<16xf32>,
        %parallel_loop3A_331 = arith.constant 128 : i32
        %parallel_loop3A_332 = arith.addi %parallel_loop3A_288, %parallel_loop3A_331 : i32
        %parallel_loop3A_333 = arith.constant 16 : i32
        %parallel_loop3A_334 = arith.addi %parallel_loop3A_332, %parallel_loop3A_333 : i32
        %parallel_loop3A_335 = arith.index_cast %parallel_loop3A_334 : i32 to index
        %parallel_loop3A_336 = tpu.vector_load %arg5[%parallel_loop3A_335] {strides = array<i32>} : memref<32768xf32, #tpu.memory_space<vmem>>, vector<16xf32>,
        %parallel_loop3A_337 = arith.constant 16 : i32
        %parallel_loop3A_338 = arith.addi %parallel_loop3A_290, %parallel_loop3A_337 : i32
        %parallel_loop3A_339 = arith.index_cast %parallel_loop3A_338 : i32 to index
        %parallel_loop3A_340 = tpu.vector_load %arg6[%parallel_loop3A_339] {strides = array<i32>} : memref<16384xi32, #tpu.memory_space<vmem>>, vector<16xi32>,
        %parallel_loop3A_341 = arith.constant 0 : i32
        %parallel_loop3A_342 = vector.broadcast %parallel_loop3A_341 : i32 to vector<16xi32>
        %parallel_loop3A_343 = arith.cmpi eq, %parallel_loop3A_340, %parallel_loop3A_342 : vector<16xi32>
        %parallel_loop3A_344 = arith.subf %broadcast_in_dim3A_5, %parallel_loop3A_330 : vector<16xf32>
        %parallel_loop3A_345 = arith.select %parallel_loop3A_343, %parallel_loop3A_344, %parallel_loop3A_330 : vector<16xi1>, vector<16xf32>
        %parallel_loop3A_346 = arith.subf %broadcast_in_dim3A_5, %parallel_loop3A_336 : vector<16xf32>
        %parallel_loop3A_347 = arith.select %parallel_loop3A_343, %parallel_loop3A_336, %parallel_loop3A_346 : vector<16xi1>, vector<16xf32>
        %parallel_loop3A_348 = arith.select %parallel_loop3A_343, %parallel_loop3A_330, %parallel_loop3A_336 : vector<16xi1>, vector<16xf32>
        %parallel_loop3A_349 = arith.mulf %parallel_loop3A_345, %broadcast_in_dim3A_7 : vector<16xf32>
        %parallel_loop3A_350 = arith.minimumf %parallel_loop3A_349, %broadcast_in_dim3A_9 : vector<16xf32>
        %parallel_loop3A_351 = arith.fptosi %parallel_loop3A_350 : vector<16xf32> to vector<16xi32>
        %parallel_loop3A_352 = arith.mulf %parallel_loop3A_347, %broadcast_in_dim3A_7 : vector<16xf32>
        %parallel_loop3A_353 = arith.minimumf %parallel_loop3A_352, %broadcast_in_dim3A_9 : vector<16xf32>
        %parallel_loop3A_354 = arith.fptosi %parallel_loop3A_353 : vector<16xf32> to vector<16xi32>
        %parallel_loop3A_355 = arith.constant 16 : i32
        %parallel_loop3A_356 = vector.broadcast %parallel_loop3A_355 : i32 to vector<16xi32>
        %parallel_loop3A_357 = arith.muli %parallel_loop3A_351, %parallel_loop3A_356 : vector<16xi32>
        %parallel_loop3A_358 = arith.addi %parallel_loop3A_357, %iota3A : vector<16xi32>
        %parallel_loop3A_359 = arith.constant 16 : i32
        %parallel_loop3A_360 = vector.broadcast %parallel_loop3A_359 : i32 to vector<16xi32>
        %parallel_loop3A_361 = arith.muli %parallel_loop3A_354, %parallel_loop3A_360 : vector<16xi32>
        %parallel_loop3A_362 = arith.addi %parallel_loop3A_361, %iota3A : vector<16xi32>
        tpu.vector_store_idx %arg9[%parallel_loop3A_358], %broadcast_in_dim3A_3 {add = true} : memref<160xf32, #tpu.memory_space<vmem>>[vector<16xi32>], vector<16xf32>,
        tpu.vector_store_idx %arg11[%parallel_loop3A_358], %parallel_loop3A_348 {add = true} : memref<160xf32, #tpu.memory_space<vmem>>[vector<16xi32>], vector<16xf32>,
        tpu.vector_store_idx %arg10[%parallel_loop3A_362], %broadcast_in_dim3A_3 {add = true} : memref<160xf32, #tpu.memory_space<vmem>>[vector<16xi32>], vector<16xf32>,
        tpu.vector_store_idx %arg12[%parallel_loop3A_362], %parallel_loop3A_348 {add = true} : memref<160xf32, #tpu.memory_space<vmem>>[vector<16xi32>], vector<16xf32>,
        %parallel_loop3A_363 = arith.constant 32 : i32
        %parallel_loop3A_364 = arith.addi %parallel_loop3A_288, %parallel_loop3A_363 : i32
        %parallel_loop3A_365 = arith.index_cast %parallel_loop3A_364 : i32 to index
        %parallel_loop3A_366 = tpu.vector_load %arg5[%parallel_loop3A_365] {strides = array<i32>} : memref<32768xf32, #tpu.memory_space<vmem>>, vector<16xf32>,
        %parallel_loop3A_367 = arith.constant 128 : i32
        %parallel_loop3A_368 = arith.addi %parallel_loop3A_288, %parallel_loop3A_367 : i32
        %parallel_loop3A_369 = arith.constant 32 : i32
        %parallel_loop3A_370 = arith.addi %parallel_loop3A_368, %parallel_loop3A_369 : i32
        %parallel_loop3A_371 = arith.index_cast %parallel_loop3A_370 : i32 to index
        %parallel_loop3A_372 = tpu.vector_load %arg5[%parallel_loop3A_371] {strides = array<i32>} : memref<32768xf32, #tpu.memory_space<vmem>>, vector<16xf32>,
        %parallel_loop3A_373 = arith.constant 32 : i32
        %parallel_loop3A_374 = arith.addi %parallel_loop3A_290, %parallel_loop3A_373 : i32
        %parallel_loop3A_375 = arith.index_cast %parallel_loop3A_374 : i32 to index
        %parallel_loop3A_376 = tpu.vector_load %arg6[%parallel_loop3A_375] {strides = array<i32>} : memref<16384xi32, #tpu.memory_space<vmem>>, vector<16xi32>,
        %parallel_loop3A_377 = arith.constant 0 : i32
        %parallel_loop3A_378 = vector.broadcast %parallel_loop3A_377 : i32 to vector<16xi32>
        %parallel_loop3A_379 = arith.cmpi eq, %parallel_loop3A_376, %parallel_loop3A_378 : vector<16xi32>
        %parallel_loop3A_380 = arith.subf %broadcast_in_dim3A_5, %parallel_loop3A_366 : vector<16xf32>
        %parallel_loop3A_381 = arith.select %parallel_loop3A_379, %parallel_loop3A_380, %parallel_loop3A_366 : vector<16xi1>, vector<16xf32>
        %parallel_loop3A_382 = arith.subf %broadcast_in_dim3A_5, %parallel_loop3A_372 : vector<16xf32>
        %parallel_loop3A_383 = arith.select %parallel_loop3A_379, %parallel_loop3A_372, %parallel_loop3A_382 : vector<16xi1>, vector<16xf32>
        %parallel_loop3A_384 = arith.select %parallel_loop3A_379, %parallel_loop3A_366, %parallel_loop3A_372 : vector<16xi1>, vector<16xf32>
        %parallel_loop3A_385 = arith.mulf %parallel_loop3A_381, %broadcast_in_dim3A_7 : vector<16xf32>
        %parallel_loop3A_386 = arith.minimumf %parallel_loop3A_385, %broadcast_in_dim3A_9 : vector<16xf32>
        %parallel_loop3A_387 = arith.fptosi %parallel_loop3A_386 : vector<16xf32> to vector<16xi32>
        %parallel_loop3A_388 = arith.mulf %parallel_loop3A_383, %broadcast_in_dim3A_7 : vector<16xf32>
        %parallel_loop3A_389 = arith.minimumf %parallel_loop3A_388, %broadcast_in_dim3A_9 : vector<16xf32>
        %parallel_loop3A_390 = arith.fptosi %parallel_loop3A_389 : vector<16xf32> to vector<16xi32>
        %parallel_loop3A_391 = arith.constant 16 : i32
        %parallel_loop3A_392 = vector.broadcast %parallel_loop3A_391 : i32 to vector<16xi32>
        %parallel_loop3A_393 = arith.muli %parallel_loop3A_387, %parallel_loop3A_392 : vector<16xi32>
        %parallel_loop3A_394 = arith.addi %parallel_loop3A_393, %iota3A : vector<16xi32>
        %parallel_loop3A_395 = arith.constant 16 : i32
        %parallel_loop3A_396 = vector.broadcast %parallel_loop3A_395 : i32 to vector<16xi32>
        %parallel_loop3A_397 = arith.muli %parallel_loop3A_390, %parallel_loop3A_396 : vector<16xi32>
        %parallel_loop3A_398 = arith.addi %parallel_loop3A_397, %iota3A : vector<16xi32>
        tpu.vector_store_idx %arg9[%parallel_loop3A_394], %broadcast_in_dim3A_3 {add = true} : memref<160xf32, #tpu.memory_space<vmem>>[vector<16xi32>], vector<16xf32>,
        tpu.vector_store_idx %arg11[%parallel_loop3A_394], %parallel_loop3A_384 {add = true} : memref<160xf32, #tpu.memory_space<vmem>>[vector<16xi32>], vector<16xf32>,
        tpu.vector_store_idx %arg10[%parallel_loop3A_398], %broadcast_in_dim3A_3 {add = true} : memref<160xf32, #tpu.memory_space<vmem>>[vector<16xi32>], vector<16xf32>,
        tpu.vector_store_idx %arg12[%parallel_loop3A_398], %parallel_loop3A_384 {add = true} : memref<160xf32, #tpu.memory_space<vmem>>[vector<16xi32>], vector<16xf32>,
        %parallel_loop3A_399 = arith.constant 48 : i32
        %parallel_loop3A_400 = arith.addi %parallel_loop3A_288, %parallel_loop3A_399 : i32
        %parallel_loop3A_401 = arith.index_cast %parallel_loop3A_400 : i32 to index
        %parallel_loop3A_402 = tpu.vector_load %arg5[%parallel_loop3A_401] {strides = array<i32>} : memref<32768xf32, #tpu.memory_space<vmem>>, vector<16xf32>,
        %parallel_loop3A_403 = arith.constant 128 : i32
        %parallel_loop3A_404 = arith.addi %parallel_loop3A_288, %parallel_loop3A_403 : i32
        %parallel_loop3A_405 = arith.constant 48 : i32
        %parallel_loop3A_406 = arith.addi %parallel_loop3A_404, %parallel_loop3A_405 : i32
        %parallel_loop3A_407 = arith.index_cast %parallel_loop3A_406 : i32 to index
        %parallel_loop3A_408 = tpu.vector_load %arg5[%parallel_loop3A_407] {strides = array<i32>} : memref<32768xf32, #tpu.memory_space<vmem>>, vector<16xf32>,
        %parallel_loop3A_409 = arith.constant 48 : i32
        %parallel_loop3A_410 = arith.addi %parallel_loop3A_290, %parallel_loop3A_409 : i32
        %parallel_loop3A_411 = arith.index_cast %parallel_loop3A_410 : i32 to index
        %parallel_loop3A_412 = tpu.vector_load %arg6[%parallel_loop3A_411] {strides = array<i32>} : memref<16384xi32, #tpu.memory_space<vmem>>, vector<16xi32>,
        %parallel_loop3A_413 = arith.constant 0 : i32
        %parallel_loop3A_414 = vector.broadcast %parallel_loop3A_413 : i32 to vector<16xi32>
        %parallel_loop3A_415 = arith.cmpi eq, %parallel_loop3A_412, %parallel_loop3A_414 : vector<16xi32>
        %parallel_loop3A_416 = arith.subf %broadcast_in_dim3A_5, %parallel_loop3A_402 : vector<16xf32>
        %parallel_loop3A_417 = arith.select %parallel_loop3A_415, %parallel_loop3A_416, %parallel_loop3A_402 : vector<16xi1>, vector<16xf32>
        %parallel_loop3A_418 = arith.subf %broadcast_in_dim3A_5, %parallel_loop3A_408 : vector<16xf32>
        %parallel_loop3A_419 = arith.select %parallel_loop3A_415, %parallel_loop3A_408, %parallel_loop3A_418 : vector<16xi1>, vector<16xf32>
        %parallel_loop3A_420 = arith.select %parallel_loop3A_415, %parallel_loop3A_402, %parallel_loop3A_408 : vector<16xi1>, vector<16xf32>
        %parallel_loop3A_421 = arith.mulf %parallel_loop3A_417, %broadcast_in_dim3A_7 : vector<16xf32>
        %parallel_loop3A_422 = arith.minimumf %parallel_loop3A_421, %broadcast_in_dim3A_9 : vector<16xf32>
        %parallel_loop3A_423 = arith.fptosi %parallel_loop3A_422 : vector<16xf32> to vector<16xi32>
        %parallel_loop3A_424 = arith.mulf %parallel_loop3A_419, %broadcast_in_dim3A_7 : vector<16xf32>
        %parallel_loop3A_425 = arith.minimumf %parallel_loop3A_424, %broadcast_in_dim3A_9 : vector<16xf32>
        %parallel_loop3A_426 = arith.fptosi %parallel_loop3A_425 : vector<16xf32> to vector<16xi32>
        %parallel_loop3A_427 = arith.constant 16 : i32
        %parallel_loop3A_428 = vector.broadcast %parallel_loop3A_427 : i32 to vector<16xi32>
        %parallel_loop3A_429 = arith.muli %parallel_loop3A_423, %parallel_loop3A_428 : vector<16xi32>
        %parallel_loop3A_430 = arith.addi %parallel_loop3A_429, %iota3A : vector<16xi32>
        %parallel_loop3A_431 = arith.constant 16 : i32
        %parallel_loop3A_432 = vector.broadcast %parallel_loop3A_431 : i32 to vector<16xi32>
        %parallel_loop3A_433 = arith.muli %parallel_loop3A_426, %parallel_loop3A_432 : vector<16xi32>
        %parallel_loop3A_434 = arith.addi %parallel_loop3A_433, %iota3A : vector<16xi32>
        tpu.vector_store_idx %arg9[%parallel_loop3A_430], %broadcast_in_dim3A_3 {add = true} : memref<160xf32, #tpu.memory_space<vmem>>[vector<16xi32>], vector<16xf32>,
        tpu.vector_store_idx %arg11[%parallel_loop3A_430], %parallel_loop3A_420 {add = true} : memref<160xf32, #tpu.memory_space<vmem>>[vector<16xi32>], vector<16xf32>,
        tpu.vector_store_idx %arg10[%parallel_loop3A_434], %broadcast_in_dim3A_3 {add = true} : memref<160xf32, #tpu.memory_space<vmem>>[vector<16xi32>], vector<16xf32>,
        tpu.vector_store_idx %arg12[%parallel_loop3A_434], %parallel_loop3A_420 {add = true} : memref<160xf32, #tpu.memory_space<vmem>>[vector<16xi32>], vector<16xf32>,
        %parallel_loop3A_435 = arith.constant 64 : i32
        %parallel_loop3A_436 = arith.addi %parallel_loop3A_288, %parallel_loop3A_435 : i32
        %parallel_loop3A_437 = arith.index_cast %parallel_loop3A_436 : i32 to index
        %parallel_loop3A_438 = tpu.vector_load %arg5[%parallel_loop3A_437] {strides = array<i32>} : memref<32768xf32, #tpu.memory_space<vmem>>, vector<16xf32>,
        %parallel_loop3A_439 = arith.constant 128 : i32
        %parallel_loop3A_440 = arith.addi %parallel_loop3A_288, %parallel_loop3A_439 : i32
        %parallel_loop3A_441 = arith.constant 64 : i32
        %parallel_loop3A_442 = arith.addi %parallel_loop3A_440, %parallel_loop3A_441 : i32
        %parallel_loop3A_443 = arith.index_cast %parallel_loop3A_442 : i32 to index
        %parallel_loop3A_444 = tpu.vector_load %arg5[%parallel_loop3A_443] {strides = array<i32>} : memref<32768xf32, #tpu.memory_space<vmem>>, vector<16xf32>,
        %parallel_loop3A_445 = arith.constant 64 : i32
        %parallel_loop3A_446 = arith.addi %parallel_loop3A_290, %parallel_loop3A_445 : i32
        %parallel_loop3A_447 = arith.index_cast %parallel_loop3A_446 : i32 to index
        %parallel_loop3A_448 = tpu.vector_load %arg6[%parallel_loop3A_447] {strides = array<i32>} : memref<16384xi32, #tpu.memory_space<vmem>>, vector<16xi32>,
        %parallel_loop3A_449 = arith.constant 0 : i32
        %parallel_loop3A_450 = vector.broadcast %parallel_loop3A_449 : i32 to vector<16xi32>
        %parallel_loop3A_451 = arith.cmpi eq, %parallel_loop3A_448, %parallel_loop3A_450 : vector<16xi32>
        %parallel_loop3A_452 = arith.subf %broadcast_in_dim3A_5, %parallel_loop3A_438 : vector<16xf32>
        %parallel_loop3A_453 = arith.select %parallel_loop3A_451, %parallel_loop3A_452, %parallel_loop3A_438 : vector<16xi1>, vector<16xf32>
        %parallel_loop3A_454 = arith.subf %broadcast_in_dim3A_5, %parallel_loop3A_444 : vector<16xf32>
        %parallel_loop3A_455 = arith.select %parallel_loop3A_451, %parallel_loop3A_444, %parallel_loop3A_454 : vector<16xi1>, vector<16xf32>
        %parallel_loop3A_456 = arith.select %parallel_loop3A_451, %parallel_loop3A_438, %parallel_loop3A_444 : vector<16xi1>, vector<16xf32>
        %parallel_loop3A_457 = arith.mulf %parallel_loop3A_453, %broadcast_in_dim3A_7 : vector<16xf32>
        %parallel_loop3A_458 = arith.minimumf %parallel_loop3A_457, %broadcast_in_dim3A_9 : vector<16xf32>
        %parallel_loop3A_459 = arith.fptosi %parallel_loop3A_458 : vector<16xf32> to vector<16xi32>
        %parallel_loop3A_460 = arith.mulf %parallel_loop3A_455, %broadcast_in_dim3A_7 : vector<16xf32>
        %parallel_loop3A_461 = arith.minimumf %parallel_loop3A_460, %broadcast_in_dim3A_9 : vector<16xf32>
        %parallel_loop3A_462 = arith.fptosi %parallel_loop3A_461 : vector<16xf32> to vector<16xi32>
        %parallel_loop3A_463 = arith.constant 16 : i32
        %parallel_loop3A_464 = vector.broadcast %parallel_loop3A_463 : i32 to vector<16xi32>
        %parallel_loop3A_465 = arith.muli %parallel_loop3A_459, %parallel_loop3A_464 : vector<16xi32>
        %parallel_loop3A_466 = arith.addi %parallel_loop3A_465, %iota3A : vector<16xi32>
        %parallel_loop3A_467 = arith.constant 16 : i32
        %parallel_loop3A_468 = vector.broadcast %parallel_loop3A_467 : i32 to vector<16xi32>
        %parallel_loop3A_469 = arith.muli %parallel_loop3A_462, %parallel_loop3A_468 : vector<16xi32>
        %parallel_loop3A_470 = arith.addi %parallel_loop3A_469, %iota3A : vector<16xi32>
        tpu.vector_store_idx %arg9[%parallel_loop3A_466], %broadcast_in_dim3A_3 {add = true} : memref<160xf32, #tpu.memory_space<vmem>>[vector<16xi32>], vector<16xf32>,
        tpu.vector_store_idx %arg11[%parallel_loop3A_466], %parallel_loop3A_456 {add = true} : memref<160xf32, #tpu.memory_space<vmem>>[vector<16xi32>], vector<16xf32>,
        tpu.vector_store_idx %arg10[%parallel_loop3A_470], %broadcast_in_dim3A_3 {add = true} : memref<160xf32, #tpu.memory_space<vmem>>[vector<16xi32>], vector<16xf32>,
        tpu.vector_store_idx %arg12[%parallel_loop3A_470], %parallel_loop3A_456 {add = true} : memref<160xf32, #tpu.memory_space<vmem>>[vector<16xi32>], vector<16xf32>,
        %parallel_loop3A_471 = arith.constant 80 : i32
        %parallel_loop3A_472 = arith.addi %parallel_loop3A_288, %parallel_loop3A_471 : i32
        %parallel_loop3A_473 = arith.index_cast %parallel_loop3A_472 : i32 to index
        %parallel_loop3A_474 = tpu.vector_load %arg5[%parallel_loop3A_473] {strides = array<i32>} : memref<32768xf32, #tpu.memory_space<vmem>>, vector<16xf32>,
        %parallel_loop3A_475 = arith.constant 128 : i32
        %parallel_loop3A_476 = arith.addi %parallel_loop3A_288, %parallel_loop3A_475 : i32
        %parallel_loop3A_477 = arith.constant 80 : i32
        %parallel_loop3A_478 = arith.addi %parallel_loop3A_476, %parallel_loop3A_477 : i32
        %parallel_loop3A_479 = arith.index_cast %parallel_loop3A_478 : i32 to index
        %parallel_loop3A_480 = tpu.vector_load %arg5[%parallel_loop3A_479] {strides = array<i32>} : memref<32768xf32, #tpu.memory_space<vmem>>, vector<16xf32>,
        %parallel_loop3A_481 = arith.constant 80 : i32
        %parallel_loop3A_482 = arith.addi %parallel_loop3A_290, %parallel_loop3A_481 : i32
        %parallel_loop3A_483 = arith.index_cast %parallel_loop3A_482 : i32 to index
        %parallel_loop3A_484 = tpu.vector_load %arg6[%parallel_loop3A_483] {strides = array<i32>} : memref<16384xi32, #tpu.memory_space<vmem>>, vector<16xi32>,
        %parallel_loop3A_485 = arith.constant 0 : i32
        %parallel_loop3A_486 = vector.broadcast %parallel_loop3A_485 : i32 to vector<16xi32>
        %parallel_loop3A_487 = arith.cmpi eq, %parallel_loop3A_484, %parallel_loop3A_486 : vector<16xi32>
        %parallel_loop3A_488 = arith.subf %broadcast_in_dim3A_5, %parallel_loop3A_474 : vector<16xf32>
        %parallel_loop3A_489 = arith.select %parallel_loop3A_487, %parallel_loop3A_488, %parallel_loop3A_474 : vector<16xi1>, vector<16xf32>
        %parallel_loop3A_490 = arith.subf %broadcast_in_dim3A_5, %parallel_loop3A_480 : vector<16xf32>
        %parallel_loop3A_491 = arith.select %parallel_loop3A_487, %parallel_loop3A_480, %parallel_loop3A_490 : vector<16xi1>, vector<16xf32>
        %parallel_loop3A_492 = arith.select %parallel_loop3A_487, %parallel_loop3A_474, %parallel_loop3A_480 : vector<16xi1>, vector<16xf32>
        %parallel_loop3A_493 = arith.mulf %parallel_loop3A_489, %broadcast_in_dim3A_7 : vector<16xf32>
        %parallel_loop3A_494 = arith.minimumf %parallel_loop3A_493, %broadcast_in_dim3A_9 : vector<16xf32>
        %parallel_loop3A_495 = arith.fptosi %parallel_loop3A_494 : vector<16xf32> to vector<16xi32>
        %parallel_loop3A_496 = arith.mulf %parallel_loop3A_491, %broadcast_in_dim3A_7 : vector<16xf32>
        %parallel_loop3A_497 = arith.minimumf %parallel_loop3A_496, %broadcast_in_dim3A_9 : vector<16xf32>
        %parallel_loop3A_498 = arith.fptosi %parallel_loop3A_497 : vector<16xf32> to vector<16xi32>
        %parallel_loop3A_499 = arith.constant 16 : i32
        %parallel_loop3A_500 = vector.broadcast %parallel_loop3A_499 : i32 to vector<16xi32>
        %parallel_loop3A_501 = arith.muli %parallel_loop3A_495, %parallel_loop3A_500 : vector<16xi32>
        %parallel_loop3A_502 = arith.addi %parallel_loop3A_501, %iota3A : vector<16xi32>
        %parallel_loop3A_503 = arith.constant 16 : i32
        %parallel_loop3A_504 = vector.broadcast %parallel_loop3A_503 : i32 to vector<16xi32>
        %parallel_loop3A_505 = arith.muli %parallel_loop3A_498, %parallel_loop3A_504 : vector<16xi32>
        %parallel_loop3A_506 = arith.addi %parallel_loop3A_505, %iota3A : vector<16xi32>
        tpu.vector_store_idx %arg9[%parallel_loop3A_502], %broadcast_in_dim3A_3 {add = true} : memref<160xf32, #tpu.memory_space<vmem>>[vector<16xi32>], vector<16xf32>,
        tpu.vector_store_idx %arg11[%parallel_loop3A_502], %parallel_loop3A_492 {add = true} : memref<160xf32, #tpu.memory_space<vmem>>[vector<16xi32>], vector<16xf32>,
        tpu.vector_store_idx %arg10[%parallel_loop3A_506], %broadcast_in_dim3A_3 {add = true} : memref<160xf32, #tpu.memory_space<vmem>>[vector<16xi32>], vector<16xf32>,
        tpu.vector_store_idx %arg12[%parallel_loop3A_506], %parallel_loop3A_492 {add = true} : memref<160xf32, #tpu.memory_space<vmem>>[vector<16xi32>], vector<16xf32>,
        %parallel_loop3A_507 = arith.constant 96 : i32
        %parallel_loop3A_508 = arith.addi %parallel_loop3A_288, %parallel_loop3A_507 : i32
        %parallel_loop3A_509 = arith.index_cast %parallel_loop3A_508 : i32 to index
        %parallel_loop3A_510 = tpu.vector_load %arg5[%parallel_loop3A_509] {strides = array<i32>} : memref<32768xf32, #tpu.memory_space<vmem>>, vector<16xf32>,
        %parallel_loop3A_511 = arith.constant 128 : i32
        %parallel_loop3A_512 = arith.addi %parallel_loop3A_288, %parallel_loop3A_511 : i32
        %parallel_loop3A_513 = arith.constant 96 : i32
        %parallel_loop3A_514 = arith.addi %parallel_loop3A_512, %parallel_loop3A_513 : i32
        %parallel_loop3A_515 = arith.index_cast %parallel_loop3A_514 : i32 to index
        %parallel_loop3A_516 = tpu.vector_load %arg5[%parallel_loop3A_515] {strides = array<i32>} : memref<32768xf32, #tpu.memory_space<vmem>>, vector<16xf32>,
        %parallel_loop3A_517 = arith.constant 96 : i32
        %parallel_loop3A_518 = arith.addi %parallel_loop3A_290, %parallel_loop3A_517 : i32
        %parallel_loop3A_519 = arith.index_cast %parallel_loop3A_518 : i32 to index
        %parallel_loop3A_520 = tpu.vector_load %arg6[%parallel_loop3A_519] {strides = array<i32>} : memref<16384xi32, #tpu.memory_space<vmem>>, vector<16xi32>,
        %parallel_loop3A_521 = arith.constant 0 : i32
        %parallel_loop3A_522 = vector.broadcast %parallel_loop3A_521 : i32 to vector<16xi32>
        %parallel_loop3A_523 = arith.cmpi eq, %parallel_loop3A_520, %parallel_loop3A_522 : vector<16xi32>
        %parallel_loop3A_524 = arith.subf %broadcast_in_dim3A_5, %parallel_loop3A_510 : vector<16xf32>
        %parallel_loop3A_525 = arith.select %parallel_loop3A_523, %parallel_loop3A_524, %parallel_loop3A_510 : vector<16xi1>, vector<16xf32>
        %parallel_loop3A_526 = arith.subf %broadcast_in_dim3A_5, %parallel_loop3A_516 : vector<16xf32>
        %parallel_loop3A_527 = arith.select %parallel_loop3A_523, %parallel_loop3A_516, %parallel_loop3A_526 : vector<16xi1>, vector<16xf32>
        %parallel_loop3A_528 = arith.select %parallel_loop3A_523, %parallel_loop3A_510, %parallel_loop3A_516 : vector<16xi1>, vector<16xf32>
        %parallel_loop3A_529 = arith.mulf %parallel_loop3A_525, %broadcast_in_dim3A_7 : vector<16xf32>
        %parallel_loop3A_530 = arith.minimumf %parallel_loop3A_529, %broadcast_in_dim3A_9 : vector<16xf32>
        %parallel_loop3A_531 = arith.fptosi %parallel_loop3A_530 : vector<16xf32> to vector<16xi32>
        %parallel_loop3A_532 = arith.mulf %parallel_loop3A_527, %broadcast_in_dim3A_7 : vector<16xf32>
        %parallel_loop3A_533 = arith.minimumf %parallel_loop3A_532, %broadcast_in_dim3A_9 : vector<16xf32>
        %parallel_loop3A_534 = arith.fptosi %parallel_loop3A_533 : vector<16xf32> to vector<16xi32>
        %parallel_loop3A_535 = arith.constant 16 : i32
        %parallel_loop3A_536 = vector.broadcast %parallel_loop3A_535 : i32 to vector<16xi32>
        %parallel_loop3A_537 = arith.muli %parallel_loop3A_531, %parallel_loop3A_536 : vector<16xi32>
        %parallel_loop3A_538 = arith.addi %parallel_loop3A_537, %iota3A : vector<16xi32>
        %parallel_loop3A_539 = arith.constant 16 : i32
        %parallel_loop3A_540 = vector.broadcast %parallel_loop3A_539 : i32 to vector<16xi32>
        %parallel_loop3A_541 = arith.muli %parallel_loop3A_534, %parallel_loop3A_540 : vector<16xi32>
        %parallel_loop3A_542 = arith.addi %parallel_loop3A_541, %iota3A : vector<16xi32>
        tpu.vector_store_idx %arg9[%parallel_loop3A_538], %broadcast_in_dim3A_3 {add = true} : memref<160xf32, #tpu.memory_space<vmem>>[vector<16xi32>], vector<16xf32>,
        tpu.vector_store_idx %arg11[%parallel_loop3A_538], %parallel_loop3A_528 {add = true} : memref<160xf32, #tpu.memory_space<vmem>>[vector<16xi32>], vector<16xf32>,
        tpu.vector_store_idx %arg10[%parallel_loop3A_542], %broadcast_in_dim3A_3 {add = true} : memref<160xf32, #tpu.memory_space<vmem>>[vector<16xi32>], vector<16xf32>,
        tpu.vector_store_idx %arg12[%parallel_loop3A_542], %parallel_loop3A_528 {add = true} : memref<160xf32, #tpu.memory_space<vmem>>[vector<16xi32>], vector<16xf32>,
        %parallel_loop3A_543 = arith.constant 112 : i32
        %parallel_loop3A_544 = arith.addi %parallel_loop3A_288, %parallel_loop3A_543 : i32
        %parallel_loop3A_545 = arith.index_cast %parallel_loop3A_544 : i32 to index
        %parallel_loop3A_546 = tpu.vector_load %arg5[%parallel_loop3A_545] {strides = array<i32>} : memref<32768xf32, #tpu.memory_space<vmem>>, vector<16xf32>,
        %parallel_loop3A_547 = arith.constant 128 : i32
        %parallel_loop3A_548 = arith.addi %parallel_loop3A_288, %parallel_loop3A_547 : i32
        %parallel_loop3A_549 = arith.constant 112 : i32
        %parallel_loop3A_550 = arith.addi %parallel_loop3A_548, %parallel_loop3A_549 : i32
        %parallel_loop3A_551 = arith.index_cast %parallel_loop3A_550 : i32 to index
        %parallel_loop3A_552 = tpu.vector_load %arg5[%parallel_loop3A_551] {strides = array<i32>} : memref<32768xf32, #tpu.memory_space<vmem>>, vector<16xf32>,
        %parallel_loop3A_553 = arith.constant 112 : i32
        %parallel_loop3A_554 = arith.addi %parallel_loop3A_290, %parallel_loop3A_553 : i32
        %parallel_loop3A_555 = arith.index_cast %parallel_loop3A_554 : i32 to index
        %parallel_loop3A_556 = tpu.vector_load %arg6[%parallel_loop3A_555] {strides = array<i32>} : memref<16384xi32, #tpu.memory_space<vmem>>, vector<16xi32>,
        %parallel_loop3A_557 = arith.constant 0 : i32
        %parallel_loop3A_558 = vector.broadcast %parallel_loop3A_557 : i32 to vector<16xi32>
        %parallel_loop3A_559 = arith.cmpi eq, %parallel_loop3A_556, %parallel_loop3A_558 : vector<16xi32>
        %parallel_loop3A_560 = arith.subf %broadcast_in_dim3A_5, %parallel_loop3A_546 : vector<16xf32>
        %parallel_loop3A_561 = arith.select %parallel_loop3A_559, %parallel_loop3A_560, %parallel_loop3A_546 : vector<16xi1>, vector<16xf32>
        %parallel_loop3A_562 = arith.subf %broadcast_in_dim3A_5, %parallel_loop3A_552 : vector<16xf32>
        %parallel_loop3A_563 = arith.select %parallel_loop3A_559, %parallel_loop3A_552, %parallel_loop3A_562 : vector<16xi1>, vector<16xf32>
        %parallel_loop3A_564 = arith.select %parallel_loop3A_559, %parallel_loop3A_546, %parallel_loop3A_552 : vector<16xi1>, vector<16xf32>
        %parallel_loop3A_565 = arith.mulf %parallel_loop3A_561, %broadcast_in_dim3A_7 : vector<16xf32>
        %parallel_loop3A_566 = arith.minimumf %parallel_loop3A_565, %broadcast_in_dim3A_9 : vector<16xf32>
        %parallel_loop3A_567 = arith.fptosi %parallel_loop3A_566 : vector<16xf32> to vector<16xi32>
        %parallel_loop3A_568 = arith.mulf %parallel_loop3A_563, %broadcast_in_dim3A_7 : vector<16xf32>
        %parallel_loop3A_569 = arith.minimumf %parallel_loop3A_568, %broadcast_in_dim3A_9 : vector<16xf32>
        %parallel_loop3A_570 = arith.fptosi %parallel_loop3A_569 : vector<16xf32> to vector<16xi32>
        %parallel_loop3A_571 = arith.constant 16 : i32
        %parallel_loop3A_572 = vector.broadcast %parallel_loop3A_571 : i32 to vector<16xi32>
        %parallel_loop3A_573 = arith.muli %parallel_loop3A_567, %parallel_loop3A_572 : vector<16xi32>
        %parallel_loop3A_574 = arith.addi %parallel_loop3A_573, %iota3A : vector<16xi32>
        %parallel_loop3A_575 = arith.constant 16 : i32
        %parallel_loop3A_576 = vector.broadcast %parallel_loop3A_575 : i32 to vector<16xi32>
        %parallel_loop3A_577 = arith.muli %parallel_loop3A_570, %parallel_loop3A_576 : vector<16xi32>
        %parallel_loop3A_578 = arith.addi %parallel_loop3A_577, %iota3A : vector<16xi32>
        tpu.vector_store_idx %arg9[%parallel_loop3A_574], %broadcast_in_dim3A_3 {add = true} : memref<160xf32, #tpu.memory_space<vmem>>[vector<16xi32>], vector<16xf32>,
        tpu.vector_store_idx %arg11[%parallel_loop3A_574], %parallel_loop3A_564 {add = true} : memref<160xf32, #tpu.memory_space<vmem>>[vector<16xi32>], vector<16xf32>,
        tpu.vector_store_idx %arg10[%parallel_loop3A_578], %broadcast_in_dim3A_3 {add = true} : memref<160xf32, #tpu.memory_space<vmem>>[vector<16xi32>], vector<16xf32>,
        tpu.vector_store_idx %arg12[%parallel_loop3A_578], %parallel_loop3A_564 {add = true} : memref<160xf32, #tpu.memory_space<vmem>>[vector<16xi32>], vector<16xf32>,
      } {sc.loop_unroll_factor = 2 : i64, sc.parallel_access}
      %add3A_263 = arith.constant 1 : i32
      %add3A_264 = arith.addi %scan3A_252, %add3A_263 : i32
      %lt3A = arith.constant 2 : i32
      %lt3A_265 = arith.cmpi slt, %add3A_264, %lt3A : i32
      %convert_element_type3A = arith.extui %lt3A_265 : i1 to i32
      %cond3A = arith.constant 0 : i32
      %cond3A_266 = arith.cmpi ne, %convert_element_type3A, %cond3A : i32
      scf.if %cond3A_266 {
        %mul3A_286 = arith.constant 2 : i32
        %mul3A_287 = arith.muli %mul3A_286, %scan3A_252 : i32
        %add3A_288 = arith.constant 2 : i32
        %add3A_289 = arith.addi %mul3A_287, %add3A_288 : i32
        %mul3A_290 = arith.constant 16384 : i32
        %mul3A_291 = arith.muli %add3A_289, %mul3A_290 : i32
        %add3A_292 = arith.addi %mul3A_90, %mul3A_291 : i32
        %mul3A_293 = arith.constant 2 : i32
        %mul3A_294 = arith.muli %mul3A_293, %add3A_292 : i32
        %dma_start3A_295 = tpu.memref_slice %arg2[%mul3A_294] : memref<4194304xf32, #tpu.memory_space<hbm>> -> memref<32768xf32, #tpu.memory_space<hbm>>
        %dma_start3A_296 = tpu.memref_slice %arg2[%mul3A_294] : memref<4194304xf32, #tpu.memory_space<hbm>> -> memref<32768xf32, #tpu.memory_space<hbm>>
        tpu.enqueue_dma source(%dma_start3A_296 : memref<32768xf32, #tpu.memory_space<hbm>>) target(%arg5 : memref<32768xf32, #tpu.memory_space<vmem>>) target_semaphore(%arg13 : memref<!tpu.dma_semaphore, #tpu.memory_space<semaphore_mem>>)
        %dma_start3A_297 = tpu.memref_slice %arg3[%add3A_292] : memref<2097152xi32, #tpu.memory_space<hbm>> -> memref<16384xi32, #tpu.memory_space<hbm>>
        %dma_start3A_298 = tpu.memref_slice %arg3[%add3A_292] : memref<2097152xi32, #tpu.memory_space<hbm>> -> memref<16384xi32, #tpu.memory_space<hbm>>
        tpu.enqueue_dma source(%dma_start3A_298 : memref<16384xi32, #tpu.memory_space<hbm>>) target(%arg6 : memref<16384xi32, #tpu.memory_space<vmem>>) target_semaphore(%arg13 : memref<!tpu.dma_semaphore, #tpu.memory_space<semaphore_mem>>)
      } else {
      }
      %dma_wait3A_267 = arith.constant 0 : i32
      %dma_wait3A_268 = tpu.memref_slice %arg2[%dma_wait3A_267] : memref<4194304xf32, #tpu.memory_space<hbm>> -> memref<32768xf32, #tpu.memory_space<hbm>>
      %dma_wait3A_269 = arith.constant 0 : i32
      %dma_wait3A_270 = tpu.memref_slice %arg2[%dma_wait3A_269] : memref<4194304xf32, #tpu.memory_space<hbm>> -> memref<32768xf32, #tpu.memory_space<hbm>>
      tpu.wait_dma2 semaphore(%arg14 : memref<!tpu.dma_semaphore, #tpu.memory_space<semaphore_mem>>) src(%dma_wait3A_270 : memref<32768xf32, #tpu.memory_space<hbm>>) dst(%arg7 : memref<32768xf32, #tpu.memory_space<vmem>>)
      %dma_wait3A_271 = arith.constant 0 : i32
      %dma_wait3A_272 = tpu.memref_slice %arg3[%dma_wait3A_271] : memref<2097152xi32, #tpu.memory_space<hbm>> -> memref<16384xi32, #tpu.memory_space<hbm>>
      %dma_wait3A_273 = arith.constant 0 : i32
      %dma_wait3A_274 = tpu.memref_slice %arg3[%dma_wait3A_273] : memref<2097152xi32, #tpu.memory_space<hbm>> -> memref<16384xi32, #tpu.memory_space<hbm>>
      tpu.wait_dma2 semaphore(%arg14 : memref<!tpu.dma_semaphore, #tpu.memory_space<semaphore_mem>>) src(%dma_wait3A_274 : memref<16384xi32, #tpu.memory_space<hbm>>) dst(%arg8 : memref<16384xi32, #tpu.memory_space<vmem>>)
      %parallel_loop3A_275 = arith.constant 0 : i32
      %parallel_loop3A_276 = arith.constant 128 : i32
      %parallel_loop3A_277 = arith.constant 1 : i32
      scf.for %parallel_loop3A_286 = %parallel_loop3A_275 to %parallel_loop3A_276 step %parallel_loop3A_277  : i32 {
        %parallel_loop3A_287 = arith.constant 256 : i32
        %parallel_loop3A_288 = arith.muli %parallel_loop3A_286, %parallel_loop3A_287 : i32
        %parallel_loop3A_289 = arith.constant 128 : i32
        %parallel_loop3A_290 = arith.muli %parallel_loop3A_286, %parallel_loop3A_289 : i32
        %parallel_loop3A_291 = arith.constant 0 : i32
        %parallel_loop3A_292 = arith.addi %parallel_loop3A_288, %parallel_loop3A_291 : i32
        %parallel_loop3A_293 = arith.index_cast %parallel_loop3A_292 : i32 to index
        %parallel_loop3A_294 = tpu.vector_load %arg7[%parallel_loop3A_293] {strides = array<i32>} : memref<32768xf32, #tpu.memory_space<vmem>>, vector<16xf32>,
        %parallel_loop3A_295 = arith.constant 128 : i32
        %parallel_loop3A_296 = arith.addi %parallel_loop3A_288, %parallel_loop3A_295 : i32
        %parallel_loop3A_297 = arith.constant 0 : i32
        %parallel_loop3A_298 = arith.addi %parallel_loop3A_296, %parallel_loop3A_297 : i32
        %parallel_loop3A_299 = arith.index_cast %parallel_loop3A_298 : i32 to index
        %parallel_loop3A_300 = tpu.vector_load %arg7[%parallel_loop3A_299] {strides = array<i32>} : memref<32768xf32, #tpu.memory_space<vmem>>, vector<16xf32>,
        %parallel_loop3A_301 = arith.constant 0 : i32
        %parallel_loop3A_302 = arith.addi %parallel_loop3A_290, %parallel_loop3A_301 : i32
        %parallel_loop3A_303 = arith.index_cast %parallel_loop3A_302 : i32 to index
        %parallel_loop3A_304 = tpu.vector_load %arg8[%parallel_loop3A_303] {strides = array<i32>} : memref<16384xi32, #tpu.memory_space<vmem>>, vector<16xi32>,
        %parallel_loop3A_305 = arith.constant 0 : i32
        %parallel_loop3A_306 = vector.broadcast %parallel_loop3A_305 : i32 to vector<16xi32>
        %parallel_loop3A_307 = arith.cmpi eq, %parallel_loop3A_304, %parallel_loop3A_306 : vector<16xi32>
        %parallel_loop3A_308 = arith.subf %broadcast_in_dim3A_5, %parallel_loop3A_294 : vector<16xf32>
        %parallel_loop3A_309 = arith.select %parallel_loop3A_307, %parallel_loop3A_308, %parallel_loop3A_294 : vector<16xi1>, vector<16xf32>
        %parallel_loop3A_310 = arith.subf %broadcast_in_dim3A_5, %parallel_loop3A_300 : vector<16xf32>
        %parallel_loop3A_311 = arith.select %parallel_loop3A_307, %parallel_loop3A_300, %parallel_loop3A_310 : vector<16xi1>, vector<16xf32>
        %parallel_loop3A_312 = arith.select %parallel_loop3A_307, %parallel_loop3A_294, %parallel_loop3A_300 : vector<16xi1>, vector<16xf32>
        %parallel_loop3A_313 = arith.mulf %parallel_loop3A_309, %broadcast_in_dim3A_7 : vector<16xf32>
        %parallel_loop3A_314 = arith.minimumf %parallel_loop3A_313, %broadcast_in_dim3A_9 : vector<16xf32>
        %parallel_loop3A_315 = arith.fptosi %parallel_loop3A_314 : vector<16xf32> to vector<16xi32>
        %parallel_loop3A_316 = arith.mulf %parallel_loop3A_311, %broadcast_in_dim3A_7 : vector<16xf32>
        %parallel_loop3A_317 = arith.minimumf %parallel_loop3A_316, %broadcast_in_dim3A_9 : vector<16xf32>
        %parallel_loop3A_318 = arith.fptosi %parallel_loop3A_317 : vector<16xf32> to vector<16xi32>
        %parallel_loop3A_319 = arith.constant 16 : i32
        %parallel_loop3A_320 = vector.broadcast %parallel_loop3A_319 : i32 to vector<16xi32>
        %parallel_loop3A_321 = arith.muli %parallel_loop3A_315, %parallel_loop3A_320 : vector<16xi32>
        %parallel_loop3A_322 = arith.addi %parallel_loop3A_321, %iota3A : vector<16xi32>
        %parallel_loop3A_323 = arith.constant 16 : i32
        %parallel_loop3A_324 = vector.broadcast %parallel_loop3A_323 : i32 to vector<16xi32>
        %parallel_loop3A_325 = arith.muli %parallel_loop3A_318, %parallel_loop3A_324 : vector<16xi32>
        %parallel_loop3A_326 = arith.addi %parallel_loop3A_325, %iota3A : vector<16xi32>
        tpu.vector_store_idx %arg9[%parallel_loop3A_322], %broadcast_in_dim3A_3 {add = true} : memref<160xf32, #tpu.memory_space<vmem>>[vector<16xi32>], vector<16xf32>,
        tpu.vector_store_idx %arg11[%parallel_loop3A_322], %parallel_loop3A_312 {add = true} : memref<160xf32, #tpu.memory_space<vmem>>[vector<16xi32>], vector<16xf32>,
        tpu.vector_store_idx %arg10[%parallel_loop3A_326], %broadcast_in_dim3A_3 {add = true} : memref<160xf32, #tpu.memory_space<vmem>>[vector<16xi32>], vector<16xf32>,
        tpu.vector_store_idx %arg12[%parallel_loop3A_326], %parallel_loop3A_312 {add = true} : memref<160xf32, #tpu.memory_space<vmem>>[vector<16xi32>], vector<16xf32>,
        %parallel_loop3A_327 = arith.constant 16 : i32
        %parallel_loop3A_328 = arith.addi %parallel_loop3A_288, %parallel_loop3A_327 : i32
        %parallel_loop3A_329 = arith.index_cast %parallel_loop3A_328 : i32 to index
        %parallel_loop3A_330 = tpu.vector_load %arg7[%parallel_loop3A_329] {strides = array<i32>} : memref<32768xf32, #tpu.memory_space<vmem>>, vector<16xf32>,
        %parallel_loop3A_331 = arith.constant 128 : i32
        %parallel_loop3A_332 = arith.addi %parallel_loop3A_288, %parallel_loop3A_331 : i32
        %parallel_loop3A_333 = arith.constant 16 : i32
        %parallel_loop3A_334 = arith.addi %parallel_loop3A_332, %parallel_loop3A_333 : i32
        %parallel_loop3A_335 = arith.index_cast %parallel_loop3A_334 : i32 to index
        %parallel_loop3A_336 = tpu.vector_load %arg7[%parallel_loop3A_335] {strides = array<i32>} : memref<32768xf32, #tpu.memory_space<vmem>>, vector<16xf32>,
        %parallel_loop3A_337 = arith.constant 16 : i32
        %parallel_loop3A_338 = arith.addi %parallel_loop3A_290, %parallel_loop3A_337 : i32
        %parallel_loop3A_339 = arith.index_cast %parallel_loop3A_338 : i32 to index
        %parallel_loop3A_340 = tpu.vector_load %arg8[%parallel_loop3A_339] {strides = array<i32>} : memref<16384xi32, #tpu.memory_space<vmem>>, vector<16xi32>,
        %parallel_loop3A_341 = arith.constant 0 : i32
        %parallel_loop3A_342 = vector.broadcast %parallel_loop3A_341 : i32 to vector<16xi32>
        %parallel_loop3A_343 = arith.cmpi eq, %parallel_loop3A_340, %parallel_loop3A_342 : vector<16xi32>
        %parallel_loop3A_344 = arith.subf %broadcast_in_dim3A_5, %parallel_loop3A_330 : vector<16xf32>
        %parallel_loop3A_345 = arith.select %parallel_loop3A_343, %parallel_loop3A_344, %parallel_loop3A_330 : vector<16xi1>, vector<16xf32>
        %parallel_loop3A_346 = arith.subf %broadcast_in_dim3A_5, %parallel_loop3A_336 : vector<16xf32>
        %parallel_loop3A_347 = arith.select %parallel_loop3A_343, %parallel_loop3A_336, %parallel_loop3A_346 : vector<16xi1>, vector<16xf32>
        %parallel_loop3A_348 = arith.select %parallel_loop3A_343, %parallel_loop3A_330, %parallel_loop3A_336 : vector<16xi1>, vector<16xf32>
        %parallel_loop3A_349 = arith.mulf %parallel_loop3A_345, %broadcast_in_dim3A_7 : vector<16xf32>
        %parallel_loop3A_350 = arith.minimumf %parallel_loop3A_349, %broadcast_in_dim3A_9 : vector<16xf32>
        %parallel_loop3A_351 = arith.fptosi %parallel_loop3A_350 : vector<16xf32> to vector<16xi32>
        %parallel_loop3A_352 = arith.mulf %parallel_loop3A_347, %broadcast_in_dim3A_7 : vector<16xf32>
        %parallel_loop3A_353 = arith.minimumf %parallel_loop3A_352, %broadcast_in_dim3A_9 : vector<16xf32>
        %parallel_loop3A_354 = arith.fptosi %parallel_loop3A_353 : vector<16xf32> to vector<16xi32>
        %parallel_loop3A_355 = arith.constant 16 : i32
        %parallel_loop3A_356 = vector.broadcast %parallel_loop3A_355 : i32 to vector<16xi32>
        %parallel_loop3A_357 = arith.muli %parallel_loop3A_351, %parallel_loop3A_356 : vector<16xi32>
        %parallel_loop3A_358 = arith.addi %parallel_loop3A_357, %iota3A : vector<16xi32>
        %parallel_loop3A_359 = arith.constant 16 : i32
        %parallel_loop3A_360 = vector.broadcast %parallel_loop3A_359 : i32 to vector<16xi32>
        %parallel_loop3A_361 = arith.muli %parallel_loop3A_354, %parallel_loop3A_360 : vector<16xi32>
        %parallel_loop3A_362 = arith.addi %parallel_loop3A_361, %iota3A : vector<16xi32>
        tpu.vector_store_idx %arg9[%parallel_loop3A_358], %broadcast_in_dim3A_3 {add = true} : memref<160xf32, #tpu.memory_space<vmem>>[vector<16xi32>], vector<16xf32>,
        tpu.vector_store_idx %arg11[%parallel_loop3A_358], %parallel_loop3A_348 {add = true} : memref<160xf32, #tpu.memory_space<vmem>>[vector<16xi32>], vector<16xf32>,
        tpu.vector_store_idx %arg10[%parallel_loop3A_362], %broadcast_in_dim3A_3 {add = true} : memref<160xf32, #tpu.memory_space<vmem>>[vector<16xi32>], vector<16xf32>,
        tpu.vector_store_idx %arg12[%parallel_loop3A_362], %parallel_loop3A_348 {add = true} : memref<160xf32, #tpu.memory_space<vmem>>[vector<16xi32>], vector<16xf32>,
        %parallel_loop3A_363 = arith.constant 32 : i32
        %parallel_loop3A_364 = arith.addi %parallel_loop3A_288, %parallel_loop3A_363 : i32
        %parallel_loop3A_365 = arith.index_cast %parallel_loop3A_364 : i32 to index
        %parallel_loop3A_366 = tpu.vector_load %arg7[%parallel_loop3A_365] {strides = array<i32>} : memref<32768xf32, #tpu.memory_space<vmem>>, vector<16xf32>,
        %parallel_loop3A_367 = arith.constant 128 : i32
        %parallel_loop3A_368 = arith.addi %parallel_loop3A_288, %parallel_loop3A_367 : i32
        %parallel_loop3A_369 = arith.constant 32 : i32
        %parallel_loop3A_370 = arith.addi %parallel_loop3A_368, %parallel_loop3A_369 : i32
        %parallel_loop3A_371 = arith.index_cast %parallel_loop3A_370 : i32 to index
        %parallel_loop3A_372 = tpu.vector_load %arg7[%parallel_loop3A_371] {strides = array<i32>} : memref<32768xf32, #tpu.memory_space<vmem>>, vector<16xf32>,
        %parallel_loop3A_373 = arith.constant 32 : i32
        %parallel_loop3A_374 = arith.addi %parallel_loop3A_290, %parallel_loop3A_373 : i32
        %parallel_loop3A_375 = arith.index_cast %parallel_loop3A_374 : i32 to index
        %parallel_loop3A_376 = tpu.vector_load %arg8[%parallel_loop3A_375] {strides = array<i32>} : memref<16384xi32, #tpu.memory_space<vmem>>, vector<16xi32>,
        %parallel_loop3A_377 = arith.constant 0 : i32
        %parallel_loop3A_378 = vector.broadcast %parallel_loop3A_377 : i32 to vector<16xi32>
        %parallel_loop3A_379 = arith.cmpi eq, %parallel_loop3A_376, %parallel_loop3A_378 : vector<16xi32>
        %parallel_loop3A_380 = arith.subf %broadcast_in_dim3A_5, %parallel_loop3A_366 : vector<16xf32>
        %parallel_loop3A_381 = arith.select %parallel_loop3A_379, %parallel_loop3A_380, %parallel_loop3A_366 : vector<16xi1>, vector<16xf32>
        %parallel_loop3A_382 = arith.subf %broadcast_in_dim3A_5, %parallel_loop3A_372 : vector<16xf32>
        %parallel_loop3A_383 = arith.select %parallel_loop3A_379, %parallel_loop3A_372, %parallel_loop3A_382 : vector<16xi1>, vector<16xf32>
        %parallel_loop3A_384 = arith.select %parallel_loop3A_379, %parallel_loop3A_366, %parallel_loop3A_372 : vector<16xi1>, vector<16xf32>
        %parallel_loop3A_385 = arith.mulf %parallel_loop3A_381, %broadcast_in_dim3A_7 : vector<16xf32>
        %parallel_loop3A_386 = arith.minimumf %parallel_loop3A_385, %broadcast_in_dim3A_9 : vector<16xf32>
        %parallel_loop3A_387 = arith.fptosi %parallel_loop3A_386 : vector<16xf32> to vector<16xi32>
        %parallel_loop3A_388 = arith.mulf %parallel_loop3A_383, %broadcast_in_dim3A_7 : vector<16xf32>
        %parallel_loop3A_389 = arith.minimumf %parallel_loop3A_388, %broadcast_in_dim3A_9 : vector<16xf32>
        %parallel_loop3A_390 = arith.fptosi %parallel_loop3A_389 : vector<16xf32> to vector<16xi32>
        %parallel_loop3A_391 = arith.constant 16 : i32
        %parallel_loop3A_392 = vector.broadcast %parallel_loop3A_391 : i32 to vector<16xi32>
        %parallel_loop3A_393 = arith.muli %parallel_loop3A_387, %parallel_loop3A_392 : vector<16xi32>
        %parallel_loop3A_394 = arith.addi %parallel_loop3A_393, %iota3A : vector<16xi32>
        %parallel_loop3A_395 = arith.constant 16 : i32
        %parallel_loop3A_396 = vector.broadcast %parallel_loop3A_395 : i32 to vector<16xi32>
        %parallel_loop3A_397 = arith.muli %parallel_loop3A_390, %parallel_loop3A_396 : vector<16xi32>
        %parallel_loop3A_398 = arith.addi %parallel_loop3A_397, %iota3A : vector<16xi32>
        tpu.vector_store_idx %arg9[%parallel_loop3A_394], %broadcast_in_dim3A_3 {add = true} : memref<160xf32, #tpu.memory_space<vmem>>[vector<16xi32>], vector<16xf32>,
        tpu.vector_store_idx %arg11[%parallel_loop3A_394], %parallel_loop3A_384 {add = true} : memref<160xf32, #tpu.memory_space<vmem>>[vector<16xi32>], vector<16xf32>,
        tpu.vector_store_idx %arg10[%parallel_loop3A_398], %broadcast_in_dim3A_3 {add = true} : memref<160xf32, #tpu.memory_space<vmem>>[vector<16xi32>], vector<16xf32>,
        tpu.vector_store_idx %arg12[%parallel_loop3A_398], %parallel_loop3A_384 {add = true} : memref<160xf32, #tpu.memory_space<vmem>>[vector<16xi32>], vector<16xf32>,
        %parallel_loop3A_399 = arith.constant 48 : i32
        %parallel_loop3A_400 = arith.addi %parallel_loop3A_288, %parallel_loop3A_399 : i32
        %parallel_loop3A_401 = arith.index_cast %parallel_loop3A_400 : i32 to index
        %parallel_loop3A_402 = tpu.vector_load %arg7[%parallel_loop3A_401] {strides = array<i32>} : memref<32768xf32, #tpu.memory_space<vmem>>, vector<16xf32>,
        %parallel_loop3A_403 = arith.constant 128 : i32
        %parallel_loop3A_404 = arith.addi %parallel_loop3A_288, %parallel_loop3A_403 : i32
        %parallel_loop3A_405 = arith.constant 48 : i32
        %parallel_loop3A_406 = arith.addi %parallel_loop3A_404, %parallel_loop3A_405 : i32
        %parallel_loop3A_407 = arith.index_cast %parallel_loop3A_406 : i32 to index
        %parallel_loop3A_408 = tpu.vector_load %arg7[%parallel_loop3A_407] {strides = array<i32>} : memref<32768xf32, #tpu.memory_space<vmem>>, vector<16xf32>,
        %parallel_loop3A_409 = arith.constant 48 : i32
        %parallel_loop3A_410 = arith.addi %parallel_loop3A_290, %parallel_loop3A_409 : i32
        %parallel_loop3A_411 = arith.index_cast %parallel_loop3A_410 : i32 to index
        %parallel_loop3A_412 = tpu.vector_load %arg8[%parallel_loop3A_411] {strides = array<i32>} : memref<16384xi32, #tpu.memory_space<vmem>>, vector<16xi32>,
        %parallel_loop3A_413 = arith.constant 0 : i32
        %parallel_loop3A_414 = vector.broadcast %parallel_loop3A_413 : i32 to vector<16xi32>
        %parallel_loop3A_415 = arith.cmpi eq, %parallel_loop3A_412, %parallel_loop3A_414 : vector<16xi32>
        %parallel_loop3A_416 = arith.subf %broadcast_in_dim3A_5, %parallel_loop3A_402 : vector<16xf32>
        %parallel_loop3A_417 = arith.select %parallel_loop3A_415, %parallel_loop3A_416, %parallel_loop3A_402 : vector<16xi1>, vector<16xf32>
        %parallel_loop3A_418 = arith.subf %broadcast_in_dim3A_5, %parallel_loop3A_408 : vector<16xf32>
        %parallel_loop3A_419 = arith.select %parallel_loop3A_415, %parallel_loop3A_408, %parallel_loop3A_418 : vector<16xi1>, vector<16xf32>
        %parallel_loop3A_420 = arith.select %parallel_loop3A_415, %parallel_loop3A_402, %parallel_loop3A_408 : vector<16xi1>, vector<16xf32>
        %parallel_loop3A_421 = arith.mulf %parallel_loop3A_417, %broadcast_in_dim3A_7 : vector<16xf32>
        %parallel_loop3A_422 = arith.minimumf %parallel_loop3A_421, %broadcast_in_dim3A_9 : vector<16xf32>
        %parallel_loop3A_423 = arith.fptosi %parallel_loop3A_422 : vector<16xf32> to vector<16xi32>
        %parallel_loop3A_424 = arith.mulf %parallel_loop3A_419, %broadcast_in_dim3A_7 : vector<16xf32>
        %parallel_loop3A_425 = arith.minimumf %parallel_loop3A_424, %broadcast_in_dim3A_9 : vector<16xf32>
        %parallel_loop3A_426 = arith.fptosi %parallel_loop3A_425 : vector<16xf32> to vector<16xi32>
        %parallel_loop3A_427 = arith.constant 16 : i32
        %parallel_loop3A_428 = vector.broadcast %parallel_loop3A_427 : i32 to vector<16xi32>
        %parallel_loop3A_429 = arith.muli %parallel_loop3A_423, %parallel_loop3A_428 : vector<16xi32>
        %parallel_loop3A_430 = arith.addi %parallel_loop3A_429, %iota3A : vector<16xi32>
        %parallel_loop3A_431 = arith.constant 16 : i32
        %parallel_loop3A_432 = vector.broadcast %parallel_loop3A_431 : i32 to vector<16xi32>
        %parallel_loop3A_433 = arith.muli %parallel_loop3A_426, %parallel_loop3A_432 : vector<16xi32>
        %parallel_loop3A_434 = arith.addi %parallel_loop3A_433, %iota3A : vector<16xi32>
        tpu.vector_store_idx %arg9[%parallel_loop3A_430], %broadcast_in_dim3A_3 {add = true} : memref<160xf32, #tpu.memory_space<vmem>>[vector<16xi32>], vector<16xf32>,
        tpu.vector_store_idx %arg11[%parallel_loop3A_430], %parallel_loop3A_420 {add = true} : memref<160xf32, #tpu.memory_space<vmem>>[vector<16xi32>], vector<16xf32>,
        tpu.vector_store_idx %arg10[%parallel_loop3A_434], %broadcast_in_dim3A_3 {add = true} : memref<160xf32, #tpu.memory_space<vmem>>[vector<16xi32>], vector<16xf32>,
        tpu.vector_store_idx %arg12[%parallel_loop3A_434], %parallel_loop3A_420 {add = true} : memref<160xf32, #tpu.memory_space<vmem>>[vector<16xi32>], vector<16xf32>,
        %parallel_loop3A_435 = arith.constant 64 : i32
        %parallel_loop3A_436 = arith.addi %parallel_loop3A_288, %parallel_loop3A_435 : i32
        %parallel_loop3A_437 = arith.index_cast %parallel_loop3A_436 : i32 to index
        %parallel_loop3A_438 = tpu.vector_load %arg7[%parallel_loop3A_437] {strides = array<i32>} : memref<32768xf32, #tpu.memory_space<vmem>>, vector<16xf32>,
        %parallel_loop3A_439 = arith.constant 128 : i32
        %parallel_loop3A_440 = arith.addi %parallel_loop3A_288, %parallel_loop3A_439 : i32
        %parallel_loop3A_441 = arith.constant 64 : i32
        %parallel_loop3A_442 = arith.addi %parallel_loop3A_440, %parallel_loop3A_441 : i32
        %parallel_loop3A_443 = arith.index_cast %parallel_loop3A_442 : i32 to index
        %parallel_loop3A_444 = tpu.vector_load %arg7[%parallel_loop3A_443] {strides = array<i32>} : memref<32768xf32, #tpu.memory_space<vmem>>, vector<16xf32>,
        %parallel_loop3A_445 = arith.constant 64 : i32
        %parallel_loop3A_446 = arith.addi %parallel_loop3A_290, %parallel_loop3A_445 : i32
        %parallel_loop3A_447 = arith.index_cast %parallel_loop3A_446 : i32 to index
        %parallel_loop3A_448 = tpu.vector_load %arg8[%parallel_loop3A_447] {strides = array<i32>} : memref<16384xi32, #tpu.memory_space<vmem>>, vector<16xi32>,
        %parallel_loop3A_449 = arith.constant 0 : i32
        %parallel_loop3A_450 = vector.broadcast %parallel_loop3A_449 : i32 to vector<16xi32>
        %parallel_loop3A_451 = arith.cmpi eq, %parallel_loop3A_448, %parallel_loop3A_450 : vector<16xi32>
        %parallel_loop3A_452 = arith.subf %broadcast_in_dim3A_5, %parallel_loop3A_438 : vector<16xf32>
        %parallel_loop3A_453 = arith.select %parallel_loop3A_451, %parallel_loop3A_452, %parallel_loop3A_438 : vector<16xi1>, vector<16xf32>
        %parallel_loop3A_454 = arith.subf %broadcast_in_dim3A_5, %parallel_loop3A_444 : vector<16xf32>
        %parallel_loop3A_455 = arith.select %parallel_loop3A_451, %parallel_loop3A_444, %parallel_loop3A_454 : vector<16xi1>, vector<16xf32>
        %parallel_loop3A_456 = arith.select %parallel_loop3A_451, %parallel_loop3A_438, %parallel_loop3A_444 : vector<16xi1>, vector<16xf32>
        %parallel_loop3A_457 = arith.mulf %parallel_loop3A_453, %broadcast_in_dim3A_7 : vector<16xf32>
        %parallel_loop3A_458 = arith.minimumf %parallel_loop3A_457, %broadcast_in_dim3A_9 : vector<16xf32>
        %parallel_loop3A_459 = arith.fptosi %parallel_loop3A_458 : vector<16xf32> to vector<16xi32>
        %parallel_loop3A_460 = arith.mulf %parallel_loop3A_455, %broadcast_in_dim3A_7 : vector<16xf32>
        %parallel_loop3A_461 = arith.minimumf %parallel_loop3A_460, %broadcast_in_dim3A_9 : vector<16xf32>
        %parallel_loop3A_462 = arith.fptosi %parallel_loop3A_461 : vector<16xf32> to vector<16xi32>
        %parallel_loop3A_463 = arith.constant 16 : i32
        %parallel_loop3A_464 = vector.broadcast %parallel_loop3A_463 : i32 to vector<16xi32>
        %parallel_loop3A_465 = arith.muli %parallel_loop3A_459, %parallel_loop3A_464 : vector<16xi32>
        %parallel_loop3A_466 = arith.addi %parallel_loop3A_465, %iota3A : vector<16xi32>
        %parallel_loop3A_467 = arith.constant 16 : i32
        %parallel_loop3A_468 = vector.broadcast %parallel_loop3A_467 : i32 to vector<16xi32>
        %parallel_loop3A_469 = arith.muli %parallel_loop3A_462, %parallel_loop3A_468 : vector<16xi32>
        %parallel_loop3A_470 = arith.addi %parallel_loop3A_469, %iota3A : vector<16xi32>
        tpu.vector_store_idx %arg9[%parallel_loop3A_466], %broadcast_in_dim3A_3 {add = true} : memref<160xf32, #tpu.memory_space<vmem>>[vector<16xi32>], vector<16xf32>,
        tpu.vector_store_idx %arg11[%parallel_loop3A_466], %parallel_loop3A_456 {add = true} : memref<160xf32, #tpu.memory_space<vmem>>[vector<16xi32>], vector<16xf32>,
        tpu.vector_store_idx %arg10[%parallel_loop3A_470], %broadcast_in_dim3A_3 {add = true} : memref<160xf32, #tpu.memory_space<vmem>>[vector<16xi32>], vector<16xf32>,
        tpu.vector_store_idx %arg12[%parallel_loop3A_470], %parallel_loop3A_456 {add = true} : memref<160xf32, #tpu.memory_space<vmem>>[vector<16xi32>], vector<16xf32>,
        %parallel_loop3A_471 = arith.constant 80 : i32
        %parallel_loop3A_472 = arith.addi %parallel_loop3A_288, %parallel_loop3A_471 : i32
        %parallel_loop3A_473 = arith.index_cast %parallel_loop3A_472 : i32 to index
        %parallel_loop3A_474 = tpu.vector_load %arg7[%parallel_loop3A_473] {strides = array<i32>} : memref<32768xf32, #tpu.memory_space<vmem>>, vector<16xf32>,
        %parallel_loop3A_475 = arith.constant 128 : i32
        %parallel_loop3A_476 = arith.addi %parallel_loop3A_288, %parallel_loop3A_475 : i32
        %parallel_loop3A_477 = arith.constant 80 : i32
        %parallel_loop3A_478 = arith.addi %parallel_loop3A_476, %parallel_loop3A_477 : i32
        %parallel_loop3A_479 = arith.index_cast %parallel_loop3A_478 : i32 to index
        %parallel_loop3A_480 = tpu.vector_load %arg7[%parallel_loop3A_479] {strides = array<i32>} : memref<32768xf32, #tpu.memory_space<vmem>>, vector<16xf32>,
        %parallel_loop3A_481 = arith.constant 80 : i32
        %parallel_loop3A_482 = arith.addi %parallel_loop3A_290, %parallel_loop3A_481 : i32
        %parallel_loop3A_483 = arith.index_cast %parallel_loop3A_482 : i32 to index
        %parallel_loop3A_484 = tpu.vector_load %arg8[%parallel_loop3A_483] {strides = array<i32>} : memref<16384xi32, #tpu.memory_space<vmem>>, vector<16xi32>,
        %parallel_loop3A_485 = arith.constant 0 : i32
        %parallel_loop3A_486 = vector.broadcast %parallel_loop3A_485 : i32 to vector<16xi32>
        %parallel_loop3A_487 = arith.cmpi eq, %parallel_loop3A_484, %parallel_loop3A_486 : vector<16xi32>
        %parallel_loop3A_488 = arith.subf %broadcast_in_dim3A_5, %parallel_loop3A_474 : vector<16xf32>
        %parallel_loop3A_489 = arith.select %parallel_loop3A_487, %parallel_loop3A_488, %parallel_loop3A_474 : vector<16xi1>, vector<16xf32>
        %parallel_loop3A_490 = arith.subf %broadcast_in_dim3A_5, %parallel_loop3A_480 : vector<16xf32>
        %parallel_loop3A_491 = arith.select %parallel_loop3A_487, %parallel_loop3A_480, %parallel_loop3A_490 : vector<16xi1>, vector<16xf32>
        %parallel_loop3A_492 = arith.select %parallel_loop3A_487, %parallel_loop3A_474, %parallel_loop3A_480 : vector<16xi1>, vector<16xf32>
        %parallel_loop3A_493 = arith.mulf %parallel_loop3A_489, %broadcast_in_dim3A_7 : vector<16xf32>
        %parallel_loop3A_494 = arith.minimumf %parallel_loop3A_493, %broadcast_in_dim3A_9 : vector<16xf32>
        %parallel_loop3A_495 = arith.fptosi %parallel_loop3A_494 : vector<16xf32> to vector<16xi32>
        %parallel_loop3A_496 = arith.mulf %parallel_loop3A_491, %broadcast_in_dim3A_7 : vector<16xf32>
        %parallel_loop3A_497 = arith.minimumf %parallel_loop3A_496, %broadcast_in_dim3A_9 : vector<16xf32>
        %parallel_loop3A_498 = arith.fptosi %parallel_loop3A_497 : vector<16xf32> to vector<16xi32>
        %parallel_loop3A_499 = arith.constant 16 : i32
        %parallel_loop3A_500 = vector.broadcast %parallel_loop3A_499 : i32 to vector<16xi32>
        %parallel_loop3A_501 = arith.muli %parallel_loop3A_495, %parallel_loop3A_500 : vector<16xi32>
        %parallel_loop3A_502 = arith.addi %parallel_loop3A_501, %iota3A : vector<16xi32>
        %parallel_loop3A_503 = arith.constant 16 : i32
        %parallel_loop3A_504 = vector.broadcast %parallel_loop3A_503 : i32 to vector<16xi32>
        %parallel_loop3A_505 = arith.muli %parallel_loop3A_498, %parallel_loop3A_504 : vector<16xi32>
        %parallel_loop3A_506 = arith.addi %parallel_loop3A_505, %iota3A : vector<16xi32>
        tpu.vector_store_idx %arg9[%parallel_loop3A_502], %broadcast_in_dim3A_3 {add = true} : memref<160xf32, #tpu.memory_space<vmem>>[vector<16xi32>], vector<16xf32>,
        tpu.vector_store_idx %arg11[%parallel_loop3A_502], %parallel_loop3A_492 {add = true} : memref<160xf32, #tpu.memory_space<vmem>>[vector<16xi32>], vector<16xf32>,
        tpu.vector_store_idx %arg10[%parallel_loop3A_506], %broadcast_in_dim3A_3 {add = true} : memref<160xf32, #tpu.memory_space<vmem>>[vector<16xi32>], vector<16xf32>,
        tpu.vector_store_idx %arg12[%parallel_loop3A_506], %parallel_loop3A_492 {add = true} : memref<160xf32, #tpu.memory_space<vmem>>[vector<16xi32>], vector<16xf32>,
        %parallel_loop3A_507 = arith.constant 96 : i32
        %parallel_loop3A_508 = arith.addi %parallel_loop3A_288, %parallel_loop3A_507 : i32
        %parallel_loop3A_509 = arith.index_cast %parallel_loop3A_508 : i32 to index
        %parallel_loop3A_510 = tpu.vector_load %arg7[%parallel_loop3A_509] {strides = array<i32>} : memref<32768xf32, #tpu.memory_space<vmem>>, vector<16xf32>,
        %parallel_loop3A_511 = arith.constant 128 : i32
        %parallel_loop3A_512 = arith.addi %parallel_loop3A_288, %parallel_loop3A_511 : i32
        %parallel_loop3A_513 = arith.constant 96 : i32
        %parallel_loop3A_514 = arith.addi %parallel_loop3A_512, %parallel_loop3A_513 : i32
        %parallel_loop3A_515 = arith.index_cast %parallel_loop3A_514 : i32 to index
        %parallel_loop3A_516 = tpu.vector_load %arg7[%parallel_loop3A_515] {strides = array<i32>} : memref<32768xf32, #tpu.memory_space<vmem>>, vector<16xf32>,
        %parallel_loop3A_517 = arith.constant 96 : i32
        %parallel_loop3A_518 = arith.addi %parallel_loop3A_290, %parallel_loop3A_517 : i32
        %parallel_loop3A_519 = arith.index_cast %parallel_loop3A_518 : i32 to index
        %parallel_loop3A_520 = tpu.vector_load %arg8[%parallel_loop3A_519] {strides = array<i32>} : memref<16384xi32, #tpu.memory_space<vmem>>, vector<16xi32>,
        %parallel_loop3A_521 = arith.constant 0 : i32
        %parallel_loop3A_522 = vector.broadcast %parallel_loop3A_521 : i32 to vector<16xi32>
        %parallel_loop3A_523 = arith.cmpi eq, %parallel_loop3A_520, %parallel_loop3A_522 : vector<16xi32>
        %parallel_loop3A_524 = arith.subf %broadcast_in_dim3A_5, %parallel_loop3A_510 : vector<16xf32>
        %parallel_loop3A_525 = arith.select %parallel_loop3A_523, %parallel_loop3A_524, %parallel_loop3A_510 : vector<16xi1>, vector<16xf32>
        %parallel_loop3A_526 = arith.subf %broadcast_in_dim3A_5, %parallel_loop3A_516 : vector<16xf32>
        %parallel_loop3A_527 = arith.select %parallel_loop3A_523, %parallel_loop3A_516, %parallel_loop3A_526 : vector<16xi1>, vector<16xf32>
        %parallel_loop3A_528 = arith.select %parallel_loop3A_523, %parallel_loop3A_510, %parallel_loop3A_516 : vector<16xi1>, vector<16xf32>
        %parallel_loop3A_529 = arith.mulf %parallel_loop3A_525, %broadcast_in_dim3A_7 : vector<16xf32>
        %parallel_loop3A_530 = arith.minimumf %parallel_loop3A_529, %broadcast_in_dim3A_9 : vector<16xf32>
        %parallel_loop3A_531 = arith.fptosi %parallel_loop3A_530 : vector<16xf32> to vector<16xi32>
        %parallel_loop3A_532 = arith.mulf %parallel_loop3A_527, %broadcast_in_dim3A_7 : vector<16xf32>
        %parallel_loop3A_533 = arith.minimumf %parallel_loop3A_532, %broadcast_in_dim3A_9 : vector<16xf32>
        %parallel_loop3A_534 = arith.fptosi %parallel_loop3A_533 : vector<16xf32> to vector<16xi32>
        %parallel_loop3A_535 = arith.constant 16 : i32
        %parallel_loop3A_536 = vector.broadcast %parallel_loop3A_535 : i32 to vector<16xi32>
        %parallel_loop3A_537 = arith.muli %parallel_loop3A_531, %parallel_loop3A_536 : vector<16xi32>
        %parallel_loop3A_538 = arith.addi %parallel_loop3A_537, %iota3A : vector<16xi32>
        %parallel_loop3A_539 = arith.constant 16 : i32
        %parallel_loop3A_540 = vector.broadcast %parallel_loop3A_539 : i32 to vector<16xi32>
        %parallel_loop3A_541 = arith.muli %parallel_loop3A_534, %parallel_loop3A_540 : vector<16xi32>
        %parallel_loop3A_542 = arith.addi %parallel_loop3A_541, %iota3A : vector<16xi32>
        tpu.vector_store_idx %arg9[%parallel_loop3A_538], %broadcast_in_dim3A_3 {add = true} : memref<160xf32, #tpu.memory_space<vmem>>[vector<16xi32>], vector<16xf32>,
        tpu.vector_store_idx %arg11[%parallel_loop3A_538], %parallel_loop3A_528 {add = true} : memref<160xf32, #tpu.memory_space<vmem>>[vector<16xi32>], vector<16xf32>,
        tpu.vector_store_idx %arg10[%parallel_loop3A_542], %broadcast_in_dim3A_3 {add = true} : memref<160xf32, #tpu.memory_space<vmem>>[vector<16xi32>], vector<16xf32>,
        tpu.vector_store_idx %arg12[%parallel_loop3A_542], %parallel_loop3A_528 {add = true} : memref<160xf32, #tpu.memory_space<vmem>>[vector<16xi32>], vector<16xf32>,
        %parallel_loop3A_543 = arith.constant 112 : i32
        %parallel_loop3A_544 = arith.addi %parallel_loop3A_288, %parallel_loop3A_543 : i32
        %parallel_loop3A_545 = arith.index_cast %parallel_loop3A_544 : i32 to index
        %parallel_loop3A_546 = tpu.vector_load %arg7[%parallel_loop3A_545] {strides = array<i32>} : memref<32768xf32, #tpu.memory_space<vmem>>, vector<16xf32>,
        %parallel_loop3A_547 = arith.constant 128 : i32
        %parallel_loop3A_548 = arith.addi %parallel_loop3A_288, %parallel_loop3A_547 : i32
        %parallel_loop3A_549 = arith.constant 112 : i32
        %parallel_loop3A_550 = arith.addi %parallel_loop3A_548, %parallel_loop3A_549 : i32
        %parallel_loop3A_551 = arith.index_cast %parallel_loop3A_550 : i32 to index
        %parallel_loop3A_552 = tpu.vector_load %arg7[%parallel_loop3A_551] {strides = array<i32>} : memref<32768xf32, #tpu.memory_space<vmem>>, vector<16xf32>,
        %parallel_loop3A_553 = arith.constant 112 : i32
        %parallel_loop3A_554 = arith.addi %parallel_loop3A_290, %parallel_loop3A_553 : i32
        %parallel_loop3A_555 = arith.index_cast %parallel_loop3A_554 : i32 to index
        %parallel_loop3A_556 = tpu.vector_load %arg8[%parallel_loop3A_555] {strides = array<i32>} : memref<16384xi32, #tpu.memory_space<vmem>>, vector<16xi32>,
        %parallel_loop3A_557 = arith.constant 0 : i32
        %parallel_loop3A_558 = vector.broadcast %parallel_loop3A_557 : i32 to vector<16xi32>
        %parallel_loop3A_559 = arith.cmpi eq, %parallel_loop3A_556, %parallel_loop3A_558 : vector<16xi32>
        %parallel_loop3A_560 = arith.subf %broadcast_in_dim3A_5, %parallel_loop3A_546 : vector<16xf32>
        %parallel_loop3A_561 = arith.select %parallel_loop3A_559, %parallel_loop3A_560, %parallel_loop3A_546 : vector<16xi1>, vector<16xf32>
        %parallel_loop3A_562 = arith.subf %broadcast_in_dim3A_5, %parallel_loop3A_552 : vector<16xf32>
        %parallel_loop3A_563 = arith.select %parallel_loop3A_559, %parallel_loop3A_552, %parallel_loop3A_562 : vector<16xi1>, vector<16xf32>
        %parallel_loop3A_564 = arith.select %parallel_loop3A_559, %parallel_loop3A_546, %parallel_loop3A_552 : vector<16xi1>, vector<16xf32>
        %parallel_loop3A_565 = arith.mulf %parallel_loop3A_561, %broadcast_in_dim3A_7 : vector<16xf32>
        %parallel_loop3A_566 = arith.minimumf %parallel_loop3A_565, %broadcast_in_dim3A_9 : vector<16xf32>
        %parallel_loop3A_567 = arith.fptosi %parallel_loop3A_566 : vector<16xf32> to vector<16xi32>
        %parallel_loop3A_568 = arith.mulf %parallel_loop3A_563, %broadcast_in_dim3A_7 : vector<16xf32>
        %parallel_loop3A_569 = arith.minimumf %parallel_loop3A_568, %broadcast_in_dim3A_9 : vector<16xf32>
        %parallel_loop3A_570 = arith.fptosi %parallel_loop3A_569 : vector<16xf32> to vector<16xi32>
        %parallel_loop3A_571 = arith.constant 16 : i32
        %parallel_loop3A_572 = vector.broadcast %parallel_loop3A_571 : i32 to vector<16xi32>
        %parallel_loop3A_573 = arith.muli %parallel_loop3A_567, %parallel_loop3A_572 : vector<16xi32>
        %parallel_loop3A_574 = arith.addi %parallel_loop3A_573, %iota3A : vector<16xi32>
        %parallel_loop3A_575 = arith.constant 16 : i32
        %parallel_loop3A_576 = vector.broadcast %parallel_loop3A_575 : i32 to vector<16xi32>
        %parallel_loop3A_577 = arith.muli %parallel_loop3A_570, %parallel_loop3A_576 : vector<16xi32>
        %parallel_loop3A_578 = arith.addi %parallel_loop3A_577, %iota3A : vector<16xi32>
        tpu.vector_store_idx %arg9[%parallel_loop3A_574], %broadcast_in_dim3A_3 {add = true} : memref<160xf32, #tpu.memory_space<vmem>>[vector<16xi32>], vector<16xf32>,
        tpu.vector_store_idx %arg11[%parallel_loop3A_574], %parallel_loop3A_564 {add = true} : memref<160xf32, #tpu.memory_space<vmem>>[vector<16xi32>], vector<16xf32>,
        tpu.vector_store_idx %arg10[%parallel_loop3A_578], %broadcast_in_dim3A_3 {add = true} : memref<160xf32, #tpu.memory_space<vmem>>[vector<16xi32>], vector<16xf32>,
        tpu.vector_store_idx %arg12[%parallel_loop3A_578], %parallel_loop3A_564 {add = true} : memref<160xf32, #tpu.memory_space<vmem>>[vector<16xi32>], vector<16xf32>,
      } {sc.loop_unroll_factor = 2 : i64, sc.parallel_access}
      %add3A_278 = arith.constant 1 : i32
      %add3A_279 = arith.addi %scan3A_252, %add3A_278 : i32
      %lt3A_280 = arith.constant 2 : i32
      %lt3A_281 = arith.cmpi slt, %add3A_279, %lt3A_280 : i32
      %convert_element_type3A_282 = arith.extui %lt3A_281 : i1 to i32
      %cond3A_283 = arith.constant 0 : i32
      %cond3A_284 = arith.cmpi ne, %convert_element_type3A_282, %cond3A_283 : i32
      scf.if %cond3A_284 {
        %mul3A_286 = arith.constant 2 : i32
        %mul3A_287 = arith.muli %mul3A_286, %scan3A_252 : i32
        %add3A_288 = arith.constant 3 : i32
        %add3A_289 = arith.addi %mul3A_287, %add3A_288 : i32
        %mul3A_290 = arith.constant 16384 : i32
        %mul3A_291 = arith.muli %add3A_289, %mul3A_290 : i32
        %add3A_292 = arith.addi %mul3A_90, %mul3A_291 : i32
        %mul3A_293 = arith.constant 2 : i32
        %mul3A_294 = arith.muli %mul3A_293, %add3A_292 : i32
        %dma_start3A_295 = tpu.memref_slice %arg2[%mul3A_294] : memref<4194304xf32, #tpu.memory_space<hbm>> -> memref<32768xf32, #tpu.memory_space<hbm>>
        %dma_start3A_296 = tpu.memref_slice %arg2[%mul3A_294] : memref<4194304xf32, #tpu.memory_space<hbm>> -> memref<32768xf32, #tpu.memory_space<hbm>>
        tpu.enqueue_dma source(%dma_start3A_296 : memref<32768xf32, #tpu.memory_space<hbm>>) target(%arg7 : memref<32768xf32, #tpu.memory_space<vmem>>) target_semaphore(%arg14 : memref<!tpu.dma_semaphore, #tpu.memory_space<semaphore_mem>>)
        %dma_start3A_297 = tpu.memref_slice %arg3[%add3A_292] : memref<2097152xi32, #tpu.memory_space<hbm>> -> memref<16384xi32, #tpu.memory_space<hbm>>
        %dma_start3A_298 = tpu.memref_slice %arg3[%add3A_292] : memref<2097152xi32, #tpu.memory_space<hbm>> -> memref<16384xi32, #tpu.memory_space<hbm>>
        tpu.enqueue_dma source(%dma_start3A_298 : memref<16384xi32, #tpu.memory_space<hbm>>) target(%arg8 : memref<16384xi32, #tpu.memory_space<vmem>>) target_semaphore(%arg14 : memref<!tpu.dma_semaphore, #tpu.memory_space<semaphore_mem>>)
      } else {
      }
      %scan3A_285 = arith.constant 0 : i32
      scf.yield %scan3A_285 : i32
    }
    %scan3A_111 = arith.constant 2 : i32
    %get3A = arith.constant 0 : index
    %get3A_112 = tpu.vector_load %arg9[%get3A] {strides = array<i32>} : memref<160xf32, #tpu.memory_space<vmem>>, vector<16xf32>,
    %get3A_113 = arith.constant 0 : index
    %get3A_114 = tpu.vector_load %arg10[%get3A_113] {strides = array<i32>} : memref<160xf32, #tpu.memory_space<vmem>>, vector<16xf32>,
    %add3A_115 = arith.addf %get3A_112, %get3A_114 : vector<16xf32>
    %swap3A_116 = arith.constant 0 : index
    %swap3A_117 = tpu.vector_load %arg9[%swap3A_116] {strides = array<i32>} : memref<160xf32, #tpu.memory_space<vmem>>, vector<16xf32>,
    tpu.vector_store %arg9[%swap3A_116], %add3A_115 {strides = array<i32>} : memref<160xf32, #tpu.memory_space<vmem>>, vector<16xf32>,
    %get3A_118 = arith.constant 0 : index
    %get3A_119 = tpu.vector_load %arg11[%get3A_118] {strides = array<i32>} : memref<160xf32, #tpu.memory_space<vmem>>, vector<16xf32>,
    %get3A_120 = arith.constant 0 : index
    %get3A_121 = tpu.vector_load %arg12[%get3A_120] {strides = array<i32>} : memref<160xf32, #tpu.memory_space<vmem>>, vector<16xf32>,
    %add3A_122 = arith.addf %get3A_119, %get3A_121 : vector<16xf32>
    %swap3A_123 = arith.constant 0 : index
    %swap3A_124 = tpu.vector_load %arg11[%swap3A_123] {strides = array<i32>} : memref<160xf32, #tpu.memory_space<vmem>>, vector<16xf32>,
    tpu.vector_store %arg11[%swap3A_123], %add3A_122 {strides = array<i32>} : memref<160xf32, #tpu.memory_space<vmem>>, vector<16xf32>,
    %get3A_125 = arith.constant 16 : index
    %get3A_126 = tpu.vector_load %arg9[%get3A_125] {strides = array<i32>} : memref<160xf32, #tpu.memory_space<vmem>>, vector<16xf32>,
    %get3A_127 = arith.constant 16 : index
    %get3A_128 = tpu.vector_load %arg10[%get3A_127] {strides = array<i32>} : memref<160xf32, #tpu.memory_space<vmem>>, vector<16xf32>,
    %add3A_129 = arith.addf %get3A_126, %get3A_128 : vector<16xf32>
    %swap3A_130 = arith.constant 16 : index
    %swap3A_131 = tpu.vector_load %arg9[%swap3A_130] {strides = array<i32>} : memref<160xf32, #tpu.memory_space<vmem>>, vector<16xf32>,
    tpu.vector_store %arg9[%swap3A_130], %add3A_129 {strides = array<i32>} : memref<160xf32, #tpu.memory_space<vmem>>, vector<16xf32>,
    %get3A_132 = arith.constant 16 : index
    %get3A_133 = tpu.vector_load %arg11[%get3A_132] {strides = array<i32>} : memref<160xf32, #tpu.memory_space<vmem>>, vector<16xf32>,
    %get3A_134 = arith.constant 16 : index
    %get3A_135 = tpu.vector_load %arg12[%get3A_134] {strides = array<i32>} : memref<160xf32, #tpu.memory_space<vmem>>, vector<16xf32>,
    %add3A_136 = arith.addf %get3A_133, %get3A_135 : vector<16xf32>
    %swap3A_137 = arith.constant 16 : index
    %swap3A_138 = tpu.vector_load %arg11[%swap3A_137] {strides = array<i32>} : memref<160xf32, #tpu.memory_space<vmem>>, vector<16xf32>,
    tpu.vector_store %arg11[%swap3A_137], %add3A_136 {strides = array<i32>} : memref<160xf32, #tpu.memory_space<vmem>>, vector<16xf32>,
    %get3A_139 = arith.constant 32 : index
    %get3A_140 = tpu.vector_load %arg9[%get3A_139] {strides = array<i32>} : memref<160xf32, #tpu.memory_space<vmem>>, vector<16xf32>,
    %get3A_141 = arith.constant 32 : index
    %get3A_142 = tpu.vector_load %arg10[%get3A_141] {strides = array<i32>} : memref<160xf32, #tpu.memory_space<vmem>>, vector<16xf32>,
    %add3A_143 = arith.addf %get3A_140, %get3A_142 : vector<16xf32>
    %swap3A_144 = arith.constant 32 : index
    %swap3A_145 = tpu.vector_load %arg9[%swap3A_144] {strides = array<i32>} : memref<160xf32, #tpu.memory_space<vmem>>, vector<16xf32>,
    tpu.vector_store %arg9[%swap3A_144], %add3A_143 {strides = array<i32>} : memref<160xf32, #tpu.memory_space<vmem>>, vector<16xf32>,
    %get3A_146 = arith.constant 32 : index
    %get3A_147 = tpu.vector_load %arg11[%get3A_146] {strides = array<i32>} : memref<160xf32, #tpu.memory_space<vmem>>, vector<16xf32>,
    %get3A_148 = arith.constant 32 : index
    %get3A_149 = tpu.vector_load %arg12[%get3A_148] {strides = array<i32>} : memref<160xf32, #tpu.memory_space<vmem>>, vector<16xf32>,
    %add3A_150 = arith.addf %get3A_147, %get3A_149 : vector<16xf32>
    %swap3A_151 = arith.constant 32 : index
    %swap3A_152 = tpu.vector_load %arg11[%swap3A_151] {strides = array<i32>} : memref<160xf32, #tpu.memory_space<vmem>>, vector<16xf32>,
    tpu.vector_store %arg11[%swap3A_151], %add3A_150 {strides = array<i32>} : memref<160xf32, #tpu.memory_space<vmem>>, vector<16xf32>,
    %get3A_153 = arith.constant 48 : index
    %get3A_154 = tpu.vector_load %arg9[%get3A_153] {strides = array<i32>} : memref<160xf32, #tpu.memory_space<vmem>>, vector<16xf32>,
    %get3A_155 = arith.constant 48 : index
    %get3A_156 = tpu.vector_load %arg10[%get3A_155] {strides = array<i32>} : memref<160xf32, #tpu.memory_space<vmem>>, vector<16xf32>,
    %add3A_157 = arith.addf %get3A_154, %get3A_156 : vector<16xf32>
    %swap3A_158 = arith.constant 48 : index
    %swap3A_159 = tpu.vector_load %arg9[%swap3A_158] {strides = array<i32>} : memref<160xf32, #tpu.memory_space<vmem>>, vector<16xf32>,
    tpu.vector_store %arg9[%swap3A_158], %add3A_157 {strides = array<i32>} : memref<160xf32, #tpu.memory_space<vmem>>, vector<16xf32>,
    %get3A_160 = arith.constant 48 : index
    %get3A_161 = tpu.vector_load %arg11[%get3A_160] {strides = array<i32>} : memref<160xf32, #tpu.memory_space<vmem>>, vector<16xf32>,
    %get3A_162 = arith.constant 48 : index
    %get3A_163 = tpu.vector_load %arg12[%get3A_162] {strides = array<i32>} : memref<160xf32, #tpu.memory_space<vmem>>, vector<16xf32>,
    %add3A_164 = arith.addf %get3A_161, %get3A_163 : vector<16xf32>
    %swap3A_165 = arith.constant 48 : index
    %swap3A_166 = tpu.vector_load %arg11[%swap3A_165] {strides = array<i32>} : memref<160xf32, #tpu.memory_space<vmem>>, vector<16xf32>,
    tpu.vector_store %arg11[%swap3A_165], %add3A_164 {strides = array<i32>} : memref<160xf32, #tpu.memory_space<vmem>>, vector<16xf32>,
    %get3A_167 = arith.constant 64 : index
    %get3A_168 = tpu.vector_load %arg9[%get3A_167] {strides = array<i32>} : memref<160xf32, #tpu.memory_space<vmem>>, vector<16xf32>,
    %get3A_169 = arith.constant 64 : index
    %get3A_170 = tpu.vector_load %arg10[%get3A_169] {strides = array<i32>} : memref<160xf32, #tpu.memory_space<vmem>>, vector<16xf32>,
    %add3A_171 = arith.addf %get3A_168, %get3A_170 : vector<16xf32>
    %swap3A_172 = arith.constant 64 : index
    %swap3A_173 = tpu.vector_load %arg9[%swap3A_172] {strides = array<i32>} : memref<160xf32, #tpu.memory_space<vmem>>, vector<16xf32>,
    tpu.vector_store %arg9[%swap3A_172], %add3A_171 {strides = array<i32>} : memref<160xf32, #tpu.memory_space<vmem>>, vector<16xf32>,
    %get3A_174 = arith.constant 64 : index
    %get3A_175 = tpu.vector_load %arg11[%get3A_174] {strides = array<i32>} : memref<160xf32, #tpu.memory_space<vmem>>, vector<16xf32>,
    %get3A_176 = arith.constant 64 : index
    %get3A_177 = tpu.vector_load %arg12[%get3A_176] {strides = array<i32>} : memref<160xf32, #tpu.memory_space<vmem>>, vector<16xf32>,
    %add3A_178 = arith.addf %get3A_175, %get3A_177 : vector<16xf32>
    %swap3A_179 = arith.constant 64 : index
    %swap3A_180 = tpu.vector_load %arg11[%swap3A_179] {strides = array<i32>} : memref<160xf32, #tpu.memory_space<vmem>>, vector<16xf32>,
    tpu.vector_store %arg11[%swap3A_179], %add3A_178 {strides = array<i32>} : memref<160xf32, #tpu.memory_space<vmem>>, vector<16xf32>,
    %get3A_181 = arith.constant 80 : index
    %get3A_182 = tpu.vector_load %arg9[%get3A_181] {strides = array<i32>} : memref<160xf32, #tpu.memory_space<vmem>>, vector<16xf32>,
    %get3A_183 = arith.constant 80 : index
    %get3A_184 = tpu.vector_load %arg10[%get3A_183] {strides = array<i32>} : memref<160xf32, #tpu.memory_space<vmem>>, vector<16xf32>,
    %add3A_185 = arith.addf %get3A_182, %get3A_184 : vector<16xf32>
    %swap3A_186 = arith.constant 80 : index
    %swap3A_187 = tpu.vector_load %arg9[%swap3A_186] {strides = array<i32>} : memref<160xf32, #tpu.memory_space<vmem>>, vector<16xf32>,
    tpu.vector_store %arg9[%swap3A_186], %add3A_185 {strides = array<i32>} : memref<160xf32, #tpu.memory_space<vmem>>, vector<16xf32>,
    %get3A_188 = arith.constant 80 : index
    %get3A_189 = tpu.vector_load %arg11[%get3A_188] {strides = array<i32>} : memref<160xf32, #tpu.memory_space<vmem>>, vector<16xf32>,
    %get3A_190 = arith.constant 80 : index
    %get3A_191 = tpu.vector_load %arg12[%get3A_190] {strides = array<i32>} : memref<160xf32, #tpu.memory_space<vmem>>, vector<16xf32>,
    %add3A_192 = arith.addf %get3A_189, %get3A_191 : vector<16xf32>
    %swap3A_193 = arith.constant 80 : index
    %swap3A_194 = tpu.vector_load %arg11[%swap3A_193] {strides = array<i32>} : memref<160xf32, #tpu.memory_space<vmem>>, vector<16xf32>,
    tpu.vector_store %arg11[%swap3A_193], %add3A_192 {strides = array<i32>} : memref<160xf32, #tpu.memory_space<vmem>>, vector<16xf32>,
    %get3A_195 = arith.constant 96 : index
    %get3A_196 = tpu.vector_load %arg9[%get3A_195] {strides = array<i32>} : memref<160xf32, #tpu.memory_space<vmem>>, vector<16xf32>,
    %get3A_197 = arith.constant 96 : index
    %get3A_198 = tpu.vector_load %arg10[%get3A_197] {strides = array<i32>} : memref<160xf32, #tpu.memory_space<vmem>>, vector<16xf32>,
    %add3A_199 = arith.addf %get3A_196, %get3A_198 : vector<16xf32>
    %swap3A_200 = arith.constant 96 : index
    %swap3A_201 = tpu.vector_load %arg9[%swap3A_200] {strides = array<i32>} : memref<160xf32, #tpu.memory_space<vmem>>, vector<16xf32>,
    tpu.vector_store %arg9[%swap3A_200], %add3A_199 {strides = array<i32>} : memref<160xf32, #tpu.memory_space<vmem>>, vector<16xf32>,
    %get3A_202 = arith.constant 96 : index
    %get3A_203 = tpu.vector_load %arg11[%get3A_202] {strides = array<i32>} : memref<160xf32, #tpu.memory_space<vmem>>, vector<16xf32>,
    %get3A_204 = arith.constant 96 : index
    %get3A_205 = tpu.vector_load %arg12[%get3A_204] {strides = array<i32>} : memref<160xf32, #tpu.memory_space<vmem>>, vector<16xf32>,
    %add3A_206 = arith.addf %get3A_203, %get3A_205 : vector<16xf32>
    %swap3A_207 = arith.constant 96 : index
    %swap3A_208 = tpu.vector_load %arg11[%swap3A_207] {strides = array<i32>} : memref<160xf32, #tpu.memory_space<vmem>>, vector<16xf32>,
    tpu.vector_store %arg11[%swap3A_207], %add3A_206 {strides = array<i32>} : memref<160xf32, #tpu.memory_space<vmem>>, vector<16xf32>,
    %get3A_209 = arith.constant 112 : index
    %get3A_210 = tpu.vector_load %arg9[%get3A_209] {strides = array<i32>} : memref<160xf32, #tpu.memory_space<vmem>>, vector<16xf32>,
    %get3A_211 = arith.constant 112 : index
    %get3A_212 = tpu.vector_load %arg10[%get3A_211] {strides = array<i32>} : memref<160xf32, #tpu.memory_space<vmem>>, vector<16xf32>,
    %add3A_213 = arith.addf %get3A_210, %get3A_212 : vector<16xf32>
    %swap3A_214 = arith.constant 112 : index
    %swap3A_215 = tpu.vector_load %arg9[%swap3A_214] {strides = array<i32>} : memref<160xf32, #tpu.memory_space<vmem>>, vector<16xf32>,
    tpu.vector_store %arg9[%swap3A_214], %add3A_213 {strides = array<i32>} : memref<160xf32, #tpu.memory_space<vmem>>, vector<16xf32>,
    %get3A_216 = arith.constant 112 : index
    %get3A_217 = tpu.vector_load %arg11[%get3A_216] {strides = array<i32>} : memref<160xf32, #tpu.memory_space<vmem>>, vector<16xf32>,
    %get3A_218 = arith.constant 112 : index
    %get3A_219 = tpu.vector_load %arg12[%get3A_218] {strides = array<i32>} : memref<160xf32, #tpu.memory_space<vmem>>, vector<16xf32>,
    %add3A_220 = arith.addf %get3A_217, %get3A_219 : vector<16xf32>
    %swap3A_221 = arith.constant 112 : index
    %swap3A_222 = tpu.vector_load %arg11[%swap3A_221] {strides = array<i32>} : memref<160xf32, #tpu.memory_space<vmem>>, vector<16xf32>,
    tpu.vector_store %arg11[%swap3A_221], %add3A_220 {strides = array<i32>} : memref<160xf32, #tpu.memory_space<vmem>>, vector<16xf32>,
    %get3A_223 = arith.constant 128 : index
    %get3A_224 = tpu.vector_load %arg9[%get3A_223] {strides = array<i32>} : memref<160xf32, #tpu.memory_space<vmem>>, vector<16xf32>,
    %get3A_225 = arith.constant 128 : index
    %get3A_226 = tpu.vector_load %arg10[%get3A_225] {strides = array<i32>} : memref<160xf32, #tpu.memory_space<vmem>>, vector<16xf32>,
    %add3A_227 = arith.addf %get3A_224, %get3A_226 : vector<16xf32>
    %swap3A_228 = arith.constant 128 : index
    %swap3A_229 = tpu.vector_load %arg9[%swap3A_228] {strides = array<i32>} : memref<160xf32, #tpu.memory_space<vmem>>, vector<16xf32>,
    tpu.vector_store %arg9[%swap3A_228], %add3A_227 {strides = array<i32>} : memref<160xf32, #tpu.memory_space<vmem>>, vector<16xf32>,
    %get3A_230 = arith.constant 128 : index
    %get3A_231 = tpu.vector_load %arg11[%get3A_230] {strides = array<i32>} : memref<160xf32, #tpu.memory_space<vmem>>, vector<16xf32>,
    %get3A_232 = arith.constant 128 : index
    %get3A_233 = tpu.vector_load %arg12[%get3A_232] {strides = array<i32>} : memref<160xf32, #tpu.memory_space<vmem>>, vector<16xf32>,
    %add3A_234 = arith.addf %get3A_231, %get3A_233 : vector<16xf32>
    %swap3A_235 = arith.constant 128 : index
    %swap3A_236 = tpu.vector_load %arg11[%swap3A_235] {strides = array<i32>} : memref<160xf32, #tpu.memory_space<vmem>>, vector<16xf32>,
    tpu.vector_store %arg11[%swap3A_235], %add3A_234 {strides = array<i32>} : memref<160xf32, #tpu.memory_space<vmem>>, vector<16xf32>,
    %get3A_237 = arith.constant 144 : index
    %get3A_238 = tpu.vector_load %arg9[%get3A_237] {strides = array<i32>} : memref<160xf32, #tpu.memory_space<vmem>>, vector<16xf32>,
    %get3A_239 = arith.constant 144 : index
    %get3A_240 = tpu.vector_load %arg10[%get3A_239] {strides = array<i32>} : memref<160xf32, #tpu.memory_space<vmem>>, vector<16xf32>,
    %add3A_241 = arith.addf %get3A_238, %get3A_240 : vector<16xf32>
    %swap3A_242 = arith.constant 144 : index
    %swap3A_243 = tpu.vector_load %arg9[%swap3A_242] {strides = array<i32>} : memref<160xf32, #tpu.memory_space<vmem>>, vector<16xf32>,
    tpu.vector_store %arg9[%swap3A_242], %add3A_241 {strides = array<i32>} : memref<160xf32, #tpu.memory_space<vmem>>, vector<16xf32>,
    %get3A_244 = arith.constant 144 : index
    %get3A_245 = tpu.vector_load %arg11[%get3A_244] {strides = array<i32>} : memref<160xf32, #tpu.memory_space<vmem>>, vector<16xf32>,
    %get3A_246 = arith.constant 144 : index
    %get3A_247 = tpu.vector_load %arg12[%get3A_246] {strides = array<i32>} : memref<160xf32, #tpu.memory_space<vmem>>, vector<16xf32>,
    %add3A_248 = arith.addf %get3A_245, %get3A_247 : vector<16xf32>
    %swap3A_249 = arith.constant 144 : index
    %swap3A_250 = tpu.vector_load %arg11[%swap3A_249] {strides = array<i32>} : memref<160xf32, #tpu.memory_space<vmem>>, vector<16xf32>,
    tpu.vector_store %arg11[%swap3A_249], %add3A_248 {strides = array<i32>} : memref<160xf32, #tpu.memory_space<vmem>>, vector<16xf32>,
    %run_scoped3A = arith.constant 0 : i32
    "tpu.region"() ({
      %run_scoped3A_252 = tpu.sem_alloc : memref<!tpu.dma_semaphore, #tpu.memory_space<semaphore_mem>>
      %dma_start3A_253 = arith.constant 0 : i32
      %dma_start3A_254 = tpu.memref_slice %arg4[%run_scoped3A, %add3A, %dma_start3A_253] : memref<2x32x160xf32, #tpu.memory_space<hbm>> -> memref<1x1x160xf32, #tpu.memory_space<hbm>>
      %dma_start3A_255 = tpu.memref_squeeze %dma_start3A_254 : memref<1x1x160xf32, #tpu.memory_space<hbm>> -> memref<160xf32, #tpu.memory_space<hbm>>
      %dma_start3A_256 = arith.constant 0 : i32
      %dma_start3A_257 = tpu.memref_slice %arg4[%run_scoped3A, %add3A, %dma_start3A_256] : memref<2x32x160xf32, #tpu.memory_space<hbm>> -> memref<1x1x160xf32, #tpu.memory_space<hbm>>
      %dma_start3A_258 = tpu.memref_squeeze %dma_start3A_257 : memref<1x1x160xf32, #tpu.memory_space<hbm>> -> memref<160xf32, #tpu.memory_space<hbm>>
      tpu.enqueue_dma source(%arg9 : memref<160xf32, #tpu.memory_space<vmem>>) target(%dma_start3A_258 : memref<160xf32, #tpu.memory_space<hbm>>) target_semaphore(%run_scoped3A_252 : memref<!tpu.dma_semaphore, #tpu.memory_space<semaphore_mem>>)
      %dma_wait3A = arith.constant 0 : i32
      %dma_wait3A_259 = tpu.memref_slice %arg4[%run_scoped3A, %add3A, %dma_wait3A] : memref<2x32x160xf32, #tpu.memory_space<hbm>> -> memref<1x1x160xf32, #tpu.memory_space<hbm>>
      %dma_wait3A_260 = tpu.memref_squeeze %dma_wait3A_259 : memref<1x1x160xf32, #tpu.memory_space<hbm>> -> memref<160xf32, #tpu.memory_space<hbm>>
      %dma_wait3A_261 = arith.constant 0 : i32
      %dma_wait3A_262 = tpu.memref_slice %arg4[%run_scoped3A, %add3A, %dma_wait3A_261] : memref<2x32x160xf32, #tpu.memory_space<hbm>> -> memref<1x1x160xf32, #tpu.memory_space<hbm>>
      %dma_wait3A_263 = tpu.memref_squeeze %dma_wait3A_262 : memref<1x1x160xf32, #tpu.memory_space<hbm>> -> memref<160xf32, #tpu.memory_space<hbm>>
      tpu.wait_dma2 semaphore(%run_scoped3A_252 : memref<!tpu.dma_semaphore, #tpu.memory_space<semaphore_mem>>) src(%arg9 : memref<160xf32, #tpu.memory_space<vmem>>) dst(%dma_wait3A_263 : memref<160xf32, #tpu.memory_space<hbm>>)
      tpu.yield
    }) : () -> ()
    %run_scoped3A_251 = arith.constant 1 : i32
    "tpu.region"() ({
      %run_scoped3A_252 = tpu.sem_alloc : memref<!tpu.dma_semaphore, #tpu.memory_space<semaphore_mem>>
      %dma_start3A_253 = arith.constant 0 : i32
      %dma_start3A_254 = tpu.memref_slice %arg4[%run_scoped3A_251, %add3A, %dma_start3A_253] : memref<2x32x160xf32, #tpu.memory_space<hbm>> -> memref<1x1x160xf32, #tpu.memory_space<hbm>>
      %dma_start3A_255 = tpu.memref_squeeze %dma_start3A_254 : memref<1x1x160xf32, #tpu.memory_space<hbm>> -> memref<160xf32, #tpu.memory_space<hbm>>
      %dma_start3A_256 = arith.constant 0 : i32
      %dma_start3A_257 = tpu.memref_slice %arg4[%run_scoped3A_251, %add3A, %dma_start3A_256] : memref<2x32x160xf32, #tpu.memory_space<hbm>> -> memref<1x1x160xf32, #tpu.memory_space<hbm>>
      %dma_start3A_258 = tpu.memref_squeeze %dma_start3A_257 : memref<1x1x160xf32, #tpu.memory_space<hbm>> -> memref<160xf32, #tpu.memory_space<hbm>>
      tpu.enqueue_dma source(%arg11 : memref<160xf32, #tpu.memory_space<vmem>>) target(%dma_start3A_258 : memref<160xf32, #tpu.memory_space<hbm>>) target_semaphore(%run_scoped3A_252 : memref<!tpu.dma_semaphore, #tpu.memory_space<semaphore_mem>>)
      %dma_wait3A = arith.constant 0 : i32
      %dma_wait3A_259 = tpu.memref_slice %arg4[%run_scoped3A_251, %add3A, %dma_wait3A] : memref<2x32x160xf32, #tpu.memory_space<hbm>> -> memref<1x1x160xf32, #tpu.memory_space<hbm>>
      %dma_wait3A_260 = tpu.memref_squeeze %dma_wait3A_259 : memref<1x1x160xf32, #tpu.memory_space<hbm>> -> memref<160xf32, #tpu.memory_space<hbm>>
      %dma_wait3A_261 = arith.constant 0 : i32
      %dma_wait3A_262 = tpu.memref_slice %arg4[%run_scoped3A_251, %add3A, %dma_wait3A_261] : memref<2x32x160xf32, #tpu.memory_space<hbm>> -> memref<1x1x160xf32, #tpu.memory_space<hbm>>
      %dma_wait3A_263 = tpu.memref_squeeze %dma_wait3A_262 : memref<1x1x160xf32, #tpu.memory_space<hbm>> -> memref<160xf32, #tpu.memory_space<hbm>>
      tpu.wait_dma2 semaphore(%run_scoped3A_252 : memref<!tpu.dma_semaphore, #tpu.memory_space<semaphore_mem>>) src(%arg11 : memref<160xf32, #tpu.memory_space<vmem>>) dst(%dma_wait3A_263 : memref<160xf32, #tpu.memory_space<hbm>>)
      tpu.yield
    }) : () -> ()
    return
  }
}

module attributes {stable_mosaic.version = 14 : i64} {
  func.func @_combine_body(%arg0: memref<2x32x160xf32, #tpu.memory_space<vmem>>, %arg1: memref<1x1xf32, #tpu.memory_space<smem>>) attributes {dimension_semantics = [], scalar_prefetch = 0 : i64, scratch_operands = 0 : i64, tpu.core_type = #tpu.core_type<tc>} {
    %get3A = arith.constant 0 : index
    %get3A_0 = arith.constant 0 : index
    %get3A_1 = arith.constant 0 : index
    %get3A_2 = vector.load %arg0[%get3A, %get3A_0, %get3A_1] : memref<2x32x160xf32, #tpu.memory_space<vmem>>, vector<2x32x160xf32>
    %slice3A = vector.extract_strided_slice %get3A_2 {offsets = [0, 0, 0], sizes = [1, 32, 160], strides = [1, 1, 1]} : vector<2x32x160xf32> to vector<1x32x160xf32>
    %squeeze3A = vector.shape_cast %slice3A : vector<1x32x160xf32> to vector<32x160xf32>
    %reduce_sum3A = arith.constant dense<0.000000e+00> : vector<160xf32>
    %reduce_sum3A_3 = vector.multi_reduction <add>, %squeeze3A, %reduce_sum3A [0] : vector<32x160xf32> to vector<160xf32>
    %broadcast_in_dim3A = vector.shape_cast %reduce_sum3A_3 : vector<160xf32> to vector<1x160xf32>
    %slice3A_4 = vector.extract_strided_slice %get3A_2 {offsets = [1, 0, 0], sizes = [1, 32, 160], strides = [1, 1, 1]} : vector<2x32x160xf32> to vector<1x32x160xf32>
    %squeeze3A_5 = vector.shape_cast %slice3A_4 : vector<1x32x160xf32> to vector<32x160xf32>
    %reduce_sum3A_6 = arith.constant dense<0.000000e+00> : vector<160xf32>
    %reduce_sum3A_7 = vector.multi_reduction <add>, %squeeze3A_5, %reduce_sum3A_6 [0] : vector<32x160xf32> to vector<160xf32>
    %broadcast_in_dim3A_8 = vector.shape_cast %reduce_sum3A_7 : vector<160xf32> to vector<1x160xf32>
    %slice3A_9 = vector.extract_strided_slice %broadcast_in_dim3A {offsets = [0, 0], sizes = [1, 16], strides = [1, 1]} : vector<1x160xf32> to vector<1x16xf32>
    %reduce_sum3A_10 = vector.shape_cast %slice3A_9 : vector<1x16xf32> to vector<1x1x16xf32>
    %reduce_sum3A_11 = arith.constant dense<0.000000e+00> : vector<1xf32>
    %reduce_sum3A_12 = vector.multi_reduction <add>, %reduce_sum3A_10, %reduce_sum3A_11 [1, 2] : vector<1x1x16xf32> to vector<1xf32>
    %reduce_sum3A_13 = vector.shape_cast %reduce_sum3A_12 : vector<1xf32> to vector<1x1x1xf32>
    %reduce_sum3A_14 = vector.extract %reduce_sum3A_13[0, 0, 0] : f32 from vector<1x1x1xf32>
    %slice3A_15 = vector.extract_strided_slice %broadcast_in_dim3A_8 {offsets = [0, 0], sizes = [1, 16], strides = [1, 1]} : vector<1x160xf32> to vector<1x16xf32>
    %reduce_sum3A_16 = vector.shape_cast %slice3A_15 : vector<1x16xf32> to vector<1x1x16xf32>
    %reduce_sum3A_17 = arith.constant dense<0.000000e+00> : vector<1xf32>
    %reduce_sum3A_18 = vector.multi_reduction <add>, %reduce_sum3A_16, %reduce_sum3A_17 [1, 2] : vector<1x1x16xf32> to vector<1xf32>
    %reduce_sum3A_19 = vector.shape_cast %reduce_sum3A_18 : vector<1xf32> to vector<1x1x1xf32>
    %reduce_sum3A_20 = vector.extract %reduce_sum3A_19[0, 0, 0] : f32 from vector<1x1x1xf32>
    %gt3A = arith.constant 0.000000e+00 : f32
    %gt3A_21 = arith.cmpf ogt, %reduce_sum3A_14, %gt3A : f32
    %convert_element_type3A = arith.extui %gt3A_21 : i1 to i32
    %convert_element_type3A_22 = arith.sitofp %convert_element_type3A : i32 to f32
    %add3A = arith.constant 0.000000e+00 : f32
    %add3A_23 = arith.addf %add3A, %convert_element_type3A_22 : f32
    %jit3A = arith.constant 1.000000e+00 : f32
    %select_n3A = arith.select %gt3A_21, %reduce_sum3A_14, %jit3A : f32
    %div3A = arith.divf %reduce_sum3A_20, %select_n3A : f32
    %jit3A_24 = arith.constant 0.000000e+00 : f32
    %select_n3A_25 = arith.select %gt3A_21, %div3A, %jit3A_24 : f32
    %add3A_26 = arith.constant 0.000000e+00 : f32
    %add3A_27 = arith.addf %add3A_26, %select_n3A_25 : f32
    %slice3A_28 = vector.extract_strided_slice %broadcast_in_dim3A {offsets = [0, 16], sizes = [1, 16], strides = [1, 1]} : vector<1x160xf32> to vector<1x16xf32>
    %reduce_sum3A_29 = vector.shape_cast %slice3A_28 : vector<1x16xf32> to vector<1x1x16xf32>
    %reduce_sum3A_30 = arith.constant dense<0.000000e+00> : vector<1xf32>
    %reduce_sum3A_31 = vector.multi_reduction <add>, %reduce_sum3A_29, %reduce_sum3A_30 [1, 2] : vector<1x1x16xf32> to vector<1xf32>
    %reduce_sum3A_32 = vector.shape_cast %reduce_sum3A_31 : vector<1xf32> to vector<1x1x1xf32>
    %reduce_sum3A_33 = vector.extract %reduce_sum3A_32[0, 0, 0] : f32 from vector<1x1x1xf32>
    %slice3A_34 = vector.extract_strided_slice %broadcast_in_dim3A_8 {offsets = [0, 16], sizes = [1, 16], strides = [1, 1]} : vector<1x160xf32> to vector<1x16xf32>
    %reduce_sum3A_35 = vector.shape_cast %slice3A_34 : vector<1x16xf32> to vector<1x1x16xf32>
    %reduce_sum3A_36 = arith.constant dense<0.000000e+00> : vector<1xf32>
    %reduce_sum3A_37 = vector.multi_reduction <add>, %reduce_sum3A_35, %reduce_sum3A_36 [1, 2] : vector<1x1x16xf32> to vector<1xf32>
    %reduce_sum3A_38 = vector.shape_cast %reduce_sum3A_37 : vector<1xf32> to vector<1x1x1xf32>
    %reduce_sum3A_39 = vector.extract %reduce_sum3A_38[0, 0, 0] : f32 from vector<1x1x1xf32>
    %gt3A_40 = arith.constant 0.000000e+00 : f32
    %gt3A_41 = arith.cmpf ogt, %reduce_sum3A_33, %gt3A_40 : f32
    %convert_element_type3A_42 = arith.extui %gt3A_41 : i1 to i32
    %convert_element_type3A_43 = arith.sitofp %convert_element_type3A_42 : i32 to f32
    %add3A_44 = arith.addf %add3A_23, %convert_element_type3A_43 : f32
    %jit3A_45 = arith.constant 1.000000e+00 : f32
    %select_n3A_46 = arith.select %gt3A_41, %reduce_sum3A_33, %jit3A_45 : f32
    %div3A_47 = arith.divf %reduce_sum3A_39, %select_n3A_46 : f32
    %jit3A_48 = arith.constant 0.000000e+00 : f32
    %select_n3A_49 = arith.select %gt3A_41, %div3A_47, %jit3A_48 : f32
    %add3A_50 = arith.addf %add3A_27, %select_n3A_49 : f32
    %slice3A_51 = vector.extract_strided_slice %broadcast_in_dim3A {offsets = [0, 32], sizes = [1, 16], strides = [1, 1]} : vector<1x160xf32> to vector<1x16xf32>
    %reduce_sum3A_52 = vector.shape_cast %slice3A_51 : vector<1x16xf32> to vector<1x1x16xf32>
    %reduce_sum3A_53 = arith.constant dense<0.000000e+00> : vector<1xf32>
    %reduce_sum3A_54 = vector.multi_reduction <add>, %reduce_sum3A_52, %reduce_sum3A_53 [1, 2] : vector<1x1x16xf32> to vector<1xf32>
    %reduce_sum3A_55 = vector.shape_cast %reduce_sum3A_54 : vector<1xf32> to vector<1x1x1xf32>
    %reduce_sum3A_56 = vector.extract %reduce_sum3A_55[0, 0, 0] : f32 from vector<1x1x1xf32>
    %slice3A_57 = vector.extract_strided_slice %broadcast_in_dim3A_8 {offsets = [0, 32], sizes = [1, 16], strides = [1, 1]} : vector<1x160xf32> to vector<1x16xf32>
    %reduce_sum3A_58 = vector.shape_cast %slice3A_57 : vector<1x16xf32> to vector<1x1x16xf32>
    %reduce_sum3A_59 = arith.constant dense<0.000000e+00> : vector<1xf32>
    %reduce_sum3A_60 = vector.multi_reduction <add>, %reduce_sum3A_58, %reduce_sum3A_59 [1, 2] : vector<1x1x16xf32> to vector<1xf32>
    %reduce_sum3A_61 = vector.shape_cast %reduce_sum3A_60 : vector<1xf32> to vector<1x1x1xf32>
    %reduce_sum3A_62 = vector.extract %reduce_sum3A_61[0, 0, 0] : f32 from vector<1x1x1xf32>
    %gt3A_63 = arith.constant 0.000000e+00 : f32
    %gt3A_64 = arith.cmpf ogt, %reduce_sum3A_56, %gt3A_63 : f32
    %convert_element_type3A_65 = arith.extui %gt3A_64 : i1 to i32
    %convert_element_type3A_66 = arith.sitofp %convert_element_type3A_65 : i32 to f32
    %add3A_67 = arith.addf %add3A_44, %convert_element_type3A_66 : f32
    %jit3A_68 = arith.constant 1.000000e+00 : f32
    %select_n3A_69 = arith.select %gt3A_64, %reduce_sum3A_56, %jit3A_68 : f32
    %div3A_70 = arith.divf %reduce_sum3A_62, %select_n3A_69 : f32
    %jit3A_71 = arith.constant 0.000000e+00 : f32
    %select_n3A_72 = arith.select %gt3A_64, %div3A_70, %jit3A_71 : f32
    %add3A_73 = arith.addf %add3A_50, %select_n3A_72 : f32
    %slice3A_74 = vector.extract_strided_slice %broadcast_in_dim3A {offsets = [0, 48], sizes = [1, 16], strides = [1, 1]} : vector<1x160xf32> to vector<1x16xf32>
    %reduce_sum3A_75 = vector.shape_cast %slice3A_74 : vector<1x16xf32> to vector<1x1x16xf32>
    %reduce_sum3A_76 = arith.constant dense<0.000000e+00> : vector<1xf32>
    %reduce_sum3A_77 = vector.multi_reduction <add>, %reduce_sum3A_75, %reduce_sum3A_76 [1, 2] : vector<1x1x16xf32> to vector<1xf32>
    %reduce_sum3A_78 = vector.shape_cast %reduce_sum3A_77 : vector<1xf32> to vector<1x1x1xf32>
    %reduce_sum3A_79 = vector.extract %reduce_sum3A_78[0, 0, 0] : f32 from vector<1x1x1xf32>
    %slice3A_80 = vector.extract_strided_slice %broadcast_in_dim3A_8 {offsets = [0, 48], sizes = [1, 16], strides = [1, 1]} : vector<1x160xf32> to vector<1x16xf32>
    %reduce_sum3A_81 = vector.shape_cast %slice3A_80 : vector<1x16xf32> to vector<1x1x16xf32>
    %reduce_sum3A_82 = arith.constant dense<0.000000e+00> : vector<1xf32>
    %reduce_sum3A_83 = vector.multi_reduction <add>, %reduce_sum3A_81, %reduce_sum3A_82 [1, 2] : vector<1x1x16xf32> to vector<1xf32>
    %reduce_sum3A_84 = vector.shape_cast %reduce_sum3A_83 : vector<1xf32> to vector<1x1x1xf32>
    %reduce_sum3A_85 = vector.extract %reduce_sum3A_84[0, 0, 0] : f32 from vector<1x1x1xf32>
    %gt3A_86 = arith.constant 0.000000e+00 : f32
    %gt3A_87 = arith.cmpf ogt, %reduce_sum3A_79, %gt3A_86 : f32
    %convert_element_type3A_88 = arith.extui %gt3A_87 : i1 to i32
    %convert_element_type3A_89 = arith.sitofp %convert_element_type3A_88 : i32 to f32
    %add3A_90 = arith.addf %add3A_67, %convert_element_type3A_89 : f32
    %jit3A_91 = arith.constant 1.000000e+00 : f32
    %select_n3A_92 = arith.select %gt3A_87, %reduce_sum3A_79, %jit3A_91 : f32
    %div3A_93 = arith.divf %reduce_sum3A_85, %select_n3A_92 : f32
    %jit3A_94 = arith.constant 0.000000e+00 : f32
    %select_n3A_95 = arith.select %gt3A_87, %div3A_93, %jit3A_94 : f32
    %add3A_96 = arith.addf %add3A_73, %select_n3A_95 : f32
    %slice3A_97 = vector.extract_strided_slice %broadcast_in_dim3A {offsets = [0, 64], sizes = [1, 16], strides = [1, 1]} : vector<1x160xf32> to vector<1x16xf32>
    %reduce_sum3A_98 = vector.shape_cast %slice3A_97 : vector<1x16xf32> to vector<1x1x16xf32>
    %reduce_sum3A_99 = arith.constant dense<0.000000e+00> : vector<1xf32>
    %reduce_sum3A_100 = vector.multi_reduction <add>, %reduce_sum3A_98, %reduce_sum3A_99 [1, 2] : vector<1x1x16xf32> to vector<1xf32>
    %reduce_sum3A_101 = vector.shape_cast %reduce_sum3A_100 : vector<1xf32> to vector<1x1x1xf32>
    %reduce_sum3A_102 = vector.extract %reduce_sum3A_101[0, 0, 0] : f32 from vector<1x1x1xf32>
    %slice3A_103 = vector.extract_strided_slice %broadcast_in_dim3A_8 {offsets = [0, 64], sizes = [1, 16], strides = [1, 1]} : vector<1x160xf32> to vector<1x16xf32>
    %reduce_sum3A_104 = vector.shape_cast %slice3A_103 : vector<1x16xf32> to vector<1x1x16xf32>
    %reduce_sum3A_105 = arith.constant dense<0.000000e+00> : vector<1xf32>
    %reduce_sum3A_106 = vector.multi_reduction <add>, %reduce_sum3A_104, %reduce_sum3A_105 [1, 2] : vector<1x1x16xf32> to vector<1xf32>
    %reduce_sum3A_107 = vector.shape_cast %reduce_sum3A_106 : vector<1xf32> to vector<1x1x1xf32>
    %reduce_sum3A_108 = vector.extract %reduce_sum3A_107[0, 0, 0] : f32 from vector<1x1x1xf32>
    %gt3A_109 = arith.constant 0.000000e+00 : f32
    %gt3A_110 = arith.cmpf ogt, %reduce_sum3A_102, %gt3A_109 : f32
    %convert_element_type3A_111 = arith.extui %gt3A_110 : i1 to i32
    %convert_element_type3A_112 = arith.sitofp %convert_element_type3A_111 : i32 to f32
    %add3A_113 = arith.addf %add3A_90, %convert_element_type3A_112 : f32
    %jit3A_114 = arith.constant 1.000000e+00 : f32
    %select_n3A_115 = arith.select %gt3A_110, %reduce_sum3A_102, %jit3A_114 : f32
    %div3A_116 = arith.divf %reduce_sum3A_108, %select_n3A_115 : f32
    %jit3A_117 = arith.constant 0.000000e+00 : f32
    %select_n3A_118 = arith.select %gt3A_110, %div3A_116, %jit3A_117 : f32
    %add3A_119 = arith.addf %add3A_96, %select_n3A_118 : f32
    %slice3A_120 = vector.extract_strided_slice %broadcast_in_dim3A {offsets = [0, 80], sizes = [1, 16], strides = [1, 1]} : vector<1x160xf32> to vector<1x16xf32>
    %reduce_sum3A_121 = vector.shape_cast %slice3A_120 : vector<1x16xf32> to vector<1x1x16xf32>
    %reduce_sum3A_122 = arith.constant dense<0.000000e+00> : vector<1xf32>
    %reduce_sum3A_123 = vector.multi_reduction <add>, %reduce_sum3A_121, %reduce_sum3A_122 [1, 2] : vector<1x1x16xf32> to vector<1xf32>
    %reduce_sum3A_124 = vector.shape_cast %reduce_sum3A_123 : vector<1xf32> to vector<1x1x1xf32>
    %reduce_sum3A_125 = vector.extract %reduce_sum3A_124[0, 0, 0] : f32 from vector<1x1x1xf32>
    %slice3A_126 = vector.extract_strided_slice %broadcast_in_dim3A_8 {offsets = [0, 80], sizes = [1, 16], strides = [1, 1]} : vector<1x160xf32> to vector<1x16xf32>
    %reduce_sum3A_127 = vector.shape_cast %slice3A_126 : vector<1x16xf32> to vector<1x1x16xf32>
    %reduce_sum3A_128 = arith.constant dense<0.000000e+00> : vector<1xf32>
    %reduce_sum3A_129 = vector.multi_reduction <add>, %reduce_sum3A_127, %reduce_sum3A_128 [1, 2] : vector<1x1x16xf32> to vector<1xf32>
    %reduce_sum3A_130 = vector.shape_cast %reduce_sum3A_129 : vector<1xf32> to vector<1x1x1xf32>
    %reduce_sum3A_131 = vector.extract %reduce_sum3A_130[0, 0, 0] : f32 from vector<1x1x1xf32>
    %gt3A_132 = arith.constant 0.000000e+00 : f32
    %gt3A_133 = arith.cmpf ogt, %reduce_sum3A_125, %gt3A_132 : f32
    %convert_element_type3A_134 = arith.extui %gt3A_133 : i1 to i32
    %convert_element_type3A_135 = arith.sitofp %convert_element_type3A_134 : i32 to f32
    %add3A_136 = arith.addf %add3A_113, %convert_element_type3A_135 : f32
    %jit3A_137 = arith.constant 1.000000e+00 : f32
    %select_n3A_138 = arith.select %gt3A_133, %reduce_sum3A_125, %jit3A_137 : f32
    %div3A_139 = arith.divf %reduce_sum3A_131, %select_n3A_138 : f32
    %jit3A_140 = arith.constant 0.000000e+00 : f32
    %select_n3A_141 = arith.select %gt3A_133, %div3A_139, %jit3A_140 : f32
    %add3A_142 = arith.addf %add3A_119, %select_n3A_141 : f32
    %slice3A_143 = vector.extract_strided_slice %broadcast_in_dim3A {offsets = [0, 96], sizes = [1, 16], strides = [1, 1]} : vector<1x160xf32> to vector<1x16xf32>
    %reduce_sum3A_144 = vector.shape_cast %slice3A_143 : vector<1x16xf32> to vector<1x1x16xf32>
    %reduce_sum3A_145 = arith.constant dense<0.000000e+00> : vector<1xf32>
    %reduce_sum3A_146 = vector.multi_reduction <add>, %reduce_sum3A_144, %reduce_sum3A_145 [1, 2] : vector<1x1x16xf32> to vector<1xf32>
    %reduce_sum3A_147 = vector.shape_cast %reduce_sum3A_146 : vector<1xf32> to vector<1x1x1xf32>
    %reduce_sum3A_148 = vector.extract %reduce_sum3A_147[0, 0, 0] : f32 from vector<1x1x1xf32>
    %slice3A_149 = vector.extract_strided_slice %broadcast_in_dim3A_8 {offsets = [0, 96], sizes = [1, 16], strides = [1, 1]} : vector<1x160xf32> to vector<1x16xf32>
    %reduce_sum3A_150 = vector.shape_cast %slice3A_149 : vector<1x16xf32> to vector<1x1x16xf32>
    %reduce_sum3A_151 = arith.constant dense<0.000000e+00> : vector<1xf32>
    %reduce_sum3A_152 = vector.multi_reduction <add>, %reduce_sum3A_150, %reduce_sum3A_151 [1, 2] : vector<1x1x16xf32> to vector<1xf32>
    %reduce_sum3A_153 = vector.shape_cast %reduce_sum3A_152 : vector<1xf32> to vector<1x1x1xf32>
    %reduce_sum3A_154 = vector.extract %reduce_sum3A_153[0, 0, 0] : f32 from vector<1x1x1xf32>
    %gt3A_155 = arith.constant 0.000000e+00 : f32
    %gt3A_156 = arith.cmpf ogt, %reduce_sum3A_148, %gt3A_155 : f32
    %convert_element_type3A_157 = arith.extui %gt3A_156 : i1 to i32
    %convert_element_type3A_158 = arith.sitofp %convert_element_type3A_157 : i32 to f32
    %add3A_159 = arith.addf %add3A_136, %convert_element_type3A_158 : f32
    %jit3A_160 = arith.constant 1.000000e+00 : f32
    %select_n3A_161 = arith.select %gt3A_156, %reduce_sum3A_148, %jit3A_160 : f32
    %div3A_162 = arith.divf %reduce_sum3A_154, %select_n3A_161 : f32
    %jit3A_163 = arith.constant 0.000000e+00 : f32
    %select_n3A_164 = arith.select %gt3A_156, %div3A_162, %jit3A_163 : f32
    %add3A_165 = arith.addf %add3A_142, %select_n3A_164 : f32
    %slice3A_166 = vector.extract_strided_slice %broadcast_in_dim3A {offsets = [0, 112], sizes = [1, 16], strides = [1, 1]} : vector<1x160xf32> to vector<1x16xf32>
    %reduce_sum3A_167 = vector.shape_cast %slice3A_166 : vector<1x16xf32> to vector<1x1x16xf32>
    %reduce_sum3A_168 = arith.constant dense<0.000000e+00> : vector<1xf32>
    %reduce_sum3A_169 = vector.multi_reduction <add>, %reduce_sum3A_167, %reduce_sum3A_168 [1, 2] : vector<1x1x16xf32> to vector<1xf32>
    %reduce_sum3A_170 = vector.shape_cast %reduce_sum3A_169 : vector<1xf32> to vector<1x1x1xf32>
    %reduce_sum3A_171 = vector.extract %reduce_sum3A_170[0, 0, 0] : f32 from vector<1x1x1xf32>
    %slice3A_172 = vector.extract_strided_slice %broadcast_in_dim3A_8 {offsets = [0, 112], sizes = [1, 16], strides = [1, 1]} : vector<1x160xf32> to vector<1x16xf32>
    %reduce_sum3A_173 = vector.shape_cast %slice3A_172 : vector<1x16xf32> to vector<1x1x16xf32>
    %reduce_sum3A_174 = arith.constant dense<0.000000e+00> : vector<1xf32>
    %reduce_sum3A_175 = vector.multi_reduction <add>, %reduce_sum3A_173, %reduce_sum3A_174 [1, 2] : vector<1x1x16xf32> to vector<1xf32>
    %reduce_sum3A_176 = vector.shape_cast %reduce_sum3A_175 : vector<1xf32> to vector<1x1x1xf32>
    %reduce_sum3A_177 = vector.extract %reduce_sum3A_176[0, 0, 0] : f32 from vector<1x1x1xf32>
    %gt3A_178 = arith.constant 0.000000e+00 : f32
    %gt3A_179 = arith.cmpf ogt, %reduce_sum3A_171, %gt3A_178 : f32
    %convert_element_type3A_180 = arith.extui %gt3A_179 : i1 to i32
    %convert_element_type3A_181 = arith.sitofp %convert_element_type3A_180 : i32 to f32
    %add3A_182 = arith.addf %add3A_159, %convert_element_type3A_181 : f32
    %jit3A_183 = arith.constant 1.000000e+00 : f32
    %select_n3A_184 = arith.select %gt3A_179, %reduce_sum3A_171, %jit3A_183 : f32
    %div3A_185 = arith.divf %reduce_sum3A_177, %select_n3A_184 : f32
    %jit3A_186 = arith.constant 0.000000e+00 : f32
    %select_n3A_187 = arith.select %gt3A_179, %div3A_185, %jit3A_186 : f32
    %add3A_188 = arith.addf %add3A_165, %select_n3A_187 : f32
    %slice3A_189 = vector.extract_strided_slice %broadcast_in_dim3A {offsets = [0, 128], sizes = [1, 16], strides = [1, 1]} : vector<1x160xf32> to vector<1x16xf32>
    %reduce_sum3A_190 = vector.shape_cast %slice3A_189 : vector<1x16xf32> to vector<1x1x16xf32>
    %reduce_sum3A_191 = arith.constant dense<0.000000e+00> : vector<1xf32>
    %reduce_sum3A_192 = vector.multi_reduction <add>, %reduce_sum3A_190, %reduce_sum3A_191 [1, 2] : vector<1x1x16xf32> to vector<1xf32>
    %reduce_sum3A_193 = vector.shape_cast %reduce_sum3A_192 : vector<1xf32> to vector<1x1x1xf32>
    %reduce_sum3A_194 = vector.extract %reduce_sum3A_193[0, 0, 0] : f32 from vector<1x1x1xf32>
    %slice3A_195 = vector.extract_strided_slice %broadcast_in_dim3A_8 {offsets = [0, 128], sizes = [1, 16], strides = [1, 1]} : vector<1x160xf32> to vector<1x16xf32>
    %reduce_sum3A_196 = vector.shape_cast %slice3A_195 : vector<1x16xf32> to vector<1x1x16xf32>
    %reduce_sum3A_197 = arith.constant dense<0.000000e+00> : vector<1xf32>
    %reduce_sum3A_198 = vector.multi_reduction <add>, %reduce_sum3A_196, %reduce_sum3A_197 [1, 2] : vector<1x1x16xf32> to vector<1xf32>
    %reduce_sum3A_199 = vector.shape_cast %reduce_sum3A_198 : vector<1xf32> to vector<1x1x1xf32>
    %reduce_sum3A_200 = vector.extract %reduce_sum3A_199[0, 0, 0] : f32 from vector<1x1x1xf32>
    %gt3A_201 = arith.constant 0.000000e+00 : f32
    %gt3A_202 = arith.cmpf ogt, %reduce_sum3A_194, %gt3A_201 : f32
    %convert_element_type3A_203 = arith.extui %gt3A_202 : i1 to i32
    %convert_element_type3A_204 = arith.sitofp %convert_element_type3A_203 : i32 to f32
    %add3A_205 = arith.addf %add3A_182, %convert_element_type3A_204 : f32
    %jit3A_206 = arith.constant 1.000000e+00 : f32
    %select_n3A_207 = arith.select %gt3A_202, %reduce_sum3A_194, %jit3A_206 : f32
    %div3A_208 = arith.divf %reduce_sum3A_200, %select_n3A_207 : f32
    %jit3A_209 = arith.constant 0.000000e+00 : f32
    %select_n3A_210 = arith.select %gt3A_202, %div3A_208, %jit3A_209 : f32
    %add3A_211 = arith.addf %add3A_188, %select_n3A_210 : f32
    %slice3A_212 = vector.extract_strided_slice %broadcast_in_dim3A {offsets = [0, 144], sizes = [1, 16], strides = [1, 1]} : vector<1x160xf32> to vector<1x16xf32>
    %reduce_sum3A_213 = vector.shape_cast %slice3A_212 : vector<1x16xf32> to vector<1x1x16xf32>
    %reduce_sum3A_214 = arith.constant dense<0.000000e+00> : vector<1xf32>
    %reduce_sum3A_215 = vector.multi_reduction <add>, %reduce_sum3A_213, %reduce_sum3A_214 [1, 2] : vector<1x1x16xf32> to vector<1xf32>
    %reduce_sum3A_216 = vector.shape_cast %reduce_sum3A_215 : vector<1xf32> to vector<1x1x1xf32>
    %reduce_sum3A_217 = vector.extract %reduce_sum3A_216[0, 0, 0] : f32 from vector<1x1x1xf32>
    %slice3A_218 = vector.extract_strided_slice %broadcast_in_dim3A_8 {offsets = [0, 144], sizes = [1, 16], strides = [1, 1]} : vector<1x160xf32> to vector<1x16xf32>
    %reduce_sum3A_219 = vector.shape_cast %slice3A_218 : vector<1x16xf32> to vector<1x1x16xf32>
    %reduce_sum3A_220 = arith.constant dense<0.000000e+00> : vector<1xf32>
    %reduce_sum3A_221 = vector.multi_reduction <add>, %reduce_sum3A_219, %reduce_sum3A_220 [1, 2] : vector<1x1x16xf32> to vector<1xf32>
    %reduce_sum3A_222 = vector.shape_cast %reduce_sum3A_221 : vector<1xf32> to vector<1x1x1xf32>
    %reduce_sum3A_223 = vector.extract %reduce_sum3A_222[0, 0, 0] : f32 from vector<1x1x1xf32>
    %gt3A_224 = arith.constant 0.000000e+00 : f32
    %gt3A_225 = arith.cmpf ogt, %reduce_sum3A_217, %gt3A_224 : f32
    %convert_element_type3A_226 = arith.extui %gt3A_225 : i1 to i32
    %convert_element_type3A_227 = arith.sitofp %convert_element_type3A_226 : i32 to f32
    %add3A_228 = arith.addf %add3A_205, %convert_element_type3A_227 : f32
    %jit3A_229 = arith.constant 1.000000e+00 : f32
    %select_n3A_230 = arith.select %gt3A_225, %reduce_sum3A_217, %jit3A_229 : f32
    %div3A_231 = arith.divf %reduce_sum3A_223, %select_n3A_230 : f32
    %jit3A_232 = arith.constant 0.000000e+00 : f32
    %select_n3A_233 = arith.select %gt3A_225, %div3A_231, %jit3A_232 : f32
    %add3A_234 = arith.addf %add3A_211, %select_n3A_233 : f32
    %gt3A_235 = arith.constant 0.000000e+00 : f32
    %gt3A_236 = arith.cmpf ogt, %add3A_228, %gt3A_235 : f32
    %neg3A = arith.constant 0.000000e+00 : f32
    %neg3A_237 = arith.subf %neg3A, %add3A_234 : f32
    %mul3A = arith.constant 2.000000e+00 : f32
    %mul3A_238 = arith.mulf %mul3A, %add3A_228 : f32
    %div3A_239 = arith.divf %neg3A_237, %mul3A_238 : f32
    %jit3A_240 = arith.constant 0.000000e+00 : f32
    %select_n3A_241 = arith.select %gt3A_236, %div3A_239, %jit3A_240 : f32
    %swap3A = arith.constant 0 : index
    %swap3A_242 = arith.constant 0 : index
    %swap3A_243 = memref.load %arg1[%swap3A, %swap3A_242] : memref<1x1xf32, #tpu.memory_space<smem>>
    memref.store %select_n3A_241, %arg1[%swap3A, %swap3A_242] : memref<1x1xf32, #tpu.memory_space<smem>>
    return
  }
}

</mosaic_0001>

<sc_bundles>
// kernel: kernel.4.cloned.1.call-start
scs
__scs_entry_jumppad:
0x0: {  	(pc) =	sbr.rel $0x88, $3  }
0x1: {  	(tag) =	ssettag $0x0;
	lr =	simm.s32 $0x1  }
0x2: {  	[smem:$0x3F9F] =	sst lr;
	_ =	strace $0xD0000000  }
0x3: {  	_ = 	snop  }
0x4: {  	_ = 	snop  }
0x5: {  	_ = 	snop  }
0x6: {  	_ = 	snop  }
0x7: {  	_ = 	snop  }
__scs_overlays_trampoline_lowered:
0x8: {  	[smem:$0x3FAE] =	sst s0  }
0x9: {  	[smem:$0x3FAF] =	sst s1  }
0xa: {  	[smem:$0x3FB0] =	sst s2  }
0xb: {  	[smem:$0x3FB1] =	sst s3  }
0xc: {  	[smem:$0x3FB2] =	sst s4  }
0xd: {  	[smem:$0x3FB3] =	sst s5  }
0xe: {  	[smem:$0x3FB4] =	sst s6  }
0xf: {  	[smem:$0x3FB5] =	sst s7  }
0x10: {  	[smem:$0x3FB6] =	sst s8  }
0x11: {  	[smem:$0x3FB7] =	sst s9;
	s0 =	simm.s32 @!p0 $0x0  }
0x12: {  	s1 =	sld [smem:$0x3F9D];
	s0 =	simm.s32 @p0 $0x1  }
0x13: {  	[smem:$0x3FB8] =	sst s0;
	s0 =	simm.s32 @!p1 $0x0  }
0x14: {  	s2 =	sld [smem:$0x3F9C];
	s0 =	simm.s32 @p1 $0x1  }
0x15: {  	[smem:$0x3FB9] =	sst s0;
	s0 =	simm.s32 @!p2 $0x0  }
0x16: {  	s3 =	sld [smem:$0x3FDB];
	s0 =	simm.s32 @p2 $0x1  }
0x17: {  	s4 =	simm.s32 $0x1BF5;
	[smem:$0x3FBB] =	sst s0  }
0x18: {  	s0 =	sld [smem:$0x3F9E];
	_ =	swait.ge [sflag:s4], $0x0  }
0x19: {  	s7 =	sld [smem:$0x3F9F]  }
0x1a: {  	s8 =	sadd.s32 $0xFFFFE003, lr  }
0x1b: {  	s9 =	sadd.s32 $0xFFFFFEF7, lr;
	s5 =	simm.s32 $0xFFFFFFFF;
	p2 =	slt.u32 s8, $0xFFFFF086  }
0x1c: {  	p1 =	slt.u32 s9, $0xF7A;
	s5 =	simm.s32 @!p2 $0x0  }
0x1d: {  	s5 =	simm.s32 @p1 $0x1;
	p0 =	seq.s32 s7, s2  }
0x1e: {  	s7 =	smul.u32 @!p0 $0xF7A, s2;
	p2 =	seq.s32 @!p0 s5, $0x0  }
0x1f: {  	s9 =	smul.u32 $0xF7A, s1;
	s8 =	simm.s32 @!p0 $0x1BF5;
	p2 =	por !p2, p0  }
0x20: {  	[sflag:s8] =	ssyncset.s32 @!p0 $0xFFFFF086;
	s6 =	sadd.s32 @!p0 s3, s7;
	s7 =	simm.s32 @!p0 $0x108  }
0x21: {  	s3 =	sadd.s32 s3, s9;
	s6 =	sadd.s32 @!p0 $0x88, s6;
	s7 =	simm.s32 @p2 $0x1082  }
0x22: {  	[simem:s7], [sflag:s8] =	dma.local @!p0 [hbm:s6], $0xF7A  }
0x23: {  	s9 =	sor.u32 $0xD0000000, s2;
	s6 =	simm.s32 $0x108;
	_ =	swait.ge @!p0 [sflag:s8], $0x0  }
0x24: {  	s3 =	sadd.s32 $0x88, s3;
	s6 =	simm.s32 @!p1 $0x1082;
	[sflag:s4] =	ssyncset.s32 $0xFFFFF086  }
0x25: {  	[simem:s6], [sflag:s4] =	dma.local [hbm:s3], $0xF7A  }
0x26: {  	[smem:$0x3F9F] =	sst s1;
	(tag) =	ssettag s2;
	_ =	strace s9  }
0x27: {  	s1 =	sld [smem:$0x3FAF]  }
0x28: {  	s2 =	sld [smem:$0x3FB0]  }
0x29: {  	s4 =	sld [smem:$0x3FB2]  }
0x2a: {  	p0 =	seq.s32 s5, $0x0;
	s5 =	sld [smem:$0x3FB3]  }
0x2b: {  	s6 =	sld [smem:$0x3FB4]  }
0x2c: {  	s7 =	sld [smem:$0x3FB5]  }
0x2d: {  	s3 =	simm.s32 $0x108;
	s8 =	sld [smem:$0x3FB6]  }
0x2e: {  	s3 =	simm.s32 @!p0 $0x1082;
	s9 =	sld [smem:$0x3FB7]  }
0x2f: {  	lr =	sadd.s32 s0, s3;
	s0 =	sld [smem:$0x3FAE]  }
0x30: {  	s3 =	sld [smem:$0x3FB1]  }
0x31: {  	[smem:$0x3FBA] =	sst s10  }
0x32: {  	s10 =	sld [smem:$0x3FB8];
	_ =	sdelay $0x3  }
0x33: {  	p0 =	seq.s32 s10, $0x1;
	s10 =	sld [smem:$0x3FBA];
	_ =	sdelay $0x3  }
0x34: {  	[smem:$0x3FBA] =	sst s10  }
0x35: {  	s10 =	sld [smem:$0x3FB9];
	_ =	sdelay $0x3  }
0x36: {  	p1 =	seq.s32 s10, $0x1;
	s10 =	sld [smem:$0x3FBA];
	_ =	sdelay $0x3  }
0x37: {  	[smem:$0x3FBA] =	sst s10  }
0x38: {  	s10 =	sld [smem:$0x3FBB]  }
0x39: {  	_ = 	snop;
	(pc) =	sbr.ind lr, $3  }
0x3a: {  	_ = 	snop  }
0x3b: {  	_ = 	snop  }
0x3c: {  	p2 =	seq.s32 s10, $0x1;
	s10 =	sld [smem:$0x3FBA]  }
0x3d: {  	_ =	shalt  }
0x3e: {  	_ =	shalt  }
0x3f: {  	_ =	shalt  }
0x40: {  	_ =	shalt  }
0x41: {  	_ =	shalt  }
0x42: {  	_ =	shalt  }
0x43: {  	_ =	shalt  }
0x44: {  	_ =	shalt  }
0x45: {  	_ =	shalt  }
0x46: {  	_ =	shalt  }
0x47: {  	_ =	shalt  }
0x48: {  	_ =	shalt  }
0x49: {  	_ =	shalt  }
0x4a: {  	_ =	shalt  }
0x4b: {  	_ =	shalt  }
0x4c: {  	_ =	shalt  }
0x4d: {  	_ =	shalt  }
0x4e: {  	_ =	shalt  }
0x4f: {  	_ =	shalt  }
0x50: {  	_ =	shalt  }
0x51: {  	_ =	shalt  }
0x52: {  	_ =	shalt  }
0x53: {  	_ =	shalt  }
0x54: {  	_ =	shalt  }
0x55: {  	_ =	shalt  }
0x56: {  	_ =	shalt  }
0x57: {  	_ =	shalt  }
0x58: {  	_ =	shalt  }
0x59: {  	_ =	shalt  }
0x5a: {  	_ =	shalt  }
0x5b: {  	_ =	shalt  }
0x5c: {  	_ =	shalt  }
0x5d: {  	_ =	shalt  }
0x5e: {  	_ =	shalt  }
0x5f: {  	_ =	shalt  }
0x60: {  	_ =	shalt  }
0x61: {  	_ =	shalt  }
0x62: {  	_ =	shalt  }
0x63: {  	_ =	shalt  }
0x64: {  	_ =	shalt  }
0x65: {  	_ =	shalt  }
0x66: {  	_ =	shalt  }
0x67: {  	_ =	shalt  }
0x68: {  	_ =	shalt  }
0x69: {  	_ =	shalt  }
0x6a: {  	_ =	shalt  }
0x6b: {  	_ =	shalt  }
0x6c: {  	_ =	shalt  }
0x6d: {  	_ =	shalt  }
0x6e: {  	_ =	shalt  }
0x6f: {  	_ =	shalt  }
0x70: {  	_ =	shalt  }
0x71: {  	_ =	shalt  }
0x72: {  	_ =	shalt  }
0x73: {  	_ =	shalt  }
0x74: {  	_ =	shalt  }
0x75: {  	_ =	shalt  }
0x76: {  	_ =	shalt  }
0x77: {  	_ =	shalt  }
0x78: {  	_ =	shalt  }
0x79: {  	_ =	shalt  }
0x7a: {  	_ =	shalt  }
0x7b: {  	_ =	shalt  }
0x7c: {  	_ =	shalt  }
0x7d: {  	_ =	shalt  }
0x7e: {  	_ =	shalt  }
0x7f: {  	_ =	shalt  }
0x80: {  	_ =	shalt  }
0x81: {  	_ =	shalt  }
0x82: {  	_ =	shalt  }
0x83: {  	_ =	shalt  }
0x84: {  	_ =	shalt  }
0x85: {  	_ =	shalt  }
0x86: {  	_ =	shalt  }
0x87: {  	_ =	shalt  }
.Lfunc_end0:
.L_simem_size_0:
called_computation_lowered:
.L_overlay_start_0:
0x88: {  	s2 =	sld [smem:$0x3FD9]  }
0x89: {  	s3 =	sld [smem:$0x3FFE];
	_ =	sdelay $0x1  }
0x8a: {  	s1 =	srdreg.scid  }
0x8b: {  	s0 =	sand.u32 $0x1, s1  }
0x8c: {  	s17 =	sshll.u32 s0, $0xA;
	s2 =	sadd.s32 s3, s2  }
0x8d: {  	s2 =	sadd.s32 s2, s17  }
0x8e: {  	[smem:$0x3FC6] =	sst s2  }
0x8f: {  	_ = 	snop  }
0x90: {  	s2 =	sld [smem:$0x3FC9]  }
0x91: {  	s18 =	sld [smem:$0x3FC8];
	(tm) =	ssettm $0x1  }
0x92: {  	s4 =	sld [smem:$0x3FFB];
	_ =	sdelay $0x3  }
0x93: {  	_ =	strace s4  }
0x94: {  	s4 =	sld [smem:$0x3FFC];
	_ =	sdelay $0x3  }
0x95: {  	_ =	strace s4  }
0x96: {  	s4 =	sld [smem:$0x3FFD];
	_ =	sdelay $0x3  }
0x97: {  	_ =	strace s4  }
0x98: {  	_ =	strace $0x8FFFFFFF  }
0x99: {  	s19 =	sld [smem:$0x3FDB];
	_ =	sdelay $0x1  }
0x9a: {  	s5 =	simm.s32 $_scs_section_size  }
0x9b: {  	s6 =	simm.s32 $_size__tile_overlayer_lowered;
	s7 =	simm.s32 $_tile_overlayer_lowered  }
0x9c: {  	s22 =	simm.s32 $0x1BFF;
	s21 =	sshll.u32 s7, $0x1;
	s4 =	sadd.s32 s5, s19  }
0x9d: {  	s8 =	simm.s32 $0x0;
	s20 =	sshll.u32 s6, $0x1;
	s6 =	sadd.s32 s21, s4  }
0x9e: {  	[timem:s8], [sflag:s22] =	dma.local [hbm:s6], s20  }
0x9f: {  	_ =	swait.ge [sflag:s22], s20  }
0xa0: {  	s5 =	ssub.s32 $0x0, s20;
	[sflag:s22] =	ssyncset.done $0x0  }
0xa1: {  	[sflag:s22] =	ssyncadd.s32 s5;
	_ =	sdelay $0x1  }
0xa2: {  	s23 =	simm.s32 $0x1B8B  }
0xa3: {  	_ =	swait.ge [sflag:s23], $0x1  }
0xa4: {  	[sflag:s23] =	ssyncset.done $0x0  }
0xa5: {  	s25 =	simm.s32 $0x1B8E;
	s24 =	sld [smem:$0x3FFE];
	[sflag:s23] =	ssyncadd.s32 $0xFFFFFFFF  }
0xa6: {  	s26 =	simm.s32 $execute0_lowered;
	[smem:$0x3FD2] =	sst s25  }
0xa7: {  	s6 =	sshll.u32 s26, $0x1;
	_ =	strace $0x80000046;
	[dreg:$0x1] =	wrdreg $0xFFFFFFFF  }
0xa8: {  	s28 =	simm.s32 $_size_execute0_lowered;
	s4 =	sadd.s32 s4, s6;
	[dreg:$0x0] =	wrdreg $0x0  }
0xa9: {  	s6 =	sshll.u32 s28, $0x1;
	[dreg:$0x2] =	wrdreg s4  }
0xaa: {  	[dreg:$0x3] =	wrdreg s6  }
0xab: {  	[dreg:$0x4] =	wrdreg $0xC0  }
0xac: {  	_ =	task [dreg:s8], $0x5FFFF  }
0xad: {  	[dreg:$0x1] =	wrdreg $0xFFFFFFFF  }
0xae: {  	[dreg:$0x0] =	wrdreg $0x60  }
0xaf: {  	[dreg:$0x2] =	wrdreg s2  }
0xb0: {  	[dreg:$0x3] =	wrdreg s18  }
0xb1: {  	[dreg:$0x4] =	wrdreg s24  }
0xb2: {  	[dreg:$0x5] =	wrdreg $0x9  }
0xb3: {  	_ =	task.clear_ibuf [dreg:s8], $0x6FFFF;
	_ =	strace $0x90000046  }
0xb4: {  	s29 =	simm.s32 $0x9;
	_ =	strace $0x80000048  }
0xb5: {  	_ =	swait.ge [sflag:s29], $0x1  }
0xb6: {  	[sflag:s29] =	ssyncadd.s32 $0xFFFFFFFF  }
0xb7: {  	_ =	strace $0x90000048  }
0xb8: {  	_ =	sfence  }
0xb9: {  	s30 =	sld [smem:$0x0];
	_ =	sdelay $0x2  }
0xba: {  	s31 =	sshll.u32 s1, $0xD;
	s1 =	sshrl.u32 s1, $0x2  }
0xbb: {  	s3 =	sand.u32 $0x4000, s31;
	s1 =	sadd.s32 s1, s30  }
0xbc: {  	s0 =	sor.u32 s3, s0;
	s1 =	sshll.u32 s1, $0x11  }
0xbd: {  	s0 =	sor.u32 s1, s0  }
0xbe: {  	s0 =	sadd.s32 $0x8F2B, s0  }
0xbf: {  	[sflag:s0] =	ssyncadd.remote.s32 $0x1  }
0xc0: {  	_ =	sfence.sel $0xFFFF  }
0xc1: {  	[dreg:$0x0] =	wrdreg $0xFFFFFFFF;
	(pc) =	sbr.abs _section_cstart, $3  }
0xc2: {  	[dreg:$0x1] =	wrdreg $0xFFFFFFFF  }
0xc3: {  	_ =	task.clear_ibuf [dreg:s8], $0x2FFFF;
	_ =	strace $0x9FFFFFFF  }
0xc4: {  	(tm) =	ssettm $0x7FFFFFFF  }
0xc5: {  	_ =	shalt  }
tec
execute0_lowered:
.L_overlay_start_1:
0x0: {  	(tag) =	ssettag $0x1  }
0x1: {  	s0 =	rddreg [dreg:$0x0]  }
0x2: {  	s1 =	srdreg.scid;
	s10 =	rddreg [dreg:$0x1]  }
0x3: {  	s3 =	rddreg [dreg:$0x2];
	s6 =	stileid.u32  }
0x4: {  	s15 =	simm.s32 $0xC000;
	s16 =	simm.s32 $0x14000;
	s17 =	simm.s32 $0x1  }
0x5: {  	s18 =	simm.s32 $0x18000;
	s19 =	simm.s32 $0x18200;
	s20 =	simm.s32 $0x18100  }
0x6: {  	s21 =	simm.s32 $0x18300;
	s22 =	simm.s32 $0x2;
	s1 =	sand.u32 $0x1, s1  }
0x7: {  	s23 =	simm.s32 $0x80;
	s24 =	simm.s32 $0x400;
	s2 =	sshll.u32 s1, $0x4  }
0x8: {  	s1 =	ssub.s32 $0x2, s1;
	s4 =	sor.u32 s6, s2;
	s2 =	simm.s32 $0x0  }
0x9: {  	s6 =	sshll.u32 s6, $0x4;
	s25 =	sshrl.u32 s1, $0x1;
	s5 =	sshll.u32 s4, $0x5  }
0xa: {  	s6 =	sand.u32 $0x70, s6;
	[smem:$0x7FF] =	sst s2;
	s1 =	ssub.s32 s1, s25  }
0xb: {  	s8 =	sshll.u32 s4, $0x10;
	s26 =	sshll.u32 s4, $0xE;
	s4 =	sshll.u32 s4, $0xD  }
0xc: {  	s25 =	simm.s32 $0x3;
	s5 =	sand.u32 $0x300, s5;
	_ =	strace $0x80000047  }
0xd: {  	s4 =	sadd.s32 s10, s4;
	s28 =	sor.u32 $0x4000, s8;
	s9 =	sor.u32 $0x8000, s8  }
0xe: {  	s11 =	sor.u32 $0xC000, s8;
	s13 =	smax.u32 s1, $0x1;
	s5 =	sor.u32 s6, s5  }
0xf: {  	s29 =	sshrl.u32 s28, $0x2;
	s7 =	sshrl.u32 s28, $0x3;
	s30 =	sshrl.u32 s9, $0x2  }
.Ltmp0:
0x10: {  	s9 =	sshrl.u32 s9, $0x3;
	s31 =	sshrl.u32 s11, $0x2;
	(pc) =	sbr.rel .LBB2_1-.Ltmp0, $4  }
0x11: {  	s11 =	sshrl.u32 s11, $0x3;
	s12 =	sadd.s32 s5, s3;
	s3 =	sadd.s32 s0, s26  }
0x12: {  	s5 =	sadd.s32 s0, s29;
	s6 =	sadd.s32 s10, s7;
	s7 =	sadd.s32 s0, s30  }
0x13: {  	s8 =	sadd.s32 s10, s9;
	s9 =	sadd.s32 s0, s31;
	s10 =	sadd.s32 s10, s11  }
0x14: {  	v0 =	vimm.f32 $0.0e+00;
	v1 =	vimm.f32 $1.000000000e+00;
	v2 =	vlaneseq.u32;
	s26 =	simm.s32 $0x0;
	s11 =	sadd.s32 $0x600, s12;
	s12 =	sadd.s32 $0xA00, s12  }
.LBB2_8:
0x15: {  	v3 =	vld [tilespmem:$0x18000]  }
0x16: {  	v4 =	vld [tilespmem:$0x18100]  }
0x17: {  	v5 =	vld [tilespmem:$0x18200]  }
0x18: {  	v6 =	vld [tilespmem:$0x18300]  }
0x19: {  	v7 =	vld [tilespmem:$0x18010]  }
0x1a: {  	v8 =	vld [tilespmem:$0x18110]  }
0x1b: {  	v9 =	vld [tilespmem:$0x18210]  }
0x1c: {  	v10 =	vld [tilespmem:$0x18310]  }
0x1d: {  	v11 =	vld [tilespmem:$0x18020]  }
0x1e: {  	v12 =	vld [tilespmem:$0x18120]  }
0x1f: {  	v13 =	vld [tilespmem:$0x18220]  }
0x20: {  	v14 =	vld [tilespmem:$0x18320]  }
0x21: {  	v15 =	vld [tilespmem:$0x18030]  }
0x22: {  	v16 =	vld [tilespmem:$0x18130]  }
0x23: {  	v17 =	vld [tilespmem:$0x18230]  }
0x24: {  	v18 =	vld [tilespmem:$0x18330]  }
0x25: {  	v19 =	vld [tilespmem:$0x18040]  }
0x26: {  	v20 =	vld [tilespmem:$0x18140]  }
0x27: {  	v21 =	vld [tilespmem:$0x18240]  }
0x28: {  	v22 =	vld [tilespmem:$0x18340]  }
0x29: {  	v23 =	vld [tilespmem:$0x18050]  }
0x2a: {  	v24 =	vld [tilespmem:$0x18150]  }
0x2b: {  	v25 =	vld [tilespmem:$0x18250]  }
0x2c: {  	v26 =	vld [tilespmem:$0x18350]  }
0x2d: {  	v27 =	vld [tilespmem:$0x18060]  }
0x2e: {  	v40 =	vld [tilespmem:$0x18160];
	v3 =	vadd.f32 v4, v3  }
0x2f: {  	v41 =	vld [tilespmem:$0x18260];
	v5 =	vadd.f32 v6, v5  }
0x30: {  	v42 =	vld [tilespmem:$0x18360];
	v43 =	vadd.f32 v10, v9;
	[tilespmem:$0x18000] =	vst v3  }
0x31: {  	v44 =	vld [tilespmem:$0x18070];
	v3 =	vadd.f32 v8, v7;
	[tilespmem:$0x18200] =	vst v5  }
0x32: {  	v45 =	vld [tilespmem:$0x18170];
	v46 =	vadd.f32 v14, v13;
	[tilespmem:$0x18210] =	vst v43  }
0x33: {  	v47 =	vld [tilespmem:$0x18270];
	[tilespmem:$0x18010] =	vst v3;
	v3 =	vadd.f32 v12, v11  }
0x34: {  	v48 =	vld [tilespmem:$0x18370];
	v49 =	vadd.f32 v18, v17;
	[tilespmem:$0x18220] =	vst v46  }
0x35: {  	v50 =	vld [tilespmem:$0x18080];
	[tilespmem:$0x18020] =	vst v3;
	v3 =	vadd.f32 v16, v15  }
0x36: {  	v51 =	vld [tilespmem:$0x18180];
	v52 =	vadd.f32 v22, v21;
	[tilespmem:$0x18230] =	vst v49  }
0x37: {  	v53 =	vld [tilespmem:$0x18280];
	[tilespmem:$0x18030] =	vst v3;
	v3 =	vadd.f32 v20, v19  }
0x38: {  	v54 =	vld [tilespmem:$0x18380];
	v55 =	vadd.f32 v26, v25;
	[tilespmem:$0x18240] =	vst v52  }
0x39: {  	v56 =	vld [tilespmem:$0x18090];
	[tilespmem:$0x18040] =	vst v3;
	v3 =	vadd.f32 v24, v23  }
0x3a: {  	v59 =	vld [tilespmem:$0x18290];
	v58 =	vadd.f32 v42, v41;
	[tilespmem:$0x18250] =	vst v55  }
0x3b: {  	v60 =	vld [tilespmem:$0x18390];
	[tilespmem:$0x18050] =	vst v3;
	v3 =	vadd.f32 v40, v27  }
0x3c: {  	v57 =	vld [tilespmem:$0x18190];
	v61 =	vadd.f32 v48, v47;
	[tilespmem:$0x18260] =	vst v58  }
0x3d: {  	[tilespmem:$0x18060] =	vst v3;
	v3 =	vadd.f32 v45, v44  }
0x3e: {  	v62 =	vadd.f32 v54, v53;
	[tilespmem:$0x18270] =	vst v61  }
0x3f: {  	[tilespmem:$0x18070] =	vst v3;
	v3 =	vadd.f32 v51, v50  }
0x40: {  	v63 =	vadd.f32 v60, v59;
	[tilespmem:$0x18280] =	vst v62  }
0x41: {  	[tilespmem:$0x18080] =	vst v3;
	v3 =	vadd.f32 v57, v56  }
0x42: {  	[tilespmem:$0x18290] =	vst v63  }
0x43: {  	[tilespmem:$0x18090] =	vst v3  }
0x44: {  	[hbm4b:s11+s23] =	stream.strided.scatter [tilespmem:s18], [sflag:$0x3], $0x100, s24, s23, $0x38;
	[tilespmem:$0x18400] =	vst v63  }
0x45: {  	s26 =	sadd.s32 $0x1, s26;
	_ =	swait.ge [sflag:s25], $0x100  }
0x46: {  	p0 =	sne.s32 s26, s13;
	[sflag:s25] =	ssyncset.done $0x0  }
.Ltmp1:
0x47: {  	[sflag:s25] =	ssyncadd.s32 $0xFFFFFF00;
	(pc) =	sbr.rel @!p0 .LBB2_9-.Ltmp1, $4  }
0x48: {  	[hbm4b:s12+s23] =	stream.strided.scatter [tilespmem:s19], [sflag:$0x3], $0x100, s24, s23, $0x38;
	[tilespmem:$0x18400] =	vst v63  }
0x49: {  	_ =	swait.ge [sflag:s25], $0x100  }
0x4a: {  	[sflag:s25] =	ssyncset.done $0x0  }
0x4b: {  	[sflag:s25] =	ssyncadd.s32 $0xFFFFFF00  }
.LBB2_1:
0x4c: {  	[tilespmem:$0x18000] =	vst v0  }
0x4d: {  	[tilespmem:$0x18100] =	vst v0  }
0x4e: {  	[tilespmem:$0x18200] =	vst v0  }
0x4f: {  	[tilespmem:$0x18300] =	vst v0  }
0x50: {  	[tilespmem:$0x18010] =	vst v0  }
0x51: {  	[tilespmem:$0x18110] =	vst v0  }
0x52: {  	[tilespmem:$0x18210] =	vst v0  }
0x53: {  	[tilespmem:$0x18310] =	vst v0  }
0x54: {  	[tilespmem:$0x18020] =	vst v0  }
0x55: {  	[tilespmem:$0x18120] =	vst v0  }
0x56: {  	[tilespmem:$0x18220] =	vst v0  }
0x57: {  	[tilespmem:$0x18320] =	vst v0  }
0x58: {  	[tilespmem:$0x18030] =	vst v0  }
0x59: {  	[tilespmem:$0x18130] =	vst v0  }
0x5a: {  	[tilespmem:$0x18230] =	vst v0  }
0x5b: {  	[tilespmem:$0x18330] =	vst v0  }
0x5c: {  	[tilespmem:$0x18040] =	vst v0  }
0x5d: {  	[tilespmem:$0x18140] =	vst v0  }
0x5e: {  	[tilespmem:$0x18240] =	vst v0  }
0x5f: {  	[tilespmem:$0x18340] =	vst v0  }
0x60: {  	[tilespmem:$0x18050] =	vst v0  }
0x61: {  	[tilespmem:$0x18150] =	vst v0  }
0x62: {  	[tilespmem:$0x18250] =	vst v0  }
0x63: {  	[tilespmem:$0x18350] =	vst v0  }
0x64: {  	[tilespmem:$0x18060] =	vst v0  }
0x65: {  	[tilespmem:$0x18160] =	vst v0  }
0x66: {  	[tilespmem:$0x18260] =	vst v0  }
0x67: {  	[tilespmem:$0x18360] =	vst v0  }
0x68: {  	[tilespmem:$0x18070] =	vst v0  }
0x69: {  	[tilespmem:$0x18170] =	vst v0  }
0x6a: {  	[tilespmem:$0x18270] =	vst v0  }
0x6b: {  	[tilespmem:$0x18370] =	vst v0  }
0x6c: {  	[tilespmem:$0x18080] =	vst v0  }
0x6d: {  	[tilespmem:$0x18180] =	vst v0  }
0x6e: {  	[tilespmem:$0x18280] =	vst v0  }
0x6f: {  	[tilespmem:$0x18380] =	vst v0  }
0x70: {  	[tilespmem:$0x18090] =	vst v0  }
0x71: {  	[tilespmem:$0x18190] =	vst v0  }
0x72: {  	[tilespmem:$0x18290] =	vst v0  }
0x73: {  	[tilespmem:$0x18390] =	vst v0  }
0x74: {  	[tilespmem:s2], [sflag:$0x1] =	stream.linear.gather [hbm4b:s3+s2], $0x8000, $0x38;
	[tilespmem:$0x18400] =	vst v63  }
0x75: {  	s0 =	simm.s32 $0x8000  }
0x76: {  	[tilespmem:s0], [sflag:$0x1] =	stream.linear.gather [hbm4b:s4+s2], $0x4000, $0x38;
	[tilespmem:$0x18400] =	vst v63  }
0x77: {  	p0 =	por $0x1, $0x1;
	s0 =	smov.u32 s6  }
0x78: {  	[tilespmem:s15], [sflag:$0x2] =	stream.linear.gather [hbm4b:s5+s2], $0x8000, $0x38;
	[tilespmem:$0x18400] =	vst v63  }
.LBB2_2:
0x79: {  	[tilespmem:s16], [sflag:$0x2] =	stream.linear.gather [hbm4b:s0+s2], $0x4000, $0x38;
	[tilespmem:$0x18400] =	vst v63  }
0x7a: {  	_ =	swait.ge [sflag:s17], $0x8000  }
0x7b: {  	[sflag:s17] =	ssyncset.done $0x0  }
0x7c: {  	[sflag:s17] =	ssyncadd.s32 $0xFFFF8000  }
0x7d: {  	_ =	swait.ge [sflag:s17], $0x4000  }
0x7e: {  	[sflag:s17] =	ssyncset.done $0x0  }
0x7f: {  	s1 =	simm.s32 $0x100;
	[sflag:s17] =	ssyncadd.s32 $0xFFFFC000  }
0x80: {  	s14 =	simm.s32 $0x8080;
	v3 =	vld [tilespmem:s1+$0x0]  }
0x81: {  	v4 =	vld [tilespmem:s14+$0x0]  }
0x82: {  	v5 =	vld [tilespmem:s1+$0x80];
	_ =	sdelay $0x2  }
0x83: {  	v6 =	vsub.f32 $1.000000000e+00, v3  }
0x84: {  	vm0 =	veq.s32 v4, $0x0  }
0x85: {  	v4 =	vsel vm0, v6, v3;
	v6 =	vsub.f32 $1.000000000e+00, v5  }
0x86: {  	v4 =	vmul.f32 $1.000000000e+01, v4  }
0x87: {  	v6 =	vsel vm0, v5, v6  }
0x88: {  	v4 =	vmin.f32 v4, $9.000000000e+00;
	v6 =	vmul.f32 $1.000000000e+01, v6  }
0x89: {  	v4 =	vtrunc.f32 v4  }
0x8a: {  	v4 =	vcvt.f32.s32 v4;
	v6 =	vmin.f32 v6, $9.000000000e+00  }
0x8b: {  	v6 =	vtrunc.f32 v6  }
0x8c: {  	v6 =	vcvt.f32.s32 v6;
	v4 =	vshll.u32 v4, $0x4  }
0x8d: {  	v4 =	vor.u32 v2, v4  }
0x8e: {  	v6 =	vshll.u32 v6, $0x4  }
0x8f: {  	v6 =	vor.u32 v2, v6;
	_ =	sdelay $0x2  }
0x90: {  	v3 =	vsel vm0, v3, v5;
	[tilespmem:v4+s18+$0x0] =	vst.idx.add.f32.msk $0xffff, v1  }
0x91: {  	[tilespmem:v4+s19+$0x0] =	vst.idx.add.f32.msk $0xffff, v3  }
0x92: {  	[tilespmem:v6+s20+$0x0] =	vst.idx.add.f32.msk $0xffff, v1  }
0x93: {  	[tilespmem:v6+s21+$0x0] =	vst.idx.add.f32.msk $0xffff, v3  }
0x94: {  	v3 =	vld [tilespmem:s1+$0x10]  }
0x95: {  	v4 =	vld [tilespmem:s14+$0x10]  }
0x96: {  	v5 =	vld [tilespmem:s1+$0x90];
	_ =	sdelay $0x2  }
0x97: {  	v6 =	vsub.f32 $1.000000000e+00, v3  }
0x98: {  	vm0 =	veq.s32 v4, $0x0  }
0x99: {  	v4 =	vsel vm0, v6, v3;
	v6 =	vsub.f32 $1.000000000e+00, v5  }
0x9a: {  	v4 =	vmul.f32 $1.000000000e+01, v4  }
0x9b: {  	v6 =	vsel vm0, v5, v6  }
0x9c: {  	v4 =	vmin.f32 v4, $9.000000000e+00;
	v6 =	vmul.f32 $1.000000000e+01, v6  }
0x9d: {  	v4 =	vtrunc.f32 v4  }
0x9e: {  	v4 =	vcvt.f32.s32 v4;
	v6 =	vmin.f32 v6, $9.000000000e+00  }
0x9f: {  	v6 =	vtrunc.f32 v6  }
0xa0: {  	v6 =	vcvt.f32.s32 v6;
	v4 =	vshll.u32 v4, $0x4  }
0xa1: {  	v4 =	vor.u32 v2, v4  }
0xa2: {  	v6 =	vshll.u32 v6, $0x4  }
0xa3: {  	v7 =	vld [tilespmem:s1+$0xFFFFFF80];
	v6 =	vor.u32 v2, v6  }
0xa4: {  	v8 =	vld [tilespmem:s1+$0xFFFFFF00]  }
0xa5: {  	v9 =	vld [tilespmem:s14+$0xFFFFFF80]  }
0xa6: {  	v3 =	vsel vm0, v3, v5;
	[tilespmem:v4+s18+$0x0] =	vst.idx.add.f32.msk $0xffff, v1  }
0xa7: {  	[tilespmem:v4+s19+$0x0] =	vst.idx.add.f32.msk $0xffff, v3  }
0xa8: {  	[tilespmem:v6+s20+$0x0] =	vst.idx.add.f32.msk $0xffff, v1  }
0xa9: {  	v4 =	vsub.f32 $1.000000000e+00, v8;
	[tilespmem:v6+s21+$0x0] =	vst.idx.add.f32.msk $0xffff, v3  }
0xaa: {  	vm0 =	veq.s32 v9, $0x0;
	v3 =	vld [tilespmem:s1+$0x20]  }
0xab: {  	v5 =	vsub.f32 $1.000000000e+00, v7;
	v4 =	vsel vm0, v4, v8;
	v6 =	vld [tilespmem:s14+$0x20]  }
0xac: {  	v4 =	vmul.f32 $1.000000000e+01, v4;
	v9 =	vld [tilespmem:s1+$0xA0]  }
0xad: {  	v5 =	vsel vm0, v7, v5  }
0xae: {  	v5 =	vmul.f32 $1.000000000e+01, v5;
	v4 =	vmin.f32 v4, $9.000000000e+00  }
0xaf: {  	v4 =	vtrunc.f32 v4;
	v10 =	vsub.f32 $1.000000000e+00, v3  }
0xb0: {  	v5 =	vmin.f32 v5, $9.000000000e+00;
	v4 =	vcvt.f32.s32 v4;
	vm1 =	veq.s32 v6, $0x0  }
0xb1: {  	v5 =	vtrunc.f32 v5;
	v6 =	vsel vm1, v10, v3;
	v10 =	vsub.f32 $1.000000000e+00, v9  }
0xb2: {  	v5 =	vcvt.f32.s32 v5;
	v4 =	vshll.u32 v4, $0x4;
	v6 =	vmul.f32 $1.000000000e+01, v6  }
0xb3: {  	v4 =	vor.u32 v2, v4;
	v10 =	vsel vm1, v9, v10  }
0xb4: {  	v5 =	vshll.u32 v5, $0x4;
	v6 =	vmin.f32 v6, $9.000000000e+00;
	v10 =	vmul.f32 $1.000000000e+01, v10  }
0xb5: {  	v5 =	vor.u32 v2, v5;
	v6 =	vtrunc.f32 v6  }
0xb6: {  	v6 =	vcvt.f32.s32 v6;
	v10 =	vmin.f32 v10, $9.000000000e+00  }
0xb7: {  	v10 =	vtrunc.f32 v10  }
0xb8: {  	v7 =	vsel vm0, v8, v7;
	[tilespmem:v4+s18+$0x0] =	vst.idx.add.f32.msk $0xffff, v1;
	v8 =	vcvt.f32.s32 v10;
	v6 =	vshll.u32 v6, $0x4  }
0xb9: {  	[tilespmem:v4+s19+$0x0] =	vst.idx.add.f32.msk $0xffff, v7;
	v4 =	vor.u32 v2, v6  }
0xba: {  	[tilespmem:v5+s20+$0x0] =	vst.idx.add.f32.msk $0xffff, v1;
	v6 =	vshll.u32 v8, $0x4  }
0xbb: {  	[tilespmem:v5+s21+$0x0] =	vst.idx.add.f32.msk $0xffff, v7;
	v5 =	vor.u32 v2, v6  }
0xbc: {  	v7 =	vld [tilespmem:s14+$0xFFFFFF90]  }
0xbd: {  	v6 =	vld [tilespmem:s1+$0xFFFFFF10]  }
0xbe: {  	v3 =	vsel vm1, v3, v9;
	[tilespmem:v4+s18+$0x0] =	vst.idx.add.f32.msk $0xffff, v1  }
0xbf: {  	[tilespmem:v4+s19+$0x0] =	vst.idx.add.f32.msk $0xffff, v3  }
0xc0: {  	[tilespmem:v5+s20+$0x0] =	vst.idx.add.f32.msk $0xffff, v1  }
0xc1: {  	[tilespmem:v5+s21+$0x0] =	vst.idx.add.f32.msk $0xffff, v3  }
0xc2: {  	v3 =	vld [tilespmem:s1+$0x30]  }
0xc3: {  	v4 =	vld [tilespmem:s14+$0x30]  }
0xc4: {  	v5 =	vld [tilespmem:s1+$0xB0];
	_ =	sdelay $0x1  }
0xc5: {  	v8 =	vsub.f32 $1.000000000e+00, v6  }
0xc6: {  	vm0 =	veq.s32 v7, $0x0;
	v7 =	vsub.f32 $1.000000000e+00, v3  }
0xc7: {  	v8 =	vsel vm0, v8, v6;
	vm1 =	veq.s32 v4, $0x0  }
0xc8: {  	v4 =	vmul.f32 $1.000000000e+01, v8;
	v8 =	vsub.f32 $1.000000000e+00, v5;
	v7 =	vsel vm1, v7, v3  }
0xc9: {  	v7 =	vmul.f32 $1.000000000e+01, v7  }
0xca: {  	v9 =	vld [tilespmem:s1+$0xFFFFFF90];
	v8 =	vsel vm1, v5, v8  }
0xcb: {  	v8 =	vmul.f32 $1.000000000e+01, v8;
	v7 =	vmin.f32 v7, $9.000000000e+00  }
0xcc: {  	v7 =	vtrunc.f32 v7  }
0xcd: {  	v8 =	vmin.f32 v8, $9.000000000e+00;
	v7 =	vcvt.f32.s32 v7  }
0xce: {  	v8 =	vtrunc.f32 v8  }
0xcf: {  	v10 =	vsub.f32 $1.000000000e+00, v9;
	v8 =	vcvt.f32.s32 v8;
	v7 =	vshll.u32 v7, $0x4  }
0xd0: {  	v7 =	vor.u32 v2, v7  }
0xd1: {  	v10 =	vsel vm0, v9, v10;
	v8 =	vshll.u32 v8, $0x4  }
0xd2: {  	v10 =	vmul.f32 $1.000000000e+01, v10;
	v4 =	vmin.f32 v4, $9.000000000e+00;
	v8 =	vor.u32 v2, v8  }
0xd3: {  	v4 =	vtrunc.f32 v4  }
0xd4: {  	v10 =	vmin.f32 v10, $9.000000000e+00;
	v4 =	vcvt.f32.s32 v4  }
0xd5: {  	v10 =	vtrunc.f32 v10;
	v3 =	vsel vm1, v3, v5;
	[tilespmem:v7+s18+$0x0] =	vst.idx.add.f32.msk $0xffff, v1  }
0xd6: {  	v10 =	vcvt.f32.s32 v10;
	v4 =	vshll.u32 v4, $0x4;
	[tilespmem:v7+s19+$0x0] =	vst.idx.add.f32.msk $0xffff, v3  }
0xd7: {  	v4 =	vor.u32 v2, v4;
	[tilespmem:v8+s20+$0x0] =	vst.idx.add.f32.msk $0xffff, v1  }
0xd8: {  	v5 =	vshll.u32 v10, $0x4;
	[tilespmem:v8+s21+$0x0] =	vst.idx.add.f32.msk $0xffff, v3  }
0xd9: {  	v5 =	vor.u32 v2, v5;
	v3 =	vld [tilespmem:s1+$0x40]  }
0xda: {  	v7 =	vld [tilespmem:s14+$0x40]  }
0xdb: {  	v8 =	vld [tilespmem:s1+$0xC0]  }
0xdc: {  	v6 =	vsel vm0, v6, v9;
	[tilespmem:v4+s18+$0x0] =	vst.idx.add.f32.msk $0xffff, v1  }
0xdd: {  	[tilespmem:v4+s19+$0x0] =	vst.idx.add.f32.msk $0xffff, v6  }
0xde: {  	[tilespmem:v5+s20+$0x0] =	vst.idx.add.f32.msk $0xffff, v1;
	v4 =	vsub.f32 $1.000000000e+00, v3  }
0xdf: {  	[tilespmem:v5+s21+$0x0] =	vst.idx.add.f32.msk $0xffff, v6;
	vm1 =	veq.s32 v7, $0x0  }
0xe0: {  	v5 =	vld [tilespmem:s1+$0xFFFFFF20];
	v7 =	vsub.f32 $1.000000000e+00, v8;
	v4 =	vsel vm1, v4, v3  }
0xe1: {  	v9 =	vld [tilespmem:s14+$0xFFFFFFA0];
	v4 =	vmul.f32 $1.000000000e+01, v4  }
0xe2: {  	v7 =	vsel vm1, v8, v7  }
0xe3: {  	v6 =	vld [tilespmem:s1+$0xFFFFFFA0];
	v7 =	vmul.f32 $1.000000000e+01, v7;
	v4 =	vmin.f32 v4, $9.000000000e+00  }
0xe4: {  	s29 =	simm.s32 $0x8180;
	v4 =	vtrunc.f32 v4  }
0xe5: {  	s28 =	simm.s32 $0x300;
	v12 =	vld [tilespmem:s29+$0x0];
	v10 =	vsub.f32 $1.000000000e+00, v5;
	v7 =	vmin.f32 v7, $9.000000000e+00;
	v4 =	vcvt.f32.s32 v4  }
0xe6: {  	vm0 =	veq.s32 v9, $0x0;
	v9 =	vld [tilespmem:s28+$0x0];
	v7 =	vtrunc.f32 v7  }
0xe7: {  	v13 =	vld [tilespmem:s28+$0x80];
	v10 =	vsel vm0, v10, v5;
	v7 =	vcvt.f32.s32 v7;
	v4 =	vshll.u32 v4, $0x4  }
0xe8: {  	v11 =	vsub.f32 $1.000000000e+00, v6;
	v10 =	vmul.f32 $1.000000000e+01, v10;
	v4 =	vor.u32 v2, v4  }
0xe9: {  	v7 =	vshll.u32 v7, $0x4  }
0xea: {  	v11 =	vsel vm0, v6, v11;
	v10 =	vmin.f32 v10, $9.000000000e+00;
	v7 =	vor.u32 v2, v7  }
0xeb: {  	v11 =	vmul.f32 $1.000000000e+01, v11;
	v14 =	vsub.f32 $1.000000000e+00, v9;
	v10 =	vtrunc.f32 v10  }
0xec: {  	vm2 =	veq.s32 v12, $0x0;
	v12 =	vsub.f32 $1.000000000e+00, v13;
	v10 =	vcvt.f32.s32 v10  }
0xed: {  	v11 =	vmin.f32 v11, $9.000000000e+00;
	v3 =	vsel vm1, v3, v8;
	v8 =	vsel vm2, v14, v9;
	[tilespmem:v4+s18+$0x0] =	vst.idx.add.f32.msk $0xffff, v1  }
0xee: {  	v11 =	vtrunc.f32 v11;
	v10 =	vshll.u32 v10, $0x4;
	[tilespmem:v4+s19+$0x0] =	vst.idx.add.f32.msk $0xffff, v3;
	v4 =	vmul.f32 $1.000000000e+01, v8  }
0xef: {  	v11 =	vcvt.f32.s32 v11;
	v8 =	vor.u32 v2, v10;
	v10 =	vsel vm2, v13, v12;
	[tilespmem:v7+s20+$0x0] =	vst.idx.add.f32.msk $0xffff, v1  }
0xf0: {  	[tilespmem:v7+s21+$0x0] =	vst.idx.add.f32.msk $0xffff, v3;
	v3 =	vmin.f32 v4, $9.000000000e+00;
	v4 =	vmul.f32 $1.000000000e+01, v10  }
0xf1: {  	v11 =	vshll.u32 v11, $0x4;
	v10 =	vld [tilespmem:s1+$0x50];
	v3 =	vtrunc.f32 v3  }
0xf2: {  	v7 =	vor.u32 v2, v11;
	v11 =	vld [tilespmem:s14+$0x50];
	v3 =	vcvt.f32.s32 v3;
	v4 =	vmin.f32 v4, $9.000000000e+00  }
0xf3: {  	v12 =	vld [tilespmem:s1+$0xD0];
	v4 =	vtrunc.f32 v4  }
0xf4: {  	v15 =	vld [tilespmem:s29+$0xFFFFFF80];
	v4 =	vcvt.f32.s32 v4;
	v3 =	vshll.u32 v3, $0x4  }
0xf5: {  	v5 =	vsel vm0, v5, v6;
	[tilespmem:v8+s18+$0x0] =	vst.idx.add.f32.msk $0xffff, v1;
	v3 =	vor.u32 v2, v3  }
0xf6: {  	[tilespmem:v8+s19+$0x0] =	vst.idx.add.f32.msk $0xffff, v5;
	v6 =	vsub.f32 $1.000000000e+00, v10;
	v4 =	vshll.u32 v4, $0x4  }
0xf7: {  	v8 =	vld [tilespmem:s28+$0xFFFFFF80];
	vm1 =	veq.s32 v11, $0x0;
	v4 =	vor.u32 v2, v4  }
0xf8: {  	v11 =	vld [tilespmem:s28+$0xFFFFFF00];
	v14 =	vsub.f32 $1.000000000e+00, v12;
	v6 =	vsel vm1, v6, v10  }
0xf9: {  	[tilespmem:v7+s20+$0x0] =	vst.idx.add.f32.msk $0xffff, v1;
	v6 =	vmul.f32 $1.000000000e+01, v6  }
0xfa: {  	v9 =	vsel vm2, v9, v13;
	v14 =	vsel vm1, v12, v14;
	[tilespmem:v3+s18+$0x0] =	vst.idx.add.f32.msk $0xffff, v1  }
0xfb: {  	v13 =	vmul.f32 $1.000000000e+01, v14;
	v6 =	vmin.f32 v6, $9.000000000e+00;
	[tilespmem:v3+s19+$0x0] =	vst.idx.add.f32.msk $0xffff, v9  }
0xfc: {  	v3 =	vtrunc.f32 v6;
	[tilespmem:v4+s20+$0x0] =	vst.idx.add.f32.msk $0xffff, v1  }
0xfd: {  	v13 =	vmin.f32 v13, $9.000000000e+00;
	v6 =	vsub.f32 $1.000000000e+00, v11;
	v3 =	vcvt.f32.s32 v3;
	[tilespmem:v4+s21+$0x0] =	vst.idx.add.f32.msk $0xffff, v9  }
0xfe: {  	vm0 =	veq.s32 v15, $0x0;
	v4 =	vsub.f32 $1.000000000e+00, v8;
	v9 =	vtrunc.f32 v13;
	v13 =	vld [tilespmem:s28+$0x10]  }
0xff: {  	v6 =	vsel vm0, v6, v11;
	v9 =	vcvt.f32.s32 v9;
	v14 =	vld [tilespmem:s29+$0x10];
	v3 =	vshll.u32 v3, $0x4  }
0x100: {  	v15 =	vld [tilespmem:s28+$0x90];
	v6 =	vmul.f32 $1.000000000e+01, v6;
	v3 =	vor.u32 v2, v3  }
0x101: {  	[tilespmem:v7+s21+$0x0] =	vst.idx.add.f32.msk $0xffff, v5;
	v4 =	vsel vm0, v8, v4;
	v5 =	vshll.u32 v9, $0x4  }
0x102: {  	v7 =	vld [tilespmem:s1+$0xFFFFFF30];
	v4 =	vmul.f32 $1.000000000e+01, v4;
	v6 =	vmin.f32 v6, $9.000000000e+00;
	v5 =	vor.u32 v2, v5  }
0x103: {  	v17 =	vld [tilespmem:s14+$0xFFFFFFB0];
	v10 =	vsel vm1, v10, v12;
	v6 =	vtrunc.f32 v6;
	v16 =	vsub.f32 $1.000000000e+00, v13  }
0x104: {  	v9 =	vld [tilespmem:s1+$0xFFFFFFB0];
	v4 =	vmin.f32 v4, $9.000000000e+00;
	v6 =	vcvt.f32.s32 v6;
	vm2 =	veq.s32 v14, $0x0  }
0x105: {  	v4 =	vtrunc.f32 v4;
	v14 =	vsub.f32 $1.000000000e+00, v15;
	[tilespmem:v3+s18+$0x0] =	vst.idx.add.f32.msk $0xffff, v1;
	v12 =	vsel vm2, v16, v13  }
0x106: {  	v4 =	vcvt.f32.s32 v4;
	v6 =	vshll.u32 v6, $0x4;
	[tilespmem:v3+s19+$0x0] =	vst.idx.add.f32.msk $0xffff, v10;
	v3 =	vmul.f32 $1.000000000e+01, v12  }
0x107: {  	v6 =	vor.u32 v2, v6;
	v12 =	vsel vm2, v15, v14;
	[tilespmem:v5+s20+$0x0] =	vst.idx.add.f32.msk $0xffff, v1  }
0x108: {  	v4 =	vshll.u32 v4, $0x4;
	[tilespmem:v5+s21+$0x0] =	vst.idx.add.f32.msk $0xffff, v10;
	v3 =	vmin.f32 v3, $9.000000000e+00;
	v5 =	vmul.f32 $1.000000000e+01, v12  }
0x109: {  	v4 =	vor.u32 v2, v4;
	v10 =	vld [tilespmem:s1+$0x60];
	v3 =	vtrunc.f32 v3  }
0x10a: {  	v12 =	vld [tilespmem:s14+$0x60];
	v3 =	vcvt.f32.s32 v3;
	v5 =	vmin.f32 v5, $9.000000000e+00  }
0x10b: {  	v8 =	vsel vm0, v11, v8;
	v16 =	vld [tilespmem:s1+$0xE0];
	v5 =	vtrunc.f32 v5  }
0x10c: {  	v14 =	vsub.f32 $1.000000000e+00, v7;
	[tilespmem:v6+s18+$0x0] =	vst.idx.add.f32.msk $0xffff, v1;
	v5 =	vcvt.f32.s32 v5;
	v3 =	vshll.u32 v3, $0x4  }
0x10d: {  	vm0 =	veq.s32 v17, $0x0;
	[tilespmem:v6+s19+$0x0] =	vst.idx.add.f32.msk $0xffff, v8;
	v3 =	vor.u32 v2, v3  }
0x10e: {  	v11 =	vsel vm0, v14, v7;
	v6 =	vsub.f32 $1.000000000e+00, v9;
	[tilespmem:v4+s20+$0x0] =	vst.idx.add.f32.msk $0xffff, v1;
	v5 =	vshll.u32 v5, $0x4  }
0x10f: {  	v11 =	vmul.f32 $1.000000000e+01, v11;
	[tilespmem:v4+s21+$0x0] =	vst.idx.add.f32.msk $0xffff, v8;
	v4 =	vor.u32 v2, v5  }
0x110: {  	v5 =	vsel vm0, v9, v6;
	v6 =	vld [tilespmem:s28+$0xFFFFFF10]  }
0x111: {  	v8 =	vmin.f32 v11, $9.000000000e+00;
	v11 =	vld [tilespmem:s29+$0xFFFFFF90];
	v5 =	vmul.f32 $1.000000000e+01, v5  }
0x112: {  	v13 =	vsel vm2, v13, v15;
	v8 =	vtrunc.f32 v8;
	[tilespmem:v3+s18+$0x0] =	vst.idx.add.f32.msk $0xffff, v1  }
0x113: {  	v14 =	vsub.f32 $1.000000000e+00, v10;
	v8 =	vcvt.f32.s32 v8;
	v5 =	vmin.f32 v5, $9.000000000e+00;
	[tilespmem:v3+s19+$0x0] =	vst.idx.add.f32.msk $0xffff, v13  }
0x114: {  	vm1 =	veq.s32 v12, $0x0;
	v3 =	vtrunc.f32 v5;
	v5 =	vsub.f32 $1.000000000e+00, v16;
	[tilespmem:v4+s20+$0x0] =	vst.idx.add.f32.msk $0xffff, v1  }
0x115: {  	v12 =	vsel vm1, v14, v10;
	v8 =	vshll.u32 v8, $0x4;
	v3 =	vcvt.f32.s32 v3;
	[tilespmem:v4+s21+$0x0] =	vst.idx.add.f32.msk $0xffff, v13  }
0x116: {  	v4 =	vor.u32 v2, v8;
	v8 =	vmul.f32 $1.000000000e+01, v12;
	v5 =	vsel vm1, v16, v5;
	v12 =	vld [tilespmem:s28+$0x20]  }
0x117: {  	v5 =	vmul.f32 $1.000000000e+01, v5;
	v13 =	vld [tilespmem:s29+$0x20]  }
0x118: {  	v7 =	vsel vm0, v7, v9;
	v3 =	vshll.u32 v3, $0x4;
	v9 =	vld [tilespmem:s28+$0xA0];
	v8 =	vmin.f32 v8, $9.000000000e+00  }
0x119: {  	v3 =	vor.u32 v2, v3;
	v8 =	vtrunc.f32 v8;
	v5 =	vmin.f32 v5, $9.000000000e+00  }
0x11a: {  	v14 =	vsub.f32 $1.000000000e+00, v6;
	v8 =	vcvt.f32.s32 v8;
	v5 =	vtrunc.f32 v5  }
0x11b: {  	vm0 =	veq.s32 v11, $0x0;
	[tilespmem:v4+s18+$0x0] =	vst.idx.add.f32.msk $0xffff, v1;
	v5 =	vcvt.f32.s32 v5;
	v11 =	vsub.f32 $1.000000000e+00, v12  }
0x11c: {  	[tilespmem:v4+s19+$0x0] =	vst.idx.add.f32.msk $0xffff, v7;
	v4 =	vshll.u32 v8, $0x4;
	v8 =	vsel vm0, v14, v6;
	vm2 =	veq.s32 v13, $0x0  }
0x11d: {  	v13 =	vld [tilespmem:s28+$0xFFFFFF90];
	v14 =	vsub.f32 $1.000000000e+00, v9;
	v8 =	vmul.f32 $1.000000000e+01, v8;
	v11 =	vsel vm2, v11, v12  }
0x11e: {  	[tilespmem:v3+s20+$0x0] =	vst.idx.add.f32.msk $0xffff, v1;
	v4 =	vor.u32 v2, v4;
	v5 =	vshll.u32 v5, $0x4;
	v11 =	vmul.f32 $1.000000000e+01, v11  }
0x11f: {  	[tilespmem:v3+s21+$0x0] =	vst.idx.add.f32.msk $0xffff, v7;
	v3 =	vor.u32 v2, v5;
	v7 =	vsel vm2, v9, v14;
	v5 =	vmin.f32 v8, $9.000000000e+00  }
0x120: {  	v8 =	vld [tilespmem:s1+$0xFFFFFF40];
	v7 =	vmul.f32 $1.000000000e+01, v7;
	v5 =	vtrunc.f32 v5;
	v11 =	vmin.f32 v11, $9.000000000e+00  }
0x121: {  	v14 =	vld [tilespmem:s1+$0xFFFFFFC0];
	v5 =	vcvt.f32.s32 v5;
	v11 =	vtrunc.f32 v11  }
0x122: {  	v10 =	vsel vm1, v10, v16;
	v15 =	vld [tilespmem:s14+$0xFFFFFFC0];
	v7 =	vmin.f32 v7, $9.000000000e+00;
	v11 =	vcvt.f32.s32 v11  }
0x123: {  	v17 =	vsub.f32 $1.000000000e+00, v13;
	[tilespmem:v4+s18+$0x0] =	vst.idx.add.f32.msk $0xffff, v1;
	v7 =	vtrunc.f32 v7;
	v5 =	vshll.u32 v5, $0x4  }
0x124: {  	[tilespmem:v4+s19+$0x0] =	vst.idx.add.f32.msk $0xffff, v10;
	v4 =	vor.u32 v2, v5;
	v5 =	vcvt.f32.s32 v7;
	v7 =	vshll.u32 v11, $0x4  }
0x125: {  	[tilespmem:v3+s20+$0x0] =	vst.idx.add.f32.msk $0xffff, v1;
	v11 =	vsel vm0, v13, v17;
	v7 =	vor.u32 v2, v7  }
0x126: {  	[tilespmem:v3+s21+$0x0] =	vst.idx.add.f32.msk $0xffff, v10;
	v11 =	vmul.f32 $1.000000000e+01, v11;
	v3 =	vshll.u32 v5, $0x4  }
0x127: {  	v5 =	vld [tilespmem:s1+$0x70];
	v3 =	vor.u32 v2, v3  }
0x128: {  	v10 =	vmin.f32 v11, $9.000000000e+00;
	v11 =	vld [tilespmem:s14+$0x70]  }
0x129: {  	v10 =	vtrunc.f32 v10;
	[tilespmem:v4+s18+$0x0] =	vst.idx.add.f32.msk $0xffff, v1  }
0x12a: {  	v9 =	vsel vm2, v12, v9;
	v16 =	vsub.f32 $1.000000000e+00, v8;
	v10 =	vcvt.f32.s32 v10;
	[tilespmem:v7+s18+$0x0] =	vst.idx.add.f32.msk $0xffff, v1  }
0x12b: {  	v12 =	vsub.f32 $1.000000000e+00, v14;
	vm2 =	veq.s32 v15, $0x0;
	[tilespmem:v7+s19+$0x0] =	vst.idx.add.f32.msk $0xffff, v9  }
0x12c: {  	v7 =	vsel vm2, v16, v8;
	v10 =	vshll.u32 v10, $0x4;
	[tilespmem:v3+s20+$0x0] =	vst.idx.add.f32.msk $0xffff, v1  }
0x12d: {  	v12 =	vsel vm2, v14, v12;
	v7 =	vmul.f32 $1.000000000e+01, v7;
	v10 =	vor.u32 v2, v10;
	[tilespmem:v3+s21+$0x0] =	vst.idx.add.f32.msk $0xffff, v9  }
0x12e: {  	v3 =	vmul.f32 $1.000000000e+01, v12;
	v9 =	vld [tilespmem:s28+$0x30]  }
0x12f: {  	v7 =	vmin.f32 v7, $9.000000000e+00;
	v12 =	vld [tilespmem:s29+$0x30]  }
0x130: {  	v6 =	vsel vm0, v6, v13;
	v13 =	vld [tilespmem:s28+$0xB0];
	v3 =	vmin.f32 v3, $9.000000000e+00;
	v7 =	vtrunc.f32 v7  }
0x131: {  	[tilespmem:v4+s19+$0x0] =	vst.idx.add.f32.msk $0xffff, v6;
	v15 =	vsub.f32 $1.000000000e+00, v5;
	v3 =	vtrunc.f32 v3;
	v7 =	vcvt.f32.s32 v7  }
0x132: {  	vm0 =	veq.s32 v11, $0x0;
	v3 =	vcvt.f32.s32 v3;
	[tilespmem:v10+s20+$0x0] =	vst.idx.add.f32.msk $0xffff, v1  }
0x133: {  	v4 =	vshll.u32 v7, $0x4;
	v7 =	vsel vm0, v15, v5;
	[tilespmem:v10+s21+$0x0] =	vst.idx.add.f32.msk $0xffff, v6;
	v6 =	vsub.f32 $1.000000000e+00, v9  }
0x134: {  	v4 =	vor.u32 v2, v4;
	v7 =	vmul.f32 $1.000000000e+01, v7;
	v10 =	vld [tilespmem:s28+$0xFFFFFF20];
	vm1 =	veq.s32 v12, $0x0  }
0x135: {  	v3 =	vshll.u32 v3, $0x4;
	v11 =	vsub.f32 $1.000000000e+00, v13;
	v12 =	vld [tilespmem:s28+$0xFFFFFFA0];
	v6 =	vsel vm1, v6, v9  }
0x136: {  	v15 =	vld [tilespmem:s29+$0xFFFFFFA0];
	v3 =	vor.u32 v2, v3;
	v7 =	vmin.f32 v7, $9.000000000e+00;
	v6 =	vmul.f32 $1.000000000e+01, v6  }
0x137: {  	v11 =	vsel vm1, v13, v11;
	v7 =	vtrunc.f32 v7  }
0x138: {  	v11 =	vmul.f32 $1.000000000e+01, v11;
	v7 =	vcvt.f32.s32 v7;
	v6 =	vmin.f32 v6, $9.000000000e+00  }
0x139: {  	v8 =	vsel vm2, v8, v14;
	[tilespmem:v4+s18+$0x0] =	vst.idx.add.f32.msk $0xffff, v1;
	v14 =	vsub.f32 $1.000000000e+00, v10;
	v6 =	vtrunc.f32 v6  }
0x13a: {  	[tilespmem:v4+s19+$0x0] =	vst.idx.add.f32.msk $0xffff, v8;
	v4 =	vshll.u32 v7, $0x4;
	v7 =	vmin.f32 v11, $9.000000000e+00;
	v6 =	vcvt.f32.s32 v6  }
0x13b: {  	vm2 =	veq.s32 v15, $0x0;
	v11 =	vsub.f32 $1.000000000e+00, v12;
	[tilespmem:v3+s20+$0x0] =	vst.idx.add.f32.msk $0xffff, v1;
	v7 =	vtrunc.f32 v7  }
0x13c: {  	v4 =	vor.u32 v2, v4;
	[tilespmem:v3+s21+$0x0] =	vst.idx.add.f32.msk $0xffff, v8;
	v3 =	vcvt.f32.s32 v7;
	v6 =	vshll.u32 v6, $0x4  }
0x13d: {  	v7 =	vsel vm2, v14, v10;
	v8 =	vsel vm2, v12, v11;
	v11 =	vld [tilespmem:s1+$0xFFFFFF50];
	v6 =	vor.u32 v2, v6  }
0x13e: {  	v7 =	vmul.f32 $1.000000000e+01, v7;
	v14 =	vld [tilespmem:s14+$0xFFFFFFD0];
	v3 =	vshll.u32 v3, $0x4  }
0x13f: {  	v16 =	vld [tilespmem:s1+$0xF0];
	v3 =	vor.u32 v2, v3  }
0x140: {  	v8 =	vmul.f32 $1.000000000e+01, v8;
	v15 =	vld [tilespmem:s1+$0xFFFFFFD0];
	v7 =	vmin.f32 v7, $9.000000000e+00  }
0x141: {  	v9 =	vsel vm1, v9, v13;
	[tilespmem:v4+s18+$0x0] =	vst.idx.add.f32.msk $0xffff, v1;
	v7 =	vtrunc.f32 v7  }
0x142: {  	v8 =	vmin.f32 v8, $9.000000000e+00;
	v7 =	vcvt.f32.s32 v7;
	v17 =	vsub.f32 $1.000000000e+00, v11;
	[tilespmem:v6+s18+$0x0] =	vst.idx.add.f32.msk $0xffff, v1  }
0x143: {  	v8 =	vtrunc.f32 v8;
	vm3 =	veq.s32 v14, $0x0;
	[tilespmem:v6+s19+$0x0] =	vst.idx.add.f32.msk $0xffff, v9  }
0x144: {  	v8 =	vcvt.f32.s32 v8;
	v6 =	vshll.u32 v7, $0x4;
	v13 =	vsel vm3, v17, v11;
	[tilespmem:v3+s20+$0x0] =	vst.idx.add.f32.msk $0xffff, v1  }
0x145: {  	v7 =	vsub.f32 $1.000000000e+00, v15;
	v6 =	vor.u32 v2, v6;
	v13 =	vmul.f32 $1.000000000e+01, v13;
	[tilespmem:v3+s21+$0x0] =	vst.idx.add.f32.msk $0xffff, v9  }
0x146: {  	v3 =	vshll.u32 v8, $0x4;
	v8 =	vld [tilespmem:s28+$0x40]  }
0x147: {  	v7 =	vsel vm3, v15, v7;
	v9 =	vor.u32 v2, v3;
	v13 =	vmin.f32 v13, $9.000000000e+00;
	v14 =	vld [tilespmem:s29+$0x40]  }
0x148: {  	v7 =	vmul.f32 $1.000000000e+01, v7;
	v3 =	vsel vm0, v5, v16;
	v5 =	vtrunc.f32 v13;
	v13 =	vld [tilespmem:s28+$0xC0]  }
0x149: {  	[tilespmem:v4+s19+$0x0] =	vst.idx.add.f32.msk $0xffff, v3  }
0x14a: {  	v4 =	vmin.f32 v7, $9.000000000e+00;
	v5 =	vcvt.f32.s32 v5;
	v7 =	vsel vm2, v10, v12;
	[tilespmem:v6+s18+$0x0] =	vst.idx.add.f32.msk $0xffff, v1  }
0x14b: {  	v4 =	vtrunc.f32 v4;
	[tilespmem:v6+s19+$0x0] =	vst.idx.add.f32.msk $0xffff, v7  }
0x14c: {  	s30 =	simm.s32 $0x500;
	v4 =	vcvt.f32.s32 v4;
	v5 =	vshll.u32 v5, $0x4;
	v6 =	vsub.f32 $1.000000000e+00, v8;
	[tilespmem:v9+s20+$0x0] =	vst.idx.add.f32.msk $0xffff, v1  }
0x14d: {  	v5 =	vor.u32 v2, v5;
	vm1 =	veq.s32 v14, $0x0;
	v14 =	vld [tilespmem:s30+$0x0]  }
0x14e: {  	[tilespmem:v9+s21+$0x0] =	vst.idx.add.f32.msk $0xffff, v7;
	v4 =	vshll.u32 v4, $0x4;
	v7 =	vsub.f32 $1.000000000e+00, v13;
	v6 =	vsel vm1, v6, v8  }
0x14f: {  	v9 =	vld [tilespmem:s28+$0xFFFFFF30];
	v4 =	vor.u32 v2, v4;
	v6 =	vmul.f32 $1.000000000e+01, v6  }
0x150: {  	v10 =	vld [tilespmem:s28+$0xFFFFFFB0];
	v7 =	vsel vm1, v13, v7  }
0x151: {  	v12 =	vld [tilespmem:s29+$0xFFFFFFB0];
	v7 =	vmul.f32 $1.000000000e+01, v7;
	v6 =	vmin.f32 v6, $9.000000000e+00  }
0x152: {  	v11 =	vsel vm3, v11, v15;
	[tilespmem:v5+s18+$0x0] =	vst.idx.add.f32.msk $0xffff, v1;
	v6 =	vtrunc.f32 v6  }
0x153: {  	[tilespmem:v5+s19+$0x0] =	vst.idx.add.f32.msk $0xffff, v11;
	v5 =	vcvt.f32.s32 v6;
	v6 =	vmin.f32 v7, $9.000000000e+00  }
0x154: {  	[tilespmem:v4+s20+$0x0] =	vst.idx.add.f32.msk $0xffff, v1;
	v6 =	vtrunc.f32 v6  }
0x155: {  	v7 =	vsub.f32 $1.000000000e+00, v16;
	[tilespmem:v4+s21+$0x0] =	vst.idx.add.f32.msk $0xffff, v11;
	v4 =	vcvt.f32.s32 v6;
	v6 =	vshll.u32 v5, $0x4  }
0x156: {  	s31 =	simm.s32 $0x8280;
	v6 =	vor.u32 v2, v6  }
0x157: {  	v7 =	vsel vm0, v16, v7;
	vm0 =	veq.s32 v12, $0x0;
	v12 =	vld [tilespmem:s31+$0x0];
	v4 =	vshll.u32 v4, $0x4  }
0x158: {  	v19 =	vld [tilespmem:s30+$0xFFFFFF80];
	v11 =	vsub.f32 $1.000000000e+00, v9;
	v4 =	vor.u32 v2, v4  }
0x159: {  	v15 =	vsub.f32 $1.000000000e+00, v10;
	v16 =	vld [tilespmem:s30+$0x80];
	v7 =	vmul.f32 $1.000000000e+01, v7  }
0x15a: {  	v8 =	vsel vm1, v8, v13;
	v13 =	vsub.f32 $1.000000000e+00, v14;
	v5 =	vld [tilespmem:s1+$0xFFFFFF60];
	v11 =	vsel vm0, v11, v9  }
0x15b: {  	v15 =	vsel vm0, v10, v15;
	v11 =	vmul.f32 $1.000000000e+01, v11;
	v7 =	vmin.f32 v7, $9.000000000e+00;
	[tilespmem:v6+s18+$0x0] =	vst.idx.add.f32.msk $0xffff, v1  }
0x15c: {  	v15 =	vmul.f32 $1.000000000e+01, v15;
	v7 =	vtrunc.f32 v7;
	vm1 =	veq.s32 v12, $0x0;
	[tilespmem:v6+s19+$0x0] =	vst.idx.add.f32.msk $0xffff, v8  }
0x15d: {  	v11 =	vmin.f32 v11, $9.000000000e+00;
	v7 =	vcvt.f32.s32 v7;
	v12 =	vsel vm1, v13, v14;
	[tilespmem:v4+s20+$0x0] =	vst.idx.add.f32.msk $0xffff, v1  }
0x15e: {  	v13 =	vsub.f32 $1.000000000e+00, v16;
	v6 =	vtrunc.f32 v11;
	v11 =	vmin.f32 v15, $9.000000000e+00;
	[tilespmem:v4+s21+$0x0] =	vst.idx.add.f32.msk $0xffff, v8  }
0x15f: {  	v6 =	vcvt.f32.s32 v6;
	v4 =	vshll.u32 v7, $0x4;
	v7 =	vtrunc.f32 v11;
	v11 =	vld [tilespmem:s28+$0x50]  }
0x160: {  	v9 =	vsel vm0, v9, v10;
	v8 =	vmul.f32 $1.000000000e+01, v12;
	v12 =	vsel vm1, v16, v13;
	v13 =	vld [tilespmem:s29+$0x50]  }
0x161: {  	v17 =	vld [tilespmem:s1+$0xFFFFFFE0];
	v7 =	vcvt.f32.s32 v7;
	v6 =	vshll.u32 v6, $0x4;
	v18 =	vor.u32 v2, v4  }
0x162: {  	v10 =	vld [tilespmem:s30+$0xFFFFFF00];
	v12 =	vmul.f32 $1.000000000e+01, v12;
	v6 =	vor.u32 v2, v6;
	v8 =	vmin.f32 v8, $9.000000000e+00  }
0x163: {  	v4 =	vshll.u32 v7, $0x4;
	v7 =	vld [tilespmem:s28+$0xD0];
	v8 =	vtrunc.f32 v8  }
0x164: {  	v15 =	vld [tilespmem:s14+$0xFFFFFFE0];
	v12 =	vmin.f32 v12, $9.000000000e+00;
	v4 =	vor.u32 v2, v4;
	v8 =	vcvt.f32.s32 v8  }
0x165: {  	v12 =	vtrunc.f32 v12;
	v20 =	vsub.f32 $1.000000000e+00, v11;
	vm2 =	veq.s32 v13, $0x0;
	v13 =	vld [tilespmem:s31+$0xFFFFFF80]  }
0x166: {  	v12 =	vcvt.f32.s32 v12;
	v8 =	vshll.u32 v8, $0x4;
	[tilespmem:v18+s20+$0x0] =	vst.idx.add.f32.msk $0xffff, v1  }
0x167: {  	[tilespmem:v6+s18+$0x0] =	vst.idx.add.f32.msk $0xffff, v1;
	v8 =	vor.u32 v2, v8;
	v20 =	vsel vm2, v20, v11  }
0x168: {  	v12 =	vshll.u32 v12, $0x4;
	[tilespmem:v6+s19+$0x0] =	vst.idx.add.f32.msk $0xffff, v9;
	v6 =	vsub.f32 $1.000000000e+00, v7;
	v20 =	vmul.f32 $1.000000000e+01, v20  }
0x169: {  	v12 =	vor.u32 v2, v12;
	[tilespmem:v4+s20+$0x0] =	vst.idx.add.f32.msk $0xffff, v1  }
0x16a: {  	v14 =	vsel vm1, v14, v16;
	[tilespmem:v4+s21+$0x0] =	vst.idx.add.f32.msk $0xffff, v9;
	v6 =	vsel vm2, v7, v6;
	v9 =	vmin.f32 v20, $9.000000000e+00  }
0x16b: {  	v16 =	vsub.f32 $1.000000000e+00, v10;
	[tilespmem:v18+s21+$0x0] =	vst.idx.add.f32.msk $0xffff, v3;
	v6 =	vmul.f32 $1.000000000e+01, v6;
	v9 =	vtrunc.f32 v9  }
0x16c: {  	vm0 =	veq.s32 v15, $0x0;
	v15 =	vsub.f32 $1.000000000e+00, v19;
	[tilespmem:v8+s18+$0x0] =	vst.idx.add.f32.msk $0xffff, v1;
	v9 =	vcvt.f32.s32 v9  }
0x16d: {  	v4 =	vsub.f32 $1.000000000e+00, v5;
	v20 =	vsub.f32 $1.000000000e+00, v17;
	v6 =	vmin.f32 v6, $9.000000000e+00;
	[tilespmem:v8+s19+$0x0] =	vst.idx.add.f32.msk $0xffff, v14  }
0x16e: {  	vm1 =	veq.s32 v13, $0x0;
	v6 =	vtrunc.f32 v6;
	[tilespmem:v12+s20+$0x0] =	vst.idx.add.f32.msk $0xffff, v1;
	v8 =	vshll.u32 v9, $0x4  }
0x16f: {  	v9 =	vsel vm1, v16, v10;
	v6 =	vcvt.f32.s32 v6;
	[tilespmem:v12+s21+$0x0] =	vst.idx.add.f32.msk $0xffff, v14;
	v8 =	vor.u32 v2, v8  }
0x170: {  	v4 =	vsel vm0, v4, v5;
	v12 =	vsel vm0, v17, v20;
	v9 =	vmul.f32 $1.000000000e+01, v9;
	v13 =	vld [tilespmem:s30+$0x10]  }
0x171: {  	v14 =	vmul.f32 $1.000000000e+01, v4;
	v4 =	vsel vm1, v19, v15;
	v15 =	vld [tilespmem:s31+$0x10];
	v6 =	vshll.u32 v6, $0x4  }
0x172: {  	v16 =	vmul.f32 $1.000000000e+01, v4;
	v20 =	vld [tilespmem:s30+$0x90];
	v9 =	vmin.f32 v9, $9.000000000e+00;
	v6 =	vor.u32 v2, v6  }
0x173: {  	v7 =	vsel vm2, v11, v7;
	v5 =	vsel vm0, v5, v17;
	v4 =	vld [tilespmem:s28+$0xFFFFFF40];
	v9 =	vtrunc.f32 v9  }
0x174: {  	v12 =	vmul.f32 $1.000000000e+01, v12;
	v16 =	vmin.f32 v16, $9.000000000e+00;
	v9 =	vcvt.f32.s32 v9;
	[tilespmem:v8+s18+$0x0] =	vst.idx.add.f32.msk $0xffff, v1  }
0x175: {  	v11 =	vmin.f32 v14, $9.000000000e+00;
	v14 =	vtrunc.f32 v16;
	v16 =	vsub.f32 $1.000000000e+00, v13;
	[tilespmem:v8+s19+$0x0] =	vst.idx.add.f32.msk $0xffff, v7  }
0x176: {  	v14 =	vcvt.f32.s32 v14;
	vm2 =	veq.s32 v15, $0x0;
	v8 =	vld [tilespmem:s29+$0xFFFFFFC0];
	v9 =	vshll.u32 v9, $0x4  }
0x177: {  	v9 =	vor.u32 v2, v9;
	[tilespmem:v6+s20+$0x0] =	vst.idx.add.f32.msk $0xffff, v1;
	v15 =	vsel vm2, v16, v13;
	v16 =	vsub.f32 $1.000000000e+00, v20  }
0x178: {  	v12 =	vmin.f32 v12, $9.000000000e+00;
	v14 =	vshll.u32 v14, $0x4;
	[tilespmem:v6+s21+$0x0] =	vst.idx.add.f32.msk $0xffff, v7;
	v6 =	vmul.f32 $1.000000000e+01, v15  }
0x179: {  	v7 =	vtrunc.f32 v11;
	v11 =	vor.u32 v2, v14;
	v14 =	vld [tilespmem:s28+$0x60];
	v15 =	vsel vm2, v20, v16  }
0x17a: {  	v12 =	vtrunc.f32 v12;
	v16 =	vld [tilespmem:s29+$0x60];
	v6 =	vmin.f32 v6, $9.000000000e+00;
	v15 =	vmul.f32 $1.000000000e+01, v15  }
0x17b: {  	v10 =	vsel vm1, v10, v19;
	v7 =	vcvt.f32.s32 v7;
	v17 =	vld [tilespmem:s28+$0xE0];
	v6 =	vtrunc.f32 v6  }
0x17c: {  	v19 =	vsub.f32 $1.000000000e+00, v4;
	[tilespmem:v9+s18+$0x0] =	vst.idx.add.f32.msk $0xffff, v1;
	v6 =	vcvt.f32.s32 v6;
	v15 =	vmin.f32 v15, $9.000000000e+00  }
0x17d: {  	vm0 =	veq.s32 v8, $0x0;
	v7 =	vshll.u32 v7, $0x4;
	[tilespmem:v9+s19+$0x0] =	vst.idx.add.f32.msk $0xffff, v10;
	v9 =	vtrunc.f32 v15  }
0x17e: {  	[tilespmem:v11+s20+$0x0] =	vst.idx.add.f32.msk $0xffff, v1;
	v8 =	vcvt.f32.s32 v9;
	v6 =	vshll.u32 v6, $0x4;
	v9 =	vsel vm0, v19, v4  }
0x17f: {  	[tilespmem:v11+s21+$0x0] =	vst.idx.add.f32.msk $0xffff, v10;
	v6 =	vor.u32 v2, v6;
	v9 =	vmul.f32 $1.000000000e+01, v9;
	v10 =	vsub.f32 $1.000000000e+00, v14  }
0x180: {  	vm1 =	veq.s32 v16, $0x0;
	v16 =	vsub.f32 $1.000000000e+00, v17;
	v11 =	vld [tilespmem:s30+$0xFFFFFF10];
	v8 =	vshll.u32 v8, $0x4  }
0x181: {  	v19 =	vld [tilespmem:s31+$0xFFFFFF90];
	v8 =	vor.u32 v2, v8;
	v9 =	vmin.f32 v9, $9.000000000e+00;
	v10 =	vsel vm1, v10, v14  }
0x182: {  	v3 =	vor.u32 v2, v7;
	v15 =	vld [tilespmem:s30+$0xFFFFFF90];
	v7 =	vtrunc.f32 v9;
	v9 =	vmul.f32 $1.000000000e+01, v10  }
0x183: {  	v12 =	vcvt.f32.s32 v12;
	v10 =	vsel vm1, v17, v16;
	v7 =	vcvt.f32.s32 v7  }
0x184: {  	v13 =	vsel vm2, v13, v20;
	v10 =	vmul.f32 $1.000000000e+01, v10;
	[tilespmem:v6+s18+$0x0] =	vst.idx.add.f32.msk $0xffff, v1;
	v9 =	vmin.f32 v9, $9.000000000e+00  }
0x185: {  	[tilespmem:v6+s19+$0x0] =	vst.idx.add.f32.msk $0xffff, v13;
	v6 =	vshll.u32 v7, $0x4;
	v7 =	vtrunc.f32 v9;
	v9 =	vsub.f32 $1.000000000e+00, v11  }
0x186: {  	v12 =	vshll.u32 v12, $0x4;
	v10 =	vmin.f32 v10, $9.000000000e+00;
	vm2 =	veq.s32 v19, $0x0;
	[tilespmem:v8+s20+$0x0] =	vst.idx.add.f32.msk $0xffff, v1  }
0x187: {  	v16 =	vsub.f32 $1.000000000e+00, v15;
	v7 =	vcvt.f32.s32 v7;
	[tilespmem:v8+s21+$0x0] =	vst.idx.add.f32.msk $0xffff, v13;
	v9 =	vsel vm2, v9, v11  }
0x188: {  	v12 =	vor.u32 v2, v12;
	v8 =	vtrunc.f32 v10;
	v10 =	vld [tilespmem:s30+$0x20];
	v9 =	vmul.f32 $1.000000000e+01, v9  }
0x189: {  	v13 =	vsel vm2, v15, v16;
	v8 =	vcvt.f32.s32 v8;
	v16 =	vld [tilespmem:s31+$0x20];
	v7 =	vshll.u32 v7, $0x4  }
0x18a: {  	v13 =	vmul.f32 $1.000000000e+01, v13;
	v18 =	vld [tilespmem:s30+$0xA0];
	v7 =	vor.u32 v2, v7;
	v9 =	vmin.f32 v9, $9.000000000e+00  }
0x18b: {  	[tilespmem:v3+s18+$0x0] =	vst.idx.add.f32.msk $0xffff, v1;
	v14 =	vsel vm1, v14, v17;
	v9 =	vtrunc.f32 v9  }
0x18c: {  	[tilespmem:v3+s19+$0x0] =	vst.idx.add.f32.msk $0xffff, v5;
	v8 =	vshll.u32 v8, $0x4;
	v13 =	vmin.f32 v13, $9.000000000e+00;
	v3 =	vcvt.f32.s32 v9  }
0x18d: {  	[tilespmem:v12+s20+$0x0] =	vst.idx.add.f32.msk $0xffff, v1;
	v8 =	vor.u32 v2, v8;
	v9 =	vtrunc.f32 v13;
	v13 =	vsub.f32 $1.000000000e+00, v10  }
0x18e: {  	[tilespmem:v12+s21+$0x0] =	vst.idx.add.f32.msk $0xffff, v5;
	v9 =	vcvt.f32.s32 v9;
	vm3 =	veq.s32 v16, $0x0;
	v3 =	vshll.u32 v3, $0x4  }
0x18f: {  	v16 =	vsub.f32 $1.000000000e+00, v18;
	[tilespmem:v7+s18+$0x0] =	vst.idx.add.f32.msk $0xffff, v1;
	v13 =	vsel vm3, v13, v10;
	v3 =	vor.u32 v2, v3  }
0x190: {  	[tilespmem:v7+s19+$0x0] =	vst.idx.add.f32.msk $0xffff, v14;
	v7 =	vshll.u32 v9, $0x4;
	v13 =	vmul.f32 $1.000000000e+01, v13  }
0x191: {  	v19 =	vld [tilespmem:s28+$0xFFFFFFC0];
	v9 =	vsel vm3, v18, v16;
	v7 =	vor.u32 v2, v7  }
0x192: {  	[tilespmem:v8+s20+$0x0] =	vst.idx.add.f32.msk $0xffff, v1;
	v9 =	vmul.f32 $1.000000000e+01, v9;
	v13 =	vmin.f32 v13, $9.000000000e+00  }
0x193: {  	[tilespmem:v8+s21+$0x0] =	vst.idx.add.f32.msk $0xffff, v14;
	v8 =	vtrunc.f32 v13  }
0x194: {  	v11 =	vsel vm2, v11, v15;
	v9 =	vmin.f32 v9, $9.000000000e+00;
	v8 =	vcvt.f32.s32 v8;
	[tilespmem:v3+s18+$0x0] =	vst.idx.add.f32.msk $0xffff, v1  }
0x195: {  	v6 =	vor.u32 v2, v6;
	v9 =	vtrunc.f32 v9;
	[tilespmem:v3+s19+$0x0] =	vst.idx.add.f32.msk $0xffff, v11  }
0x196: {  	v3 =	vcvt.f32.s32 v9;
	v9 =	vsub.f32 $1.000000000e+00, v19;
	v8 =	vshll.u32 v8, $0x4;
	[tilespmem:v7+s20+$0x0] =	vst.idx.add.f32.msk $0xffff, v1  }
0x197: {  	v8 =	vor.u32 v2, v8;
	[tilespmem:v7+s21+$0x0] =	vst.idx.add.f32.msk $0xffff, v11  }
0x198: {  	v3 =	vshll.u32 v3, $0x4;
	v7 =	vsel vm0, v19, v9;
	v9 =	vld [tilespmem:s30+$0xFFFFFF20]  }
0x199: {  	v3 =	vor.u32 v2, v3;
	v7 =	vmul.f32 $1.000000000e+01, v7;
	v13 =	vld [tilespmem:s31+$0xFFFFFFA0]  }
0x19a: {  	[tilespmem:v6+s18+$0x0] =	vst.idx.add.f32.msk $0xffff, v1  }
0x19b: {  	v11 =	vld [tilespmem:s30+$0xFFFFFFA0];
	v7 =	vmin.f32 v7, $9.000000000e+00  }
0x19c: {  	v10 =	vsel vm3, v10, v18;
	v7 =	vtrunc.f32 v7;
	[tilespmem:v8+s18+$0x0] =	vst.idx.add.f32.msk $0xffff, v1  }
0x19d: {  	v7 =	vcvt.f32.s32 v7;
	[tilespmem:v8+s19+$0x0] =	vst.idx.add.f32.msk $0xffff, v10;
	v8 =	vsub.f32 $1.000000000e+00, v9  }
0x19e: {  	vm2 =	veq.s32 v13, $0x0;
	[tilespmem:v3+s20+$0x0] =	vst.idx.add.f32.msk $0xffff, v1  }
0x19f: {  	[tilespmem:v3+s21+$0x0] =	vst.idx.add.f32.msk $0xffff, v10;
	v3 =	vshll.u32 v7, $0x4;
	v8 =	vsel vm2, v8, v9  }
0x1a0: {  	v10 =	vsub.f32 $1.000000000e+00, v11;
	v7 =	vld [tilespmem:s30+$0x30];
	v3 =	vor.u32 v2, v3;
	v8 =	vmul.f32 $1.000000000e+01, v8  }
0x1a1: {  	v13 =	vld [tilespmem:s31+$0x30]  }
0x1a2: {  	v4 =	vsel vm0, v4, v19;
	v14 =	vld [tilespmem:s30+$0xB0];
	v10 =	vsel vm2, v11, v10;
	v8 =	vmin.f32 v8, $9.000000000e+00  }
0x1a3: {  	[tilespmem:v6+s19+$0x0] =	vst.idx.add.f32.msk $0xffff, v4;
	v10 =	vmul.f32 $1.000000000e+01, v10;
	v6 =	vtrunc.f32 v8  }
0x1a4: {  	v16 =	vld [tilespmem:s28+$0x70];
	v6 =	vcvt.f32.s32 v6  }
0x1a5: {  	v10 =	vmin.f32 v10, $9.000000000e+00;
	v8 =	vsub.f32 $1.000000000e+00, v7;
	[tilespmem:v3+s20+$0x0] =	vst.idx.add.f32.msk $0xffff, v1  }
0x1a6: {  	vm1 =	veq.s32 v13, $0x0;
	[tilespmem:v3+s21+$0x0] =	vst.idx.add.f32.msk $0xffff, v4;
	v3 =	vtrunc.f32 v10;
	v6 =	vshll.u32 v6, $0x4  }
0x1a7: {  	v15 =	vld [tilespmem:s29+$0x70];
	v4 =	vsel vm1, v8, v7;
	v8 =	vsub.f32 $1.000000000e+00, v14;
	v3 =	vcvt.f32.s32 v3  }
0x1a8: {  	v17 =	vld [tilespmem:s28+$0xF0];
	v6 =	vor.u32 v2, v6;
	v4 =	vmul.f32 $1.000000000e+01, v4  }
0x1a9: {  	v10 =	vld [tilespmem:s28+$0xFFFFFF50];
	v8 =	vsel vm1, v14, v8;
	v3 =	vshll.u32 v3, $0x4  }
0x1aa: {  	v18 =	vld [tilespmem:s28+$0xFFFFFFD0];
	v4 =	vmin.f32 v4, $9.000000000e+00;
	v8 =	vmul.f32 $1.000000000e+01, v8;
	v20 =	vor.u32 v2, v3  }
0x1ab: {  	v19 =	vsub.f32 $1.000000000e+00, v16;
	v13 =	vld [tilespmem:s29+$0xFFFFFFD0];
	v3 =	vtrunc.f32 v4  }
0x1ac: {  	vm0 =	veq.s32 v15, $0x0;
	v5 =	vcvt.f32.s32 v3;
	v4 =	vmin.f32 v8, $9.000000000e+00;
	v3 =	vld [tilespmem:s1+$0xFFFFFF70]  }
0x1ad: {  	v12 =	vsub.f32 $1.000000000e+00, v17;
	v9 =	vsel vm2, v9, v11;
	[tilespmem:v6+s18+$0x0] =	vst.idx.add.f32.msk $0xffff, v1;
	v15 =	vtrunc.f32 v4  }
0x1ae: {  	v8 =	vsel vm0, v19, v16;
	[tilespmem:v6+s19+$0x0] =	vst.idx.add.f32.msk $0xffff, v9;
	v11 =	vcvt.f32.s32 v15;
	v5 =	vshll.u32 v5, $0x4  }
0x1af: {  	v12 =	vsel vm0, v17, v12;
	v8 =	vmul.f32 $1.000000000e+01, v8;
	v5 =	vor.u32 v2, v5;
	[tilespmem:v20+s20+$0x0] =	vst.idx.add.f32.msk $0xffff, v1  }
0x1b0: {  	v6 =	vmul.f32 $1.000000000e+01, v12;
	v11 =	vshll.u32 v11, $0x4;
	[tilespmem:v20+s21+$0x0] =	vst.idx.add.f32.msk $0xffff, v9  }
0x1b1: {  	v12 =	vsub.f32 $1.000000000e+00, v10;
	v8 =	vmin.f32 v8, $9.000000000e+00;
	v9 =	vor.u32 v2, v11;
	v11 =	vld [tilespmem:s30+$0xFFFFFF30]  }
0x1b2: {  	vm2 =	veq.s32 v13, $0x0;
	v13 =	vsub.f32 $1.000000000e+00, v18;
	v8 =	vtrunc.f32 v8;
	v15 =	vld [tilespmem:s30+$0xFFFFFFB0]  }
0x1b3: {  	v6 =	vmin.f32 v6, $9.000000000e+00;
	v12 =	vsel vm2, v12, v10;
	v8 =	vcvt.f32.s32 v8;
	v19 =	vld [tilespmem:s31+$0xFFFFFFB0]  }
0x1b4: {  	v7 =	vsel vm1, v7, v14;
	v6 =	vtrunc.f32 v6;
	v12 =	vmul.f32 $1.000000000e+01, v12;
	[tilespmem:v5+s18+$0x0] =	vst.idx.add.f32.msk $0xffff, v1  }
0x1b5: {  	v6 =	vcvt.f32.s32 v6;
	[tilespmem:v5+s19+$0x0] =	vst.idx.add.f32.msk $0xffff, v7;
	v5 =	vshll.u32 v8, $0x4;
	v8 =	vsel vm2, v18, v13  }
0x1b6: {  	v12 =	vmin.f32 v12, $9.000000000e+00;
	[tilespmem:v9+s20+$0x0] =	vst.idx.add.f32.msk $0xffff, v1;
	v5 =	vor.u32 v2, v5;
	v8 =	vmul.f32 $1.000000000e+01, v8  }
0x1b7: {  	v12 =	vtrunc.f32 v12;
	[tilespmem:v9+s21+$0x0] =	vst.idx.add.f32.msk $0xffff, v7  }
0x1b8: {  	v6 =	vshll.u32 v6, $0x4;
	v7 =	vcvt.f32.s32 v12;
	v13 =	vld [tilespmem:s30+$0x40];
	v8 =	vmin.f32 v8, $9.000000000e+00  }
0x1b9: {  	v6 =	vor.u32 v2, v6;
	v9 =	vld [tilespmem:s31+$0x40];
	v8 =	vtrunc.f32 v8  }
0x1ba: {  	v14 =	vld [tilespmem:s30+$0xC0];
	v7 =	vshll.u32 v7, $0x4;
	v8 =	vcvt.f32.s32 v8  }
0x1bb: {  	v16 =	vsel vm0, v16, v17;
	v12 =	vor.u32 v2, v7;
	[tilespmem:v5+s18+$0x0] =	vst.idx.add.f32.msk $0xffff, v1  }
0x1bc: {  	[tilespmem:v5+s19+$0x0] =	vst.idx.add.f32.msk $0xffff, v16;
	v5 =	vshll.u32 v8, $0x4  }
0x1bd: {  	v4 =	vld [tilespmem:s1+$0xFFFFFFF0];
	v10 =	vsel vm2, v10, v18;
	v8 =	vsub.f32 $1.000000000e+00, v13;
	v18 =	vor.u32 v2, v5  }
0x1be: {  	v17 =	vsub.f32 $1.000000000e+00, v11;
	vm1 =	veq.s32 v19, $0x0;
	[tilespmem:v6+s20+$0x0] =	vst.idx.add.f32.msk $0xffff, v1;
	vm0 =	veq.s32 v9, $0x0  }
0x1bf: {  	[tilespmem:v6+s21+$0x0] =	vst.idx.add.f32.msk $0xffff, v16;
	v6 =	vsub.f32 $1.000000000e+00, v15;
	v16 =	vsub.f32 $1.000000000e+00, v14;
	v8 =	vsel vm0, v8, v13  }
0x1c0: {  	v17 =	vsel vm1, v17, v11;
	[tilespmem:v12+s18+$0x0] =	vst.idx.add.f32.msk $0xffff, v1;
	v8 =	vmul.f32 $1.000000000e+01, v8  }
0x1c1: {  	v6 =	vsel vm1, v15, v6;
	v16 =	vsel vm0, v14, v16;
	[tilespmem:v12+s19+$0x0] =	vst.idx.add.f32.msk $0xffff, v10  }
0x1c2: {  	v12 =	vmul.f32 $1.000000000e+01, v17;
	v16 =	vmul.f32 $1.000000000e+01, v16;
	v8 =	vmin.f32 v8, $9.000000000e+00;
	[tilespmem:v18+s20+$0x0] =	vst.idx.add.f32.msk $0xffff, v1  }
0x1c3: {  	v15 =	vsel vm1, v11, v15;
	v11 =	vmul.f32 $1.000000000e+01, v6;
	v6 =	vtrunc.f32 v8;
	[tilespmem:v18+s21+$0x0] =	vst.idx.add.f32.msk $0xffff, v10  }
0x1c4: {  	v8 =	vmin.f32 v12, $9.000000000e+00;
	v12 =	vmin.f32 v16, $9.000000000e+00;
	v10 =	vcvt.f32.s32 v6;
	v6 =	vld [tilespmem:s28+$0xFFFFFF60]  }
0x1c5: {  	v16 =	vtrunc.f32 v12;
	v12 =	vld [tilespmem:s28+$0xFFFFFFE0]  }
0x1c6: {  	v7 =	vsub.f32 $1.000000000e+00, v3  }
0x1c7: {  	v5 =	vsub.f32 $1.000000000e+00, v4;
	v11 =	vmin.f32 v11, $9.000000000e+00;
	v17 =	vcvt.f32.s32 v16;
	v16 =	vld [tilespmem:s29+$0xFFFFFFE0]  }
0x1c8: {  	v8 =	vtrunc.f32 v8;
	v11 =	vtrunc.f32 v11;
	v10 =	vshll.u32 v10, $0x4  }
0x1c9: {  	s0 =	simm.s32 $0x8280;
	s1 =	simm.s32 $0x4;
	v9 =	vld [tilespmem:s14+$0xFFFFFFF0];
	s14 =	simm.s32 $0x700;
	v19 =	vcvt.f32.s32 v8;
	v18 =	vcvt.f32.s32 v11;
	v11 =	vor.u32 v2, v10  }
.LBB2_3:
0x1ca: {  	v10 =	vld [tilespmem:s14+$0x0];
	v8 =	vshll.u32 v17, $0x4;
	s31 =	sadd.s32 $0x100, s31;
	v17 =	vsub.f32 $1.000000000e+00, v6;
	v20 =	vsub.f32 $1.000000000e+00, v12  }
0x1cb: {  	v21 =	vld [tilespmem:s31+$0x0];
	v19 =	vshll.u32 v19, $0x4;
	v18 =	vshll.u32 v18, $0x4;
	v8 =	vor.u32 v2, v8  }
0x1cc: {  	vm1 =	veq.s32 v16, $0x0;
	v22 =	vld [tilespmem:s14+$0x80];
	v19 =	vor.u32 v2, v19;
	v18 =	vor.u32 v2, v18  }
0x1cd: {  	v17 =	vsel vm1, v17, v6;
	v20 =	vsel vm1, v12, v20;
	v6 =	vsel vm1, v6, v12;
	v16 =	vld [tilespmem:s14+$0xFFFFFF80]  }
0x1ce: {  	v12 =	vsel vm0, v13, v14;
	v13 =	vmul.f32 $1.000000000e+01, v17;
	v14 =	vmul.f32 $1.000000000e+01, v20;
	[tilespmem:v11+s18+$0x0] =	vst.idx.add.f32.msk $0xffff, v1  }
0x1cf: {  	vm0 =	veq.s32 v9, $0x0;
	v17 =	vsub.f32 $1.000000000e+00, v10;
	[tilespmem:v11+s19+$0x0] =	vst.idx.add.f32.msk $0xffff, v12  }
0x1d0: {  	v9 =	vmin.f32 v13, $9.000000000e+00;
	v11 =	vmin.f32 v14, $9.000000000e+00;
	vm1 =	veq.s32 v21, $0x0;
	[tilespmem:v8+s20+$0x0] =	vst.idx.add.f32.msk $0xffff, v1  }
0x1d1: {  	v13 =	vsel vm1, v17, v10;
	v14 =	vsub.f32 $1.000000000e+00, v22;
	[tilespmem:v8+s21+$0x0] =	vst.idx.add.f32.msk $0xffff, v12;
	v8 =	vtrunc.f32 v9  }
0x1d2: {  	v11 =	vtrunc.f32 v11;
	v9 =	vsub.f32 $1.000000000e+00, v16;
	v12 =	vmul.f32 $1.000000000e+01, v13;
	v13 =	vld [tilespmem:s30+$0x50]  }
0x1d3: {  	v11 =	vcvt.f32.s32 v11;
	v8 =	vcvt.f32.s32 v8;
	v14 =	vsel vm1, v22, v14;
	v17 =	vld [tilespmem:s0+$0x50]  }
0x1d4: {  	v21 =	vsel vm0, v7, v3;
	v12 =	vmin.f32 v12, $9.000000000e+00;
	v14 =	vmul.f32 $1.000000000e+01, v14;
	v20 =	vld [tilespmem:s30+$0xD0]  }
0x1d5: {  	v11 =	vshll.u32 v11, $0x4;
	v8 =	vshll.u32 v8, $0x4;
	v23 =	vld [tilespmem:s14+$0xFFFFFF00];
	v7 =	vtrunc.f32 v12  }
0x1d6: {  	v8 =	vor.u32 v2, v8;
	v12 =	vld [tilespmem:s31+$0xFFFFFF80];
	v24 =	vcvt.f32.s32 v7;
	v7 =	vmin.f32 v14, $9.000000000e+00  }
0x1d7: {  	v14 =	vtrunc.f32 v7;
	[tilespmem:v19+s18+$0x0] =	vst.idx.add.f32.msk $0xffff, v1;
	v25 =	vsub.f32 $1.000000000e+00, v13;
	v7 =	vor.u32 v2, v11  }
0x1d8: {  	v11 =	vcvt.f32.s32 v14;
	v14 =	vshll.u32 v24, $0x4;
	[tilespmem:v19+s19+$0x0] =	vst.idx.add.f32.msk $0xffff, v15;
	vm2 =	veq.s32 v17, $0x0  }
0x1d9: {  	v14 =	vor.u32 v2, v14;
	[tilespmem:v18+s20+$0x0] =	vst.idx.add.f32.msk $0xffff, v1;
	v17 =	vsel vm2, v25, v13;
	v19 =	vsub.f32 $1.000000000e+00, v20  }
0x1da: {  	v24 =	vsub.f32 $1.000000000e+00, v23;
	v11 =	vshll.u32 v11, $0x4;
	[tilespmem:v18+s21+$0x0] =	vst.idx.add.f32.msk $0xffff, v15;
	v15 =	vmul.f32 $1.000000000e+01, v17  }
0x1db: {  	vm3 =	veq.s32 v12, $0x0;
	v11 =	vor.u32 v2, v11;
	v12 =	vld [tilespmem:s30+$0xFFFFFF40];
	v17 =	vsel vm2, v20, v19  }
0x1dc: {  	v18 =	vsel vm3, v24, v23;
	v19 =	vld [tilespmem:s30+$0xFFFFFFC0];
	v15 =	vmin.f32 v15, $9.000000000e+00;
	v17 =	vmul.f32 $1.000000000e+01, v17  }
0x1dd: {  	v9 =	vsel vm3, v16, v9;
	v18 =	vmul.f32 $1.000000000e+01, v18;
	v24 =	vld [tilespmem:s0+$0xFFFFFFC0];
	v15 =	vtrunc.f32 v15  }
0x1de: {  	v10 =	vsel vm1, v10, v22;
	[tilespmem:v14+s18+$0x0] =	vst.idx.add.f32.msk $0xffff, v1;
	v15 =	vcvt.f32.s32 v15;
	v17 =	vmin.f32 v17, $9.000000000e+00  }
0x1df: {  	v9 =	vmul.f32 $1.000000000e+01, v9;
	v18 =	vmin.f32 v18, $9.000000000e+00;
	[tilespmem:v14+s19+$0x0] =	vst.idx.add.f32.msk $0xffff, v10;
	v14 =	vtrunc.f32 v17  }
0x1e0: {  	v17 =	vtrunc.f32 v18;
	[tilespmem:v11+s20+$0x0] =	vst.idx.add.f32.msk $0xffff, v1;
	v14 =	vcvt.f32.s32 v14;
	v15 =	vshll.u32 v15, $0x4  }
0x1e1: {  	v9 =	vmin.f32 v9, $9.000000000e+00;
	v17 =	vcvt.f32.s32 v17;
	[tilespmem:v11+s21+$0x0] =	vst.idx.add.f32.msk $0xffff, v10;
	v10 =	vor.u32 v2, v15  }
0x1e2: {  	s1 =	sadd.s32 $0x2, s1;
	v9 =	vtrunc.f32 v9;
	v11 =	vsel vm3, v23, v16;
	v15 =	vld [tilespmem:s14+$0x10];
	v14 =	vshll.u32 v14, $0x4  }
0x1e3: {  	p1 =	slt.u32 s1, $0x7E;
	v9 =	vcvt.f32.s32 v9;
	v16 =	vshll.u32 v17, $0x4;
	v17 =	vld [tilespmem:s31+$0x10];
	v14 =	vor.u32 v2, v14  }
0x1e4: {  	v22 =	vsub.f32 $1.000000000e+00, v12;
	v23 =	vsub.f32 $1.000000000e+00, v19;
	v16 =	vor.u32 v2, v16;
	v18 =	vld [tilespmem:s14+$0x90]  }
0x1e5: {  	vm3 =	veq.s32 v24, $0x0;
	v24 =	vsel vm0, v4, v5;
	v9 =	vshll.u32 v9, $0x4;
	[tilespmem:v8+s18+$0x0] =	vst.idx.add.f32.msk $0xffff, v1  }
0x1e6: {  	v13 =	vsel vm2, v13, v20;
	v20 =	vmul.f32 $1.000000000e+01, v21;
	v9 =	vor.u32 v2, v9;
	[tilespmem:v10+s18+$0x0] =	vst.idx.add.f32.msk $0xffff, v1  }
0x1e7: {  	v21 =	vsel vm3, v22, v12;
	v22 =	vsel vm3, v19, v23;
	v5 =	vsub.f32 $1.000000000e+00, v15;
	[tilespmem:v10+s19+$0x0] =	vst.idx.add.f32.msk $0xffff, v13  }
0x1e8: {  	v10 =	vmul.f32 $1.000000000e+01, v21;
	vm1 =	veq.s32 v17, $0x0;
	v17 =	vmul.f32 $1.000000000e+01, v22;
	[tilespmem:v14+s20+$0x0] =	vst.idx.add.f32.msk $0xffff, v1  }
0x1e9: {  	v21 =	vsel vm1, v5, v15;
	v22 =	vsub.f32 $1.000000000e+00, v18;
	v5 =	vsel vm3, v12, v19;
	[tilespmem:v14+s21+$0x0] =	vst.idx.add.f32.msk $0xffff, v13  }
0x1ea: {  	v10 =	vmin.f32 v10, $9.000000000e+00;
	v12 =	vmul.f32 $1.000000000e+01, v21;
	v13 =	vmin.f32 v17, $9.000000000e+00;
	v14 =	vld [tilespmem:s30+$0x60]  }
0x1eb: {  	v10 =	vtrunc.f32 v10;
	v17 =	vsel vm1, v18, v22;
	v13 =	vtrunc.f32 v13;
	v19 =	vld [tilespmem:s0+$0x60]  }
0x1ec: {  	v10 =	vcvt.f32.s32 v10;
	v12 =	vmin.f32 v12, $9.000000000e+00;
	v17 =	vmul.f32 $1.000000000e+01, v17;
	v21 =	vld [tilespmem:s30+$0xE0]  }
0x1ed: {  	v20 =	vmin.f32 v20, $9.000000000e+00;
	v13 =	vcvt.f32.s32 v13;
	[tilespmem:v16+s18+$0x0] =	vst.idx.add.f32.msk $0xffff, v1;
	v12 =	vtrunc.f32 v12  }
0x1ee: {  	v10 =	vshll.u32 v10, $0x4;
	[tilespmem:v16+s19+$0x0] =	vst.idx.add.f32.msk $0xffff, v11;
	v12 =	vcvt.f32.s32 v12;
	v16 =	vmin.f32 v17, $9.000000000e+00  }
0x1ef: {  	v13 =	vshll.u32 v13, $0x4;
	[tilespmem:v9+s20+$0x0] =	vst.idx.add.f32.msk $0xffff, v1;
	v16 =	vtrunc.f32 v16;
	v17 =	vsub.f32 $1.000000000e+00, v14  }
0x1f0: {  	[tilespmem:v9+s21+$0x0] =	vst.idx.add.f32.msk $0xffff, v11;
	v9 =	vcvt.f32.s32 v16;
	v11 =	vshll.u32 v12, $0x4;
	vm2 =	veq.s32 v19, $0x0  }
0x1f1: {  	v12 =	vld [tilespmem:s14+$0xFFFFFF10];
	v11 =	vor.u32 v2, v11;
	v16 =	vsel vm2, v17, v14;
	v17 =	vsub.f32 $1.000000000e+00, v21  }
0x1f2: {  	v22 =	vor.u32 v2, v10;
	v19 =	vld [tilespmem:s14+$0xFFFFFF90];
	v9 =	vshll.u32 v9, $0x4;
	v10 =	vmul.f32 $1.000000000e+01, v16  }
0x1f3: {  	v16 =	vld [tilespmem:s31+$0xFFFFFF90];
	v23 =	vor.u32 v2, v9;
	v9 =	vor.u32 v2, v13;
	v13 =	vsel vm2, v21, v17  }
0x1f4: {  	v17 =	vmul.f32 $1.000000000e+01, v24;
	v10 =	vmin.f32 v10, $9.000000000e+00;
	v13 =	vmul.f32 $1.000000000e+01, v13;
	[tilespmem:v8+s19+$0x0] =	vst.idx.add.f32.msk $0xffff, v6  }
0x1f5: {  	v8 =	vsel vm0, v3, v4;
	v3 =	vtrunc.f32 v20;
	v10 =	vtrunc.f32 v10;
	[tilespmem:v7+s20+$0x0] =	vst.idx.add.f32.msk $0xffff, v1  }
0x1f6: {  	v4 =	vsel vm1, v15, v18;
	[tilespmem:v11+s18+$0x0] =	vst.idx.add.f32.msk $0xffff, v1;
	v10 =	vcvt.f32.s32 v10;
	v13 =	vmin.f32 v13, $9.000000000e+00  }
0x1f7: {  	v15 =	vsub.f32 $1.000000000e+00, v12;
	v18 =	vsub.f32 $1.000000000e+00, v19;
	[tilespmem:v11+s19+$0x0] =	vst.idx.add.f32.msk $0xffff, v4;
	v11 =	vtrunc.f32 v13  }
0x1f8: {  	vm0 =	veq.s32 v16, $0x0;
	[tilespmem:v23+s20+$0x0] =	vst.idx.add.f32.msk $0xffff, v1;
	v11 =	vcvt.f32.s32 v11;
	v10 =	vshll.u32 v10, $0x4  }
0x1f9: {  	v13 =	vsel vm0, v15, v12;
	[tilespmem:v23+s21+$0x0] =	vst.idx.add.f32.msk $0xffff, v4;
	v4 =	vor.u32 v2, v10;
	v10 =	vmin.f32 v17, $9.000000000e+00  }
0x1fa: {  	v15 =	vsel vm0, v19, v18;
	v13 =	vmul.f32 $1.000000000e+01, v13;
	v16 =	vld [tilespmem:s14+$0x20];
	v11 =	vshll.u32 v11, $0x4  }
0x1fb: {  	v12 =	vsel vm0, v12, v19;
	v15 =	vmul.f32 $1.000000000e+01, v15;
	v17 =	vld [tilespmem:s31+$0x20];
	v11 =	vor.u32 v2, v11  }
0x1fc: {  	v3 =	vcvt.f32.s32 v3;
	v10 =	vtrunc.f32 v10;
	v13 =	vmin.f32 v13, $9.000000000e+00;
	v18 =	vld [tilespmem:s14+$0xA0]  }
0x1fd: {  	v10 =	vcvt.f32.s32 v10;
	v15 =	vmin.f32 v15, $9.000000000e+00;
	v13 =	vtrunc.f32 v13;
	[tilespmem:v22+s18+$0x0] =	vst.idx.add.f32.msk $0xffff, v1  }
0x1fe: {  	v14 =	vsel vm2, v14, v21;
	v15 =	vtrunc.f32 v15;
	v13 =	vcvt.f32.s32 v13;
	[tilespmem:v4+s18+$0x0] =	vst.idx.add.f32.msk $0xffff, v1  }
0x1ff: {  	v3 =	vshll.u32 v3, $0x4;
	v15 =	vcvt.f32.s32 v15;
	v19 =	vsub.f32 $1.000000000e+00, v16;
	[tilespmem:v4+s19+$0x0] =	vst.idx.add.f32.msk $0xffff, v14  }
0x200: {  	v10 =	vshll.u32 v10, $0x4;
	v4 =	vshll.u32 v13, $0x4;
	vm0 =	veq.s32 v17, $0x0;
	[tilespmem:v11+s20+$0x0] =	vst.idx.add.f32.msk $0xffff, v1  }
0x201: {  	v13 =	vshll.u32 v15, $0x4;
	v15 =	vsel vm0, v19, v16;
	v17 =	vsub.f32 $1.000000000e+00, v18;
	[tilespmem:v11+s21+$0x0] =	vst.idx.add.f32.msk $0xffff, v14  }
0x202: {  	v4 =	vor.u32 v2, v4;
	v13 =	vor.u32 v2, v13;
	v14 =	vmul.f32 $1.000000000e+01, v15;
	v15 =	vld [tilespmem:s30+$0x70]  }
0x203: {  	v10 =	vor.u32 v2, v10;
	v11 =	vor.u32 v2, v3;
	v17 =	vsel vm0, v18, v17;
	v19 =	vld [tilespmem:s0+$0x70]  }
0x204: {  	v3 =	vmin.f32 v14, $9.000000000e+00;
	v14 =	vmul.f32 $1.000000000e+01, v17;
	v17 =	vld [tilespmem:s30+$0xF0]  }
0x205: {  	v3 =	vtrunc.f32 v3;
	[tilespmem:v22+s19+$0x0] =	vst.idx.add.f32.msk $0xffff, v5  }
0x206: {  	v3 =	vcvt.f32.s32 v3;
	v14 =	vmin.f32 v14, $9.000000000e+00;
	[tilespmem:v9+s20+$0x0] =	vst.idx.add.f32.msk $0xffff, v1  }
0x207: {  	[tilespmem:v4+s18+$0x0] =	vst.idx.add.f32.msk $0xffff, v1;
	v14 =	vtrunc.f32 v14;
	v20 =	vsub.f32 $1.000000000e+00, v15  }
0x208: {  	[tilespmem:v4+s19+$0x0] =	vst.idx.add.f32.msk $0xffff, v12;
	v4 =	vcvt.f32.s32 v14;
	v3 =	vshll.u32 v3, $0x4;
	vm1 =	veq.s32 v19, $0x0  }
0x209: {  	[tilespmem:v13+s20+$0x0] =	vst.idx.add.f32.msk $0xffff, v1;
	v3 =	vor.u32 v2, v3;
	v14 =	vsel vm1, v20, v15;
	v19 =	vsub.f32 $1.000000000e+00, v17  }
0x20a: {  	[tilespmem:v13+s21+$0x0] =	vst.idx.add.f32.msk $0xffff, v12;
	v4 =	vshll.u32 v4, $0x4;
	v12 =	vmul.f32 $1.000000000e+01, v14  }
0x20b: {  	v13 =	vld [tilespmem:s14+$0xFFFFFF20];
	v4 =	vor.u32 v2, v4;
	v14 =	vsel vm1, v17, v19  }
0x20c: {  	v19 =	vld [tilespmem:s14+$0xFFFFFFA0];
	v12 =	vmin.f32 v12, $9.000000000e+00;
	v14 =	vmul.f32 $1.000000000e+01, v14  }
0x20d: {  	v20 =	vld [tilespmem:s31+$0xFFFFFFA0];
	v12 =	vtrunc.f32 v12  }
0x20e: {  	v16 =	vsel vm0, v16, v18;
	[tilespmem:v3+s18+$0x0] =	vst.idx.add.f32.msk $0xffff, v1;
	v12 =	vcvt.f32.s32 v12;
	v14 =	vmin.f32 v14, $9.000000000e+00  }
0x20f: {  	[tilespmem:v3+s19+$0x0] =	vst.idx.add.f32.msk $0xffff, v16;
	v3 =	vtrunc.f32 v14  }
0x210: {  	v14 =	vsub.f32 $1.000000000e+00, v13;
	[tilespmem:v4+s20+$0x0] =	vst.idx.add.f32.msk $0xffff, v1;
	v3 =	vcvt.f32.s32 v3;
	v12 =	vshll.u32 v12, $0x4  }
0x211: {  	v18 =	vsub.f32 $1.000000000e+00, v19;
	[tilespmem:v4+s21+$0x0] =	vst.idx.add.f32.msk $0xffff, v16;
	v4 =	vor.u32 v2, v12  }
0x212: {  	vm0 =	veq.s32 v20, $0x0;
	v12 =	vld [tilespmem:s14+$0x30];
	v3 =	vshll.u32 v3, $0x4  }
0x213: {  	v14 =	vsel vm0, v14, v13;
	v16 =	vsel vm0, v19, v18;
	v18 =	vld [tilespmem:s31+$0x30];
	v3 =	vor.u32 v2, v3  }
0x214: {  	v13 =	vsel vm0, v13, v19;
	v14 =	vmul.f32 $1.000000000e+01, v14;
	v16 =	vmul.f32 $1.000000000e+01, v16;
	v19 =	vld [tilespmem:s14+$0xB0]  }
0x215: {  	[tilespmem:v9+s21+$0x0] =	vst.idx.add.f32.msk $0xffff, v5  }
0x216: {  	v5 =	vmin.f32 v14, $9.000000000e+00;
	v9 =	vmin.f32 v16, $9.000000000e+00;
	v14 =	vsel vm1, v15, v17;
	[tilespmem:v4+s18+$0x0] =	vst.idx.add.f32.msk $0xffff, v1  }
0x217: {  	v5 =	vtrunc.f32 v5;
	v9 =	vtrunc.f32 v9;
	v15 =	vsub.f32 $1.000000000e+00, v12;
	[tilespmem:v4+s19+$0x0] =	vst.idx.add.f32.msk $0xffff, v14  }
0x218: {  	v4 =	vcvt.f32.s32 v5;
	v5 =	vcvt.f32.s32 v9;
	vm0 =	veq.s32 v18, $0x0;
	[tilespmem:v3+s20+$0x0] =	vst.idx.add.f32.msk $0xffff, v1  }
0x219: {  	v9 =	vsel vm0, v15, v12;
	v15 =	vsub.f32 $1.000000000e+00, v19;
	[tilespmem:v3+s21+$0x0] =	vst.idx.add.f32.msk $0xffff, v14  }
0x21a: {  	v3 =	vshll.u32 v4, $0x4;
	v4 =	vshll.u32 v5, $0x4;
	v5 =	vmul.f32 $1.000000000e+01, v9;
	v9 =	vld [tilespmem:s30+$0xFFFFFF50]  }
0x21b: {  	v14 =	vor.u32 v2, v3;
	v16 =	vor.u32 v2, v4;
	v3 =	vsel vm0, v19, v15;
	v15 =	vld [tilespmem:s30+$0xFFFFFFD0]  }
0x21c: {  	v4 =	vmin.f32 v5, $9.000000000e+00;
	v3 =	vmul.f32 $1.000000000e+01, v3;
	v5 =	vld [tilespmem:s0+$0xFFFFFFD0]  }
0x21d: {  	v4 =	vtrunc.f32 v4;
	[tilespmem:v7+s21+$0x0] =	vst.idx.add.f32.msk $0xffff, v6  }
0x21e: {  	v6 =	vcvt.f32.s32 v4;
	v4 =	vmin.f32 v3, $9.000000000e+00;
	v3 =	vld [tilespmem:s28+$0xFFFFFF70]  }
0x21f: {  	v7 =	vtrunc.f32 v4;
	v17 =	vsub.f32 $1.000000000e+00, v9;
	v4 =	vld [tilespmem:s28+$0xFFFFFFF0];
	s28 =	smov.u32 s30;
	s30 =	smov.u32 s14  }
0x220: {  	[tilespmem:v14+s18+$0x0] =	vst.idx.add.f32.msk $0xffff, v1;
	v7 =	vcvt.f32.s32 v7;
	v6 =	vshll.u32 v6, $0x4;
	v18 =	vsub.f32 $1.000000000e+00, v15  }
0x221: {  	[tilespmem:v14+s19+$0x0] =	vst.idx.add.f32.msk $0xffff, v13;
	v6 =	vor.u32 v2, v6;
	vm1 =	veq.s32 v5, $0x0  }
0x222: {  	[tilespmem:v16+s20+$0x0] =	vst.idx.add.f32.msk $0xffff, v1;
	v5 =	vshll.u32 v7, $0x4;
	v7 =	vsel vm1, v17, v9;
	v14 =	vsel vm1, v15, v18  }
0x223: {  	[tilespmem:v16+s21+$0x0] =	vst.idx.add.f32.msk $0xffff, v13;
	v13 =	vor.u32 v2, v5;
	v16 =	vmul.f32 $1.000000000e+01, v7;
	v14 =	vmul.f32 $1.000000000e+01, v14  }
0x224: {  	v15 =	vsel vm1, v9, v15;
	v7 =	vsub.f32 $1.000000000e+00, v3;
	v17 =	vld [tilespmem:s14+$0xFFFFFF30];
	v5 =	vsub.f32 $1.000000000e+00, v4  }
0x225: {  	v18 =	vld [tilespmem:s14+$0xFFFFFFB0];
	v9 =	vmin.f32 v16, $9.000000000e+00;
	v14 =	vmin.f32 v14, $9.000000000e+00  }
0x226: {  	v12 =	vsel vm0, v12, v19;
	[tilespmem:v6+s18+$0x0] =	vst.idx.add.f32.msk $0xffff, v1;
	v9 =	vtrunc.f32 v9;
	v14 =	vtrunc.f32 v14  }
0x227: {  	[tilespmem:v6+s19+$0x0] =	vst.idx.add.f32.msk $0xffff, v12;
	v6 =	vcvt.f32.s32 v9;
	v9 =	vcvt.f32.s32 v14  }
0x228: {  	[tilespmem:v13+s20+$0x0] =	vst.idx.add.f32.msk $0xffff, v1  }
0x229: {  	v16 =	vsub.f32 $1.000000000e+00, v17;
	[tilespmem:v13+s21+$0x0] =	vst.idx.add.f32.msk $0xffff, v12;
	v6 =	vshll.u32 v6, $0x4;
	v9 =	vshll.u32 v9, $0x4  }
0x22a: {  	v12 =	vsub.f32 $1.000000000e+00, v18;
	v13 =	vld [tilespmem:s14+$0x40];
	v6 =	vor.u32 v2, v6;
	v19 =	vor.u32 v2, v9  }
0x22b: {  	v20 =	vld [tilespmem:s31+$0x40]  }
0x22c: {  	v14 =	vld [tilespmem:s14+$0xC0]  }
0x22d: {  	v21 =	vld [tilespmem:s31+$0xFFFFFFB0]  }
0x22e: {  	v9 =	vld [tilespmem:s29+$0xFFFFFFF0];
	s29 =	smov.u32 s0;
	s0 =	smov.u32 s31  }
0x22f: {  	v22 =	vsub.f32 $1.000000000e+00, v13;
	[tilespmem:v6+s18+$0x0] =	vst.idx.add.f32.msk $0xffff, v1  }
0x230: {  	vm0 =	veq.s32 v20, $0x0;
	[tilespmem:v6+s19+$0x0] =	vst.idx.add.f32.msk $0xffff, v15  }
0x231: {  	v6 =	vsel vm0, v22, v13;
	v20 =	vsub.f32 $1.000000000e+00, v14;
	[tilespmem:v19+s20+$0x0] =	vst.idx.add.f32.msk $0xffff, v1  }
0x232: {  	vm1 =	veq.s32 v21, $0x0;
	v21 =	vmul.f32 $1.000000000e+01, v6;
	[tilespmem:v19+s21+$0x0] =	vst.idx.add.f32.msk $0xffff, v15  }
0x233: {  	v15 =	vsel vm1, v16, v17;
	v16 =	vsel vm1, v18, v12;
	v12 =	vsel vm0, v14, v20;
	v6 =	vld [tilespmem:s28+$0xFFFFFF60]  }
0x234: {  	v19 =	vmul.f32 $1.000000000e+01, v15;
	v20 =	vmin.f32 v21, $9.000000000e+00;
	v21 =	vmul.f32 $1.000000000e+01, v12;
	v12 =	vld [tilespmem:s28+$0xFFFFFFE0]  }
.Ltmp2:
0x235: {  	v15 =	vsel vm1, v17, v18;
	v17 =	vmul.f32 $1.000000000e+01, v16;
	v18 =	vtrunc.f32 v20;
	v16 =	vld [tilespmem:s29+$0xFFFFFFE0];
	(pc) =	sbr.rel @p1 .LBB2_3-.Ltmp2, $4  }
0x236: {  	v19 =	vmin.f32 v19, $9.000000000e+00;
	v18 =	vcvt.f32.s32 v18;
	v20 =	vmin.f32 v21, $9.000000000e+00;
	[tilespmem:v11+s18+$0x0] =	vst.idx.add.f32.msk $0xffff, v1  }
0x237: {  	v17 =	vmin.f32 v17, $9.000000000e+00;
	v19 =	vtrunc.f32 v19;
	v20 =	vtrunc.f32 v20;
	[tilespmem:v11+s19+$0x0] =	vst.idx.add.f32.msk $0xffff, v8  }
0x238: {  	v11 =	vtrunc.f32 v17;
	v17 =	vcvt.f32.s32 v20;
	v20 =	vshll.u32 v18, $0x4;
	[tilespmem:v10+s20+$0x0] =	vst.idx.add.f32.msk $0xffff, v1  }
0x239: {  	s14 =	sadd.s32 $0x200, s14;
	v19 =	vcvt.f32.s32 v19;
	v18 =	vcvt.f32.s32 v11;
	v11 =	vor.u32 v2, v20;
	[tilespmem:v10+s21+$0x0] =	vst.idx.add.f32.msk $0xffff, v8  }
0x23a: {  	_ = 	snop  }
0x23b: {  	v8 =	vshll.u32 v19, $0x4  }
0x23c: {  	v8 =	vor.u32 v2, v8  }
0x23d: {  	v10 =	vshll.u32 v18, $0x4  }
0x23e: {  	v10 =	vor.u32 v2, v10;
	_ =	sdelay $0x2  }
0x23f: {  	[tilespmem:v8+s18+$0x0] =	vst.idx.add.f32.msk $0xffff, v1  }
0x240: {  	[tilespmem:v8+s19+$0x0] =	vst.idx.add.f32.msk $0xffff, v15  }
0x241: {  	[tilespmem:v10+s20+$0x0] =	vst.idx.add.f32.msk $0xffff, v1  }
0x242: {  	[tilespmem:v10+s21+$0x0] =	vst.idx.add.f32.msk $0xffff, v15  }
0x243: {  	v8 =	vld [tilespmem:s30+$0xFFFFFF40]  }
0x244: {  	v10 =	vld [tilespmem:s0+$0xFFFFFFC0]  }
0x245: {  	v15 =	vld [tilespmem:s30+$0xFFFFFFC0];
	_ =	sdelay $0x1  }
0x246: {  	v17 =	vshll.u32 v17, $0x4  }
0x247: {  	v17 =	vor.u32 v2, v17;
	v18 =	vsub.f32 $1.000000000e+00, v8  }
0x248: {  	vm1 =	veq.s32 v10, $0x0  }
0x249: {  	v10 =	vsub.f32 $1.000000000e+00, v15;
	v18 =	vsel vm1, v18, v8  }
0x24a: {  	v13 =	vsel vm0, v13, v14;
	[tilespmem:v11+s18+$0x0] =	vst.idx.add.f32.msk $0xffff, v1;
	v14 =	vmul.f32 $1.000000000e+01, v18  }
0x24b: {  	[tilespmem:v11+s19+$0x0] =	vst.idx.add.f32.msk $0xffff, v13;
	v10 =	vsel vm1, v15, v10  }
0x24c: {  	[tilespmem:v17+s20+$0x0] =	vst.idx.add.f32.msk $0xffff, v1;
	v10 =	vmul.f32 $1.000000000e+01, v10;
	v11 =	vmin.f32 v14, $9.000000000e+00  }
0x24d: {  	[tilespmem:v17+s21+$0x0] =	vst.idx.add.f32.msk $0xffff, v13;
	v11 =	vtrunc.f32 v11  }
0x24e: {  	v13 =	vld [tilespmem:s30+$0x50];
	v10 =	vmin.f32 v10, $9.000000000e+00;
	v11 =	vcvt.f32.s32 v11  }
0x24f: {  	v14 =	vld [tilespmem:s0+$0x50];
	v10 =	vtrunc.f32 v10  }
0x250: {  	v17 =	vld [tilespmem:s30+$0xD0];
	v10 =	vcvt.f32.s32 v10;
	v11 =	vshll.u32 v11, $0x4  }
0x251: {  	v11 =	vor.u32 v2, v11  }
0x252: {  	v10 =	vshll.u32 v10, $0x4  }
0x253: {  	v18 =	vsub.f32 $1.000000000e+00, v13;
	v10 =	vor.u32 v2, v10  }
0x254: {  	vm0 =	veq.s32 v14, $0x0  }
0x255: {  	v14 =	vsel vm0, v18, v13;
	v18 =	vsub.f32 $1.000000000e+00, v17  }
0x256: {  	v8 =	vsel vm1, v8, v15;
	v14 =	vmul.f32 $1.000000000e+01, v14;
	[tilespmem:v11+s18+$0x0] =	vst.idx.add.f32.msk $0xffff, v1  }
0x257: {  	v15 =	vsel vm0, v17, v18;
	[tilespmem:v11+s19+$0x0] =	vst.idx.add.f32.msk $0xffff, v8  }
0x258: {  	v11 =	vmin.f32 v14, $9.000000000e+00;
	v14 =	vmul.f32 $1.000000000e+01, v15;
	[tilespmem:v10+s20+$0x0] =	vst.idx.add.f32.msk $0xffff, v1  }
0x259: {  	v11 =	vtrunc.f32 v11;
	[tilespmem:v10+s21+$0x0] =	vst.idx.add.f32.msk $0xffff, v8  }
0x25a: {  	v8 =	vcvt.f32.s32 v11;
	v10 =	vmin.f32 v14, $9.000000000e+00;
	v11 =	vld [tilespmem:s30+$0xFFFFFF50]  }
0x25b: {  	v10 =	vtrunc.f32 v10;
	v14 =	vld [tilespmem:s0+$0xFFFFFFD0]  }
0x25c: {  	v15 =	vld [tilespmem:s30+$0xFFFFFFD0];
	v10 =	vcvt.f32.s32 v10;
	v8 =	vshll.u32 v8, $0x4  }
0x25d: {  	v8 =	vor.u32 v2, v8  }
0x25e: {  	v10 =	vshll.u32 v10, $0x4  }
0x25f: {  	v10 =	vor.u32 v2, v10;
	v18 =	vsub.f32 $1.000000000e+00, v11  }
0x260: {  	vm2 =	veq.s32 v14, $0x0  }
0x261: {  	v14 =	vsub.f32 $1.000000000e+00, v15;
	v18 =	vsel vm2, v18, v11  }
0x262: {  	v13 =	vsel vm0, v13, v17;
	[tilespmem:v8+s18+$0x0] =	vst.idx.add.f32.msk $0xffff, v1;
	v17 =	vmul.f32 $1.000000000e+01, v18  }
0x263: {  	[tilespmem:v8+s19+$0x0] =	vst.idx.add.f32.msk $0xffff, v13;
	v8 =	vsel vm2, v15, v14  }
0x264: {  	[tilespmem:v10+s20+$0x0] =	vst.idx.add.f32.msk $0xffff, v1;
	v8 =	vmul.f32 $1.000000000e+01, v8;
	v14 =	vmin.f32 v17, $9.000000000e+00  }
0x265: {  	[tilespmem:v10+s21+$0x0] =	vst.idx.add.f32.msk $0xffff, v13;
	v10 =	vtrunc.f32 v14  }
0x266: {  	v13 =	vld [tilespmem:s30+$0x60];
	v8 =	vmin.f32 v8, $9.000000000e+00;
	v10 =	vcvt.f32.s32 v10  }
0x267: {  	v14 =	vld [tilespmem:s0+$0x60];
	v8 =	vtrunc.f32 v8  }
0x268: {  	v17 =	vld [tilespmem:s30+$0xE0];
	v8 =	vcvt.f32.s32 v8;
	v10 =	vshll.u32 v10, $0x4  }
0x269: {  	v18 =	vsub.f32 $1.000000000e+00, v6;
	v10 =	vor.u32 v2, v10  }
0x26a: {  	vm1 =	veq.s32 v16, $0x0;
	v8 =	vshll.u32 v8, $0x4  }
0x26b: {  	v16 =	vsel vm1, v18, v6;
	v18 =	vsub.f32 $1.000000000e+00, v13;
	v8 =	vor.u32 v2, v8  }
0x26c: {  	v16 =	vmul.f32 $1.000000000e+01, v16;
	vm0 =	veq.s32 v14, $0x0  }
0x26d: {  	v14 =	vsel vm0, v18, v13;
	v18 =	vsub.f32 $1.000000000e+00, v17  }
0x26e: {  	v11 =	vsel vm2, v11, v15;
	v16 =	vmin.f32 v16, $9.000000000e+00;
	v14 =	vmul.f32 $1.000000000e+01, v14;
	[tilespmem:v10+s18+$0x0] =	vst.idx.add.f32.msk $0xffff, v1  }
0x26f: {  	v15 =	vtrunc.f32 v16;
	v16 =	vsel vm0, v17, v18;
	[tilespmem:v10+s19+$0x0] =	vst.idx.add.f32.msk $0xffff, v11  }
0x270: {  	v10 =	vcvt.f32.s32 v15;
	v14 =	vmin.f32 v14, $9.000000000e+00;
	v15 =	vmul.f32 $1.000000000e+01, v16;
	[tilespmem:v8+s20+$0x0] =	vst.idx.add.f32.msk $0xffff, v1  }
0x271: {  	v16 =	vsub.f32 $1.000000000e+00, v12;
	v14 =	vtrunc.f32 v14;
	[tilespmem:v8+s21+$0x0] =	vst.idx.add.f32.msk $0xffff, v11  }
0x272: {  	v8 =	vshll.u32 v10, $0x4;
	v10 =	vcvt.f32.s32 v14;
	v11 =	vmin.f32 v15, $9.000000000e+00;
	v14 =	vld [tilespmem:s30+$0xFFFFFF60]  }
0x273: {  	v8 =	vor.u32 v2, v8;
	v11 =	vtrunc.f32 v11;
	v15 =	vld [tilespmem:s0+$0xFFFFFFE0]  }
0x274: {  	v16 =	vsel vm1, v12, v16;
	v18 =	vld [tilespmem:s30+$0xFFFFFFE0];
	v11 =	vcvt.f32.s32 v11;
	v10 =	vshll.u32 v10, $0x4  }
0x275: {  	v16 =	vmul.f32 $1.000000000e+01, v16;
	v10 =	vor.u32 v2, v10  }
0x276: {  	v11 =	vshll.u32 v11, $0x4  }
0x277: {  	v16 =	vmin.f32 v16, $9.000000000e+00;
	v11 =	vor.u32 v2, v11;
	v19 =	vsub.f32 $1.000000000e+00, v14  }
0x278: {  	v6 =	vsel vm1, v6, v12;
	v12 =	vtrunc.f32 v16;
	[tilespmem:v8+s18+$0x0] =	vst.idx.add.f32.msk $0xffff, v1;
	vm1 =	veq.s32 v15, $0x0  }
0x279: {  	v12 =	vcvt.f32.s32 v12;
	[tilespmem:v8+s19+$0x0] =	vst.idx.add.f32.msk $0xffff, v6;
	v8 =	vsub.f32 $1.000000000e+00, v18;
	v15 =	vsel vm1, v19, v14  }
0x27a: {  	v13 =	vsel vm0, v13, v17;
	[tilespmem:v10+s18+$0x0] =	vst.idx.add.f32.msk $0xffff, v1;
	v15 =	vmul.f32 $1.000000000e+01, v15  }
0x27b: {  	v12 =	vshll.u32 v12, $0x4;
	[tilespmem:v10+s19+$0x0] =	vst.idx.add.f32.msk $0xffff, v13;
	v8 =	vsel vm1, v18, v8  }
0x27c: {  	v10 =	vor.u32 v2, v12;
	[tilespmem:v11+s20+$0x0] =	vst.idx.add.f32.msk $0xffff, v1;
	v8 =	vmul.f32 $1.000000000e+01, v8;
	v12 =	vmin.f32 v15, $9.000000000e+00  }
0x27d: {  	[tilespmem:v11+s21+$0x0] =	vst.idx.add.f32.msk $0xffff, v13;
	v11 =	vtrunc.f32 v12  }
0x27e: {  	vm0 =	veq.s32 v9, $0x0;
	v9 =	vld [tilespmem:s30+$0x70];
	v8 =	vmin.f32 v8, $9.000000000e+00;
	v11 =	vcvt.f32.s32 v11  }
0x27f: {  	v12 =	vld [tilespmem:s0+$0x70];
	v8 =	vtrunc.f32 v8  }
0x280: {  	v7 =	vsel vm0, v7, v3;
	v13 =	vld [tilespmem:s30+$0xF0];
	v8 =	vcvt.f32.s32 v8;
	v11 =	vshll.u32 v11, $0x4  }
0x281: {  	v5 =	vsel vm0, v4, v5;
	[tilespmem:v10+s20+$0x0] =	vst.idx.add.f32.msk $0xffff, v1;
	v11 =	vor.u32 v2, v11  }
0x282: {  	v7 =	vmul.f32 $1.000000000e+01, v7;
	v5 =	vmul.f32 $1.000000000e+01, v5;
	[tilespmem:v10+s21+$0x0] =	vst.idx.add.f32.msk $0xffff, v6;
	v6 =	vshll.u32 v8, $0x4  }
0x283: {  	v10 =	vld [tilespmem:s28+$0xFFFFFF70];
	v8 =	vsub.f32 $1.000000000e+00, v9;
	v6 =	vor.u32 v2, v6  }
0x284: {  	v7 =	vmin.f32 v7, $9.000000000e+00;
	v5 =	vmin.f32 v5, $9.000000000e+00;
	v16 =	vld [tilespmem:s29+$0xFFFFFFF0];
	vm2 =	veq.s32 v12, $0x0  }
0x285: {  	v7 =	vtrunc.f32 v7;
	v12 =	vld [tilespmem:s28+$0xFFFFFFF0];
	v15 =	vsub.f32 $1.000000000e+00, v13;
	v8 =	vsel vm2, v8, v9  }
0x286: {  	v7 =	vcvt.f32.s32 v7;
	v14 =	vsel vm1, v14, v18;
	v8 =	vmul.f32 $1.000000000e+01, v8;
	[tilespmem:v11+s18+$0x0] =	vst.idx.add.f32.msk $0xffff, v1  }
0x287: {  	v5 =	vtrunc.f32 v5;
	v15 =	vsel vm2, v13, v15;
	[tilespmem:v11+s19+$0x0] =	vst.idx.add.f32.msk $0xffff, v14  }
0x288: {  	v7 =	vshll.u32 v7, $0x4;
	v8 =	vmin.f32 v8, $9.000000000e+00;
	v11 =	vmul.f32 $1.000000000e+01, v15;
	[tilespmem:v6+s20+$0x0] =	vst.idx.add.f32.msk $0xffff, v1  }
0x289: {  	v5 =	vcvt.f32.s32 v5;
	v7 =	vor.u32 v2, v7;
	v8 =	vtrunc.f32 v8;
	[tilespmem:v6+s21+$0x0] =	vst.idx.add.f32.msk $0xffff, v14  }
0x28a: {  	v15 =	vsub.f32 $1.000000000e+00, v12;
	v6 =	vcvt.f32.s32 v8;
	v8 =	vmin.f32 v11, $9.000000000e+00;
	v14 =	vld [tilespmem:s30+$0xFFFFFF70]  }
0x28b: {  	vm1 =	veq.s32 v16, $0x0;
	v11 =	vsub.f32 $1.000000000e+00, v10;
	v8 =	vtrunc.f32 v8;
	v16 =	vld [tilespmem:s0+$0xFFFFFFF0]  }
0x28c: {  	v15 =	vsel vm1, v12, v15;
	v17 =	vld [tilespmem:s30+$0xFFFFFFF0];
	v8 =	vcvt.f32.s32 v8;
	v6 =	vshll.u32 v6, $0x4  }
0x28d: {  	v15 =	vmul.f32 $1.000000000e+01, v15;
	v11 =	vsel vm1, v11, v10;
	v6 =	vor.u32 v2, v6  }
0x28e: {  	v9 =	vsel vm2, v9, v13;
	v11 =	vmul.f32 $1.000000000e+01, v11;
	v8 =	vshll.u32 v8, $0x4  }
0x28f: {  	v15 =	vmin.f32 v15, $9.000000000e+00;
	v8 =	vor.u32 v2, v8;
	v18 =	vsub.f32 $1.000000000e+00, v14  }
0x290: {  	v13 =	vtrunc.f32 v15;
	v11 =	vmin.f32 v11, $9.000000000e+00;
	vm3 =	veq.s32 v16, $0x0  }
0x291: {  	v11 =	vtrunc.f32 v11;
	v16 =	vsub.f32 $1.000000000e+00, v17;
	v18 =	vsel vm3, v18, v14  }
0x292: {  	v5 =	vshll.u32 v5, $0x4;
	v11 =	vcvt.f32.s32 v11;
	[tilespmem:v6+s18+$0x0] =	vst.idx.add.f32.msk $0xffff, v1;
	v15 =	vmul.f32 $1.000000000e+01, v18  }
0x293: {  	v5 =	vor.u32 v2, v5;
	[tilespmem:v6+s19+$0x0] =	vst.idx.add.f32.msk $0xffff, v9;
	v6 =	vcvt.f32.s32 v13;
	v13 =	vsel vm3, v17, v16  }
0x294: {  	v11 =	vshll.u32 v11, $0x4;
	[tilespmem:v8+s20+$0x0] =	vst.idx.add.f32.msk $0xffff, v1;
	v13 =	vmul.f32 $1.000000000e+01, v13;
	v15 =	vmin.f32 v15, $9.000000000e+00  }
0x295: {  	v3 =	vsel vm0, v3, v4;
	v4 =	vor.u32 v2, v11;
	[tilespmem:v8+s21+$0x0] =	vst.idx.add.f32.msk $0xffff, v9;
	v8 =	vtrunc.f32 v15  }
0x296: {  	[tilespmem:v7+s18+$0x0] =	vst.idx.add.f32.msk $0xffff, v1;
	v6 =	vshll.u32 v6, $0x4;
	v9 =	vmin.f32 v13, $9.000000000e+00;
	v8 =	vcvt.f32.s32 v8  }
0x297: {  	[tilespmem:v7+s19+$0x0] =	vst.idx.add.f32.msk $0xffff, v3;
	v6 =	vor.u32 v2, v6;
	v7 =	vtrunc.f32 v9  }
0x298: {  	[tilespmem:v5+s20+$0x0] =	vst.idx.add.f32.msk $0xffff, v1;
	v7 =	vcvt.f32.s32 v7;
	v8 =	vshll.u32 v8, $0x4  }
0x299: {  	[tilespmem:v5+s21+$0x0] =	vst.idx.add.f32.msk $0xffff, v3;
	v3 =	vor.u32 v2, v8  }
0x29a: {  	v5 =	vsel vm1, v10, v12;
	[tilespmem:v4+s18+$0x0] =	vst.idx.add.f32.msk $0xffff, v1;
	v7 =	vshll.u32 v7, $0x4  }
0x29b: {  	[tilespmem:v4+s19+$0x0] =	vst.idx.add.f32.msk $0xffff, v5;
	v4 =	vor.u32 v2, v7  }
0x29c: {  	[tilespmem:v6+s20+$0x0] =	vst.idx.add.f32.msk $0xffff, v1  }
0x29d: {  	[tilespmem:v6+s21+$0x0] =	vst.idx.add.f32.msk $0xffff, v5  }
0x29e: {  	v5 =	vsel vm3, v14, v17;
	[tilespmem:v3+s18+$0x0] =	vst.idx.add.f32.msk $0xffff, v1  }
0x29f: {  	[tilespmem:v3+s19+$0x0] =	vst.idx.add.f32.msk $0xffff, v5  }
0x2a0: {  	[tilespmem:v4+s20+$0x0] =	vst.idx.add.f32.msk $0xffff, v1  }
0x2a1: {  	s0 =	simm.s32 @p0 $0x0;
	[tilespmem:v4+s21+$0x0] =	vst.idx.add.f32.msk $0xffff, v5  }
0x2a2: {  	[tilespmem:s0], [sflag:$0x1] =	stream.linear.gather @p0 [hbm4b:s7+s0], $0x8000, $0x38;
	[tilespmem:$0x18400] =	vst v63  }
0x2a3: {  	s1 =	simm.s32 @p0 $0x8000  }
0x2a4: {  	[tilespmem:s1], [sflag:$0x1] =	stream.linear.gather @p0 [hbm4b:s8+s0], $0x4000, $0x38;
	[tilespmem:$0x18400] =	vst v63  }
0x2a5: {  	_ =	swait.ge [sflag:s22], $0x8000  }
0x2a6: {  	[sflag:s22] =	ssyncset.done $0x0  }
0x2a7: {  	[sflag:s22] =	ssyncadd.s32 $0xFFFF8000  }
0x2a8: {  	_ =	swait.ge [sflag:s22], $0x4000  }
0x2a9: {  	[sflag:s22] =	ssyncset.done $0x0  }
0x2aa: {  	s0 =	simm.s32 $0xC100;
	[sflag:s22] =	ssyncadd.s32 $0xFFFFC000  }
0x2ab: {  	s14 =	simm.s32 $0x14080;
	v3 =	vld [tilespmem:s0+$0x0]  }
0x2ac: {  	v4 =	vld [tilespmem:s14+$0x0]  }
0x2ad: {  	v5 =	vld [tilespmem:s0+$0x80];
	_ =	sdelay $0x2  }
0x2ae: {  	v6 =	vsub.f32 $1.000000000e+00, v3  }
0x2af: {  	vm0 =	veq.s32 v4, $0x0  }
0x2b0: {  	v4 =	vsel vm0, v6, v3;
	v6 =	vsub.f32 $1.000000000e+00, v5  }
0x2b1: {  	v4 =	vmul.f32 $1.000000000e+01, v4  }
0x2b2: {  	v6 =	vsel vm0, v5, v6  }
0x2b3: {  	v4 =	vmin.f32 v4, $9.000000000e+00;
	v6 =	vmul.f32 $1.000000000e+01, v6  }
0x2b4: {  	v4 =	vtrunc.f32 v4  }
0x2b5: {  	v4 =	vcvt.f32.s32 v4;
	v6 =	vmin.f32 v6, $9.000000000e+00  }
0x2b6: {  	v6 =	vtrunc.f32 v6  }
0x2b7: {  	v6 =	vcvt.f32.s32 v6;
	v4 =	vshll.u32 v4, $0x4  }
0x2b8: {  	v4 =	vor.u32 v2, v4  }
0x2b9: {  	v6 =	vshll.u32 v6, $0x4  }
0x2ba: {  	v6 =	vor.u32 v2, v6;
	_ =	sdelay $0x2  }
0x2bb: {  	v3 =	vsel vm0, v3, v5;
	[tilespmem:v4+s18+$0x0] =	vst.idx.add.f32.msk $0xffff, v1  }
0x2bc: {  	[tilespmem:v4+s19+$0x0] =	vst.idx.add.f32.msk $0xffff, v3  }
0x2bd: {  	[tilespmem:v6+s20+$0x0] =	vst.idx.add.f32.msk $0xffff, v1  }
0x2be: {  	[tilespmem:v6+s21+$0x0] =	vst.idx.add.f32.msk $0xffff, v3  }
0x2bf: {  	v3 =	vld [tilespmem:s0+$0x10]  }
0x2c0: {  	v4 =	vld [tilespmem:s14+$0x10]  }
0x2c1: {  	v5 =	vld [tilespmem:s0+$0x90];
	_ =	sdelay $0x2  }
0x2c2: {  	v6 =	vsub.f32 $1.000000000e+00, v3  }
0x2c3: {  	vm0 =	veq.s32 v4, $0x0  }
0x2c4: {  	v4 =	vsel vm0, v6, v3;
	v6 =	vsub.f32 $1.000000000e+00, v5  }
0x2c5: {  	v4 =	vmul.f32 $1.000000000e+01, v4  }
0x2c6: {  	v6 =	vsel vm0, v5, v6  }
0x2c7: {  	v4 =	vmin.f32 v4, $9.000000000e+00;
	v6 =	vmul.f32 $1.000000000e+01, v6  }
0x2c8: {  	v4 =	vtrunc.f32 v4  }
0x2c9: {  	v4 =	vcvt.f32.s32 v4;
	v6 =	vmin.f32 v6, $9.000000000e+00  }
0x2ca: {  	v6 =	vtrunc.f32 v6  }
0x2cb: {  	v6 =	vcvt.f32.s32 v6;
	v4 =	vshll.u32 v4, $0x4  }
0x2cc: {  	v4 =	vor.u32 v2, v4  }
0x2cd: {  	v6 =	vshll.u32 v6, $0x4  }
0x2ce: {  	v7 =	vld [tilespmem:s0+$0xFFFFFF80];
	v6 =	vor.u32 v2, v6  }
0x2cf: {  	v8 =	vld [tilespmem:s0+$0xFFFFFF00]  }
0x2d0: {  	v9 =	vld [tilespmem:s14+$0xFFFFFF80]  }
0x2d1: {  	v3 =	vsel vm0, v3, v5;
	[tilespmem:v4+s18+$0x0] =	vst.idx.add.f32.msk $0xffff, v1  }
0x2d2: {  	[tilespmem:v4+s19+$0x0] =	vst.idx.add.f32.msk $0xffff, v3  }
0x2d3: {  	[tilespmem:v6+s20+$0x0] =	vst.idx.add.f32.msk $0xffff, v1  }
0x2d4: {  	v4 =	vsub.f32 $1.000000000e+00, v8;
	[tilespmem:v6+s21+$0x0] =	vst.idx.add.f32.msk $0xffff, v3  }
0x2d5: {  	vm0 =	veq.s32 v9, $0x0;
	v3 =	vld [tilespmem:s0+$0x20]  }
0x2d6: {  	v5 =	vsub.f32 $1.000000000e+00, v7;
	v4 =	vsel vm0, v4, v8;
	v6 =	vld [tilespmem:s14+$0x20]  }
0x2d7: {  	v4 =	vmul.f32 $1.000000000e+01, v4;
	v9 =	vld [tilespmem:s0+$0xA0]  }
0x2d8: {  	v5 =	vsel vm0, v7, v5  }
0x2d9: {  	v5 =	vmul.f32 $1.000000000e+01, v5;
	v4 =	vmin.f32 v4, $9.000000000e+00  }
0x2da: {  	v4 =	vtrunc.f32 v4;
	v10 =	vsub.f32 $1.000000000e+00, v3  }
0x2db: {  	v5 =	vmin.f32 v5, $9.000000000e+00;
	v4 =	vcvt.f32.s32 v4;
	vm1 =	veq.s32 v6, $0x0  }
0x2dc: {  	v5 =	vtrunc.f32 v5;
	v6 =	vsel vm1, v10, v3;
	v10 =	vsub.f32 $1.000000000e+00, v9  }
0x2dd: {  	v5 =	vcvt.f32.s32 v5;
	v4 =	vshll.u32 v4, $0x4;
	v6 =	vmul.f32 $1.000000000e+01, v6  }
0x2de: {  	v4 =	vor.u32 v2, v4;
	v10 =	vsel vm1, v9, v10  }
0x2df: {  	v5 =	vshll.u32 v5, $0x4;
	v6 =	vmin.f32 v6, $9.000000000e+00;
	v10 =	vmul.f32 $1.000000000e+01, v10  }
0x2e0: {  	v5 =	vor.u32 v2, v5;
	v6 =	vtrunc.f32 v6  }
0x2e1: {  	v6 =	vcvt.f32.s32 v6;
	v10 =	vmin.f32 v10, $9.000000000e+00  }
0x2e2: {  	v10 =	vtrunc.f32 v10  }
0x2e3: {  	v7 =	vsel vm0, v8, v7;
	[tilespmem:v4+s18+$0x0] =	vst.idx.add.f32.msk $0xffff, v1;
	v8 =	vcvt.f32.s32 v10;
	v6 =	vshll.u32 v6, $0x4  }
0x2e4: {  	[tilespmem:v4+s19+$0x0] =	vst.idx.add.f32.msk $0xffff, v7;
	v4 =	vor.u32 v2, v6  }
0x2e5: {  	[tilespmem:v5+s20+$0x0] =	vst.idx.add.f32.msk $0xffff, v1;
	v6 =	vshll.u32 v8, $0x4  }
0x2e6: {  	[tilespmem:v5+s21+$0x0] =	vst.idx.add.f32.msk $0xffff, v7;
	v5 =	vor.u32 v2, v6  }
0x2e7: {  	v7 =	vld [tilespmem:s14+$0xFFFFFF90]  }
0x2e8: {  	v6 =	vld [tilespmem:s0+$0xFFFFFF10]  }
0x2e9: {  	v3 =	vsel vm1, v3, v9;
	[tilespmem:v4+s18+$0x0] =	vst.idx.add.f32.msk $0xffff, v1  }
0x2ea: {  	[tilespmem:v4+s19+$0x0] =	vst.idx.add.f32.msk $0xffff, v3  }
0x2eb: {  	[tilespmem:v5+s20+$0x0] =	vst.idx.add.f32.msk $0xffff, v1  }
0x2ec: {  	[tilespmem:v5+s21+$0x0] =	vst.idx.add.f32.msk $0xffff, v3  }
0x2ed: {  	v3 =	vld [tilespmem:s0+$0x30]  }
0x2ee: {  	v4 =	vld [tilespmem:s14+$0x30]  }
0x2ef: {  	v5 =	vld [tilespmem:s0+$0xB0];
	_ =	sdelay $0x1  }
0x2f0: {  	v8 =	vsub.f32 $1.000000000e+00, v6  }
0x2f1: {  	vm0 =	veq.s32 v7, $0x0;
	v7 =	vsub.f32 $1.000000000e+00, v3  }
0x2f2: {  	v8 =	vsel vm0, v8, v6;
	vm1 =	veq.s32 v4, $0x0  }
0x2f3: {  	v4 =	vmul.f32 $1.000000000e+01, v8;
	v8 =	vsub.f32 $1.000000000e+00, v5;
	v7 =	vsel vm1, v7, v3  }
0x2f4: {  	v7 =	vmul.f32 $1.000000000e+01, v7  }
0x2f5: {  	v9 =	vld [tilespmem:s0+$0xFFFFFF90];
	v8 =	vsel vm1, v5, v8  }
0x2f6: {  	v8 =	vmul.f32 $1.000000000e+01, v8;
	v7 =	vmin.f32 v7, $9.000000000e+00  }
0x2f7: {  	v7 =	vtrunc.f32 v7  }
0x2f8: {  	v8 =	vmin.f32 v8, $9.000000000e+00;
	v7 =	vcvt.f32.s32 v7  }
0x2f9: {  	v8 =	vtrunc.f32 v8  }
0x2fa: {  	v10 =	vsub.f32 $1.000000000e+00, v9;
	v8 =	vcvt.f32.s32 v8;
	v7 =	vshll.u32 v7, $0x4  }
0x2fb: {  	v7 =	vor.u32 v2, v7  }
0x2fc: {  	v10 =	vsel vm0, v9, v10;
	v8 =	vshll.u32 v8, $0x4  }
0x2fd: {  	v10 =	vmul.f32 $1.000000000e+01, v10;
	v4 =	vmin.f32 v4, $9.000000000e+00;
	v8 =	vor.u32 v2, v8  }
0x2fe: {  	v4 =	vtrunc.f32 v4  }
0x2ff: {  	v10 =	vmin.f32 v10, $9.000000000e+00;
	v4 =	vcvt.f32.s32 v4  }
0x300: {  	v10 =	vtrunc.f32 v10;
	v3 =	vsel vm1, v3, v5;
	[tilespmem:v7+s18+$0x0] =	vst.idx.add.f32.msk $0xffff, v1  }
0x301: {  	v10 =	vcvt.f32.s32 v10;
	v4 =	vshll.u32 v4, $0x4;
	[tilespmem:v7+s19+$0x0] =	vst.idx.add.f32.msk $0xffff, v3  }
0x302: {  	v4 =	vor.u32 v2, v4;
	[tilespmem:v8+s20+$0x0] =	vst.idx.add.f32.msk $0xffff, v1  }
0x303: {  	v5 =	vshll.u32 v10, $0x4;
	[tilespmem:v8+s21+$0x0] =	vst.idx.add.f32.msk $0xffff, v3  }
0x304: {  	v5 =	vor.u32 v2, v5;
	v3 =	vld [tilespmem:s0+$0x40]  }
0x305: {  	v7 =	vld [tilespmem:s14+$0x40]  }
0x306: {  	v8 =	vld [tilespmem:s0+$0xC0]  }
0x307: {  	v6 =	vsel vm0, v6, v9;
	[tilespmem:v4+s18+$0x0] =	vst.idx.add.f32.msk $0xffff, v1  }
0x308: {  	[tilespmem:v4+s19+$0x0] =	vst.idx.add.f32.msk $0xffff, v6  }
0x309: {  	[tilespmem:v5+s20+$0x0] =	vst.idx.add.f32.msk $0xffff, v1;
	v4 =	vsub.f32 $1.000000000e+00, v3  }
0x30a: {  	[tilespmem:v5+s21+$0x0] =	vst.idx.add.f32.msk $0xffff, v6;
	vm1 =	veq.s32 v7, $0x0  }
0x30b: {  	v5 =	vld [tilespmem:s0+$0xFFFFFF20];
	v7 =	vsub.f32 $1.000000000e+00, v8;
	v4 =	vsel vm1, v4, v3  }
0x30c: {  	v9 =	vld [tilespmem:s14+$0xFFFFFFA0];
	v4 =	vmul.f32 $1.000000000e+01, v4  }
0x30d: {  	v7 =	vsel vm1, v8, v7  }
0x30e: {  	v6 =	vld [tilespmem:s0+$0xFFFFFFA0];
	v7 =	vmul.f32 $1.000000000e+01, v7;
	v4 =	vmin.f32 v4, $9.000000000e+00  }
0x30f: {  	s29 =	simm.s32 $0x14180;
	v4 =	vtrunc.f32 v4  }
0x310: {  	s28 =	simm.s32 $0xC300;
	v12 =	vld [tilespmem:s29+$0x0];
	v10 =	vsub.f32 $1.000000000e+00, v5;
	v7 =	vmin.f32 v7, $9.000000000e+00;
	v4 =	vcvt.f32.s32 v4  }
0x311: {  	vm0 =	veq.s32 v9, $0x0;
	v9 =	vld [tilespmem:s28+$0x0];
	v7 =	vtrunc.f32 v7  }
0x312: {  	v13 =	vld [tilespmem:s28+$0x80];
	v10 =	vsel vm0, v10, v5;
	v7 =	vcvt.f32.s32 v7;
	v4 =	vshll.u32 v4, $0x4  }
0x313: {  	v11 =	vsub.f32 $1.000000000e+00, v6;
	v10 =	vmul.f32 $1.000000000e+01, v10;
	v4 =	vor.u32 v2, v4  }
0x314: {  	v7 =	vshll.u32 v7, $0x4  }
0x315: {  	v11 =	vsel vm0, v6, v11;
	v10 =	vmin.f32 v10, $9.000000000e+00;
	v7 =	vor.u32 v2, v7  }
0x316: {  	v11 =	vmul.f32 $1.000000000e+01, v11;
	v14 =	vsub.f32 $1.000000000e+00, v9;
	v10 =	vtrunc.f32 v10  }
0x317: {  	vm2 =	veq.s32 v12, $0x0;
	v12 =	vsub.f32 $1.000000000e+00, v13;
	v10 =	vcvt.f32.s32 v10  }
0x318: {  	v11 =	vmin.f32 v11, $9.000000000e+00;
	v3 =	vsel vm1, v3, v8;
	v8 =	vsel vm2, v14, v9;
	[tilespmem:v4+s18+$0x0] =	vst.idx.add.f32.msk $0xffff, v1  }
0x319: {  	v11 =	vtrunc.f32 v11;
	v10 =	vshll.u32 v10, $0x4;
	[tilespmem:v4+s19+$0x0] =	vst.idx.add.f32.msk $0xffff, v3;
	v4 =	vmul.f32 $1.000000000e+01, v8  }
0x31a: {  	v11 =	vcvt.f32.s32 v11;
	v8 =	vor.u32 v2, v10;
	v10 =	vsel vm2, v13, v12;
	[tilespmem:v7+s20+$0x0] =	vst.idx.add.f32.msk $0xffff, v1  }
0x31b: {  	[tilespmem:v7+s21+$0x0] =	vst.idx.add.f32.msk $0xffff, v3;
	v3 =	vmin.f32 v4, $9.000000000e+00;
	v4 =	vmul.f32 $1.000000000e+01, v10  }
0x31c: {  	v11 =	vshll.u32 v11, $0x4;
	v10 =	vld [tilespmem:s0+$0x50];
	v3 =	vtrunc.f32 v3  }
0x31d: {  	v7 =	vor.u32 v2, v11;
	v11 =	vld [tilespmem:s14+$0x50];
	v3 =	vcvt.f32.s32 v3;
	v4 =	vmin.f32 v4, $9.000000000e+00  }
0x31e: {  	v12 =	vld [tilespmem:s0+$0xD0];
	v4 =	vtrunc.f32 v4  }
0x31f: {  	v15 =	vld [tilespmem:s29+$0xFFFFFF80];
	v4 =	vcvt.f32.s32 v4;
	v3 =	vshll.u32 v3, $0x4  }
0x320: {  	v5 =	vsel vm0, v5, v6;
	[tilespmem:v8+s18+$0x0] =	vst.idx.add.f32.msk $0xffff, v1;
	v3 =	vor.u32 v2, v3  }
0x321: {  	[tilespmem:v8+s19+$0x0] =	vst.idx.add.f32.msk $0xffff, v5;
	v6 =	vsub.f32 $1.000000000e+00, v10;
	v4 =	vshll.u32 v4, $0x4  }
0x322: {  	v8 =	vld [tilespmem:s28+$0xFFFFFF80];
	vm1 =	veq.s32 v11, $0x0;
	v4 =	vor.u32 v2, v4  }
0x323: {  	v11 =	vld [tilespmem:s28+$0xFFFFFF00];
	v14 =	vsub.f32 $1.000000000e+00, v12;
	v6 =	vsel vm1, v6, v10  }
0x324: {  	[tilespmem:v7+s20+$0x0] =	vst.idx.add.f32.msk $0xffff, v1;
	v6 =	vmul.f32 $1.000000000e+01, v6  }
0x325: {  	v9 =	vsel vm2, v9, v13;
	v14 =	vsel vm1, v12, v14;
	[tilespmem:v3+s18+$0x0] =	vst.idx.add.f32.msk $0xffff, v1  }
0x326: {  	v13 =	vmul.f32 $1.000000000e+01, v14;
	v6 =	vmin.f32 v6, $9.000000000e+00;
	[tilespmem:v3+s19+$0x0] =	vst.idx.add.f32.msk $0xffff, v9  }
0x327: {  	v3 =	vtrunc.f32 v6;
	[tilespmem:v4+s20+$0x0] =	vst.idx.add.f32.msk $0xffff, v1  }
0x328: {  	v13 =	vmin.f32 v13, $9.000000000e+00;
	v6 =	vsub.f32 $1.000000000e+00, v11;
	v3 =	vcvt.f32.s32 v3;
	[tilespmem:v4+s21+$0x0] =	vst.idx.add.f32.msk $0xffff, v9  }
0x329: {  	vm0 =	veq.s32 v15, $0x0;
	v4 =	vsub.f32 $1.000000000e+00, v8;
	v9 =	vtrunc.f32 v13;
	v13 =	vld [tilespmem:s28+$0x10]  }
0x32a: {  	v6 =	vsel vm0, v6, v11;
	v9 =	vcvt.f32.s32 v9;
	v14 =	vld [tilespmem:s29+$0x10];
	v3 =	vshll.u32 v3, $0x4  }
0x32b: {  	v15 =	vld [tilespmem:s28+$0x90];
	v6 =	vmul.f32 $1.000000000e+01, v6;
	v3 =	vor.u32 v2, v3  }
0x32c: {  	[tilespmem:v7+s21+$0x0] =	vst.idx.add.f32.msk $0xffff, v5;
	v4 =	vsel vm0, v8, v4;
	v5 =	vshll.u32 v9, $0x4  }
0x32d: {  	v7 =	vld [tilespmem:s0+$0xFFFFFF30];
	v4 =	vmul.f32 $1.000000000e+01, v4;
	v6 =	vmin.f32 v6, $9.000000000e+00;
	v5 =	vor.u32 v2, v5  }
0x32e: {  	v17 =	vld [tilespmem:s14+$0xFFFFFFB0];
	v10 =	vsel vm1, v10, v12;
	v6 =	vtrunc.f32 v6;
	v16 =	vsub.f32 $1.000000000e+00, v13  }
0x32f: {  	v9 =	vld [tilespmem:s0+$0xFFFFFFB0];
	v4 =	vmin.f32 v4, $9.000000000e+00;
	v6 =	vcvt.f32.s32 v6;
	vm2 =	veq.s32 v14, $0x0  }
0x330: {  	v4 =	vtrunc.f32 v4;
	v14 =	vsub.f32 $1.000000000e+00, v15;
	[tilespmem:v3+s18+$0x0] =	vst.idx.add.f32.msk $0xffff, v1;
	v12 =	vsel vm2, v16, v13  }
0x331: {  	v4 =	vcvt.f32.s32 v4;
	v6 =	vshll.u32 v6, $0x4;
	[tilespmem:v3+s19+$0x0] =	vst.idx.add.f32.msk $0xffff, v10;
	v3 =	vmul.f32 $1.000000000e+01, v12  }
0x332: {  	v6 =	vor.u32 v2, v6;
	v12 =	vsel vm2, v15, v14;
	[tilespmem:v5+s20+$0x0] =	vst.idx.add.f32.msk $0xffff, v1  }
0x333: {  	v4 =	vshll.u32 v4, $0x4;
	[tilespmem:v5+s21+$0x0] =	vst.idx.add.f32.msk $0xffff, v10;
	v3 =	vmin.f32 v3, $9.000000000e+00;
	v5 =	vmul.f32 $1.000000000e+01, v12  }
0x334: {  	v4 =	vor.u32 v2, v4;
	v10 =	vld [tilespmem:s0+$0x60];
	v3 =	vtrunc.f32 v3  }
0x335: {  	v12 =	vld [tilespmem:s14+$0x60];
	v3 =	vcvt.f32.s32 v3;
	v5 =	vmin.f32 v5, $9.000000000e+00  }
0x336: {  	v8 =	vsel vm0, v11, v8;
	v16 =	vld [tilespmem:s0+$0xE0];
	v5 =	vtrunc.f32 v5  }
0x337: {  	v14 =	vsub.f32 $1.000000000e+00, v7;
	[tilespmem:v6+s18+$0x0] =	vst.idx.add.f32.msk $0xffff, v1;
	v5 =	vcvt.f32.s32 v5;
	v3 =	vshll.u32 v3, $0x4  }
0x338: {  	vm0 =	veq.s32 v17, $0x0;
	[tilespmem:v6+s19+$0x0] =	vst.idx.add.f32.msk $0xffff, v8;
	v3 =	vor.u32 v2, v3  }
0x339: {  	v11 =	vsel vm0, v14, v7;
	v6 =	vsub.f32 $1.000000000e+00, v9;
	[tilespmem:v4+s20+$0x0] =	vst.idx.add.f32.msk $0xffff, v1;
	v5 =	vshll.u32 v5, $0x4  }
0x33a: {  	v11 =	vmul.f32 $1.000000000e+01, v11;
	[tilespmem:v4+s21+$0x0] =	vst.idx.add.f32.msk $0xffff, v8;
	v4 =	vor.u32 v2, v5  }
0x33b: {  	v5 =	vsel vm0, v9, v6;
	v6 =	vld [tilespmem:s28+$0xFFFFFF10]  }
0x33c: {  	v8 =	vmin.f32 v11, $9.000000000e+00;
	v11 =	vld [tilespmem:s29+$0xFFFFFF90];
	v5 =	vmul.f32 $1.000000000e+01, v5  }
0x33d: {  	v13 =	vsel vm2, v13, v15;
	v8 =	vtrunc.f32 v8;
	[tilespmem:v3+s18+$0x0] =	vst.idx.add.f32.msk $0xffff, v1  }
0x33e: {  	v14 =	vsub.f32 $1.000000000e+00, v10;
	v8 =	vcvt.f32.s32 v8;
	v5 =	vmin.f32 v5, $9.000000000e+00;
	[tilespmem:v3+s19+$0x0] =	vst.idx.add.f32.msk $0xffff, v13  }
0x33f: {  	vm1 =	veq.s32 v12, $0x0;
	v3 =	vtrunc.f32 v5;
	v5 =	vsub.f32 $1.000000000e+00, v16;
	[tilespmem:v4+s20+$0x0] =	vst.idx.add.f32.msk $0xffff, v1  }
0x340: {  	v12 =	vsel vm1, v14, v10;
	v8 =	vshll.u32 v8, $0x4;
	v3 =	vcvt.f32.s32 v3;
	[tilespmem:v4+s21+$0x0] =	vst.idx.add.f32.msk $0xffff, v13  }
0x341: {  	v4 =	vor.u32 v2, v8;
	v8 =	vmul.f32 $1.000000000e+01, v12;
	v5 =	vsel vm1, v16, v5;
	v12 =	vld [tilespmem:s28+$0x20]  }
0x342: {  	v5 =	vmul.f32 $1.000000000e+01, v5;
	v13 =	vld [tilespmem:s29+$0x20]  }
0x343: {  	v7 =	vsel vm0, v7, v9;
	v3 =	vshll.u32 v3, $0x4;
	v9 =	vld [tilespmem:s28+$0xA0];
	v8 =	vmin.f32 v8, $9.000000000e+00  }
0x344: {  	v3 =	vor.u32 v2, v3;
	v8 =	vtrunc.f32 v8;
	v5 =	vmin.f32 v5, $9.000000000e+00  }
0x345: {  	v14 =	vsub.f32 $1.000000000e+00, v6;
	v8 =	vcvt.f32.s32 v8;
	v5 =	vtrunc.f32 v5  }
0x346: {  	vm0 =	veq.s32 v11, $0x0;
	[tilespmem:v4+s18+$0x0] =	vst.idx.add.f32.msk $0xffff, v1;
	v5 =	vcvt.f32.s32 v5;
	v11 =	vsub.f32 $1.000000000e+00, v12  }
0x347: {  	[tilespmem:v4+s19+$0x0] =	vst.idx.add.f32.msk $0xffff, v7;
	v4 =	vshll.u32 v8, $0x4;
	v8 =	vsel vm0, v14, v6;
	vm2 =	veq.s32 v13, $0x0  }
0x348: {  	v13 =	vld [tilespmem:s28+$0xFFFFFF90];
	v14 =	vsub.f32 $1.000000000e+00, v9;
	v8 =	vmul.f32 $1.000000000e+01, v8;
	v11 =	vsel vm2, v11, v12  }
0x349: {  	[tilespmem:v3+s20+$0x0] =	vst.idx.add.f32.msk $0xffff, v1;
	v4 =	vor.u32 v2, v4;
	v5 =	vshll.u32 v5, $0x4;
	v11 =	vmul.f32 $1.000000000e+01, v11  }
0x34a: {  	[tilespmem:v3+s21+$0x0] =	vst.idx.add.f32.msk $0xffff, v7;
	v3 =	vor.u32 v2, v5;
	v7 =	vsel vm2, v9, v14;
	v5 =	vmin.f32 v8, $9.000000000e+00  }
0x34b: {  	v8 =	vld [tilespmem:s0+$0xFFFFFF40];
	v7 =	vmul.f32 $1.000000000e+01, v7;
	v5 =	vtrunc.f32 v5;
	v11 =	vmin.f32 v11, $9.000000000e+00  }
0x34c: {  	v14 =	vld [tilespmem:s0+$0xFFFFFFC0];
	v5 =	vcvt.f32.s32 v5;
	v11 =	vtrunc.f32 v11  }
0x34d: {  	v10 =	vsel vm1, v10, v16;
	v15 =	vld [tilespmem:s14+$0xFFFFFFC0];
	v7 =	vmin.f32 v7, $9.000000000e+00;
	v11 =	vcvt.f32.s32 v11  }
0x34e: {  	v17 =	vsub.f32 $1.000000000e+00, v13;
	[tilespmem:v4+s18+$0x0] =	vst.idx.add.f32.msk $0xffff, v1;
	v7 =	vtrunc.f32 v7;
	v5 =	vshll.u32 v5, $0x4  }
0x34f: {  	[tilespmem:v4+s19+$0x0] =	vst.idx.add.f32.msk $0xffff, v10;
	v4 =	vor.u32 v2, v5;
	v5 =	vcvt.f32.s32 v7;
	v7 =	vshll.u32 v11, $0x4  }
0x350: {  	[tilespmem:v3+s20+$0x0] =	vst.idx.add.f32.msk $0xffff, v1;
	v11 =	vsel vm0, v13, v17;
	v7 =	vor.u32 v2, v7  }
0x351: {  	[tilespmem:v3+s21+$0x0] =	vst.idx.add.f32.msk $0xffff, v10;
	v11 =	vmul.f32 $1.000000000e+01, v11;
	v3 =	vshll.u32 v5, $0x4  }
0x352: {  	v5 =	vld [tilespmem:s0+$0x70];
	v3 =	vor.u32 v2, v3  }
0x353: {  	v10 =	vmin.f32 v11, $9.000000000e+00;
	v11 =	vld [tilespmem:s14+$0x70]  }
0x354: {  	v10 =	vtrunc.f32 v10;
	[tilespmem:v4+s18+$0x0] =	vst.idx.add.f32.msk $0xffff, v1  }
0x355: {  	v9 =	vsel vm2, v12, v9;
	v16 =	vsub.f32 $1.000000000e+00, v8;
	v10 =	vcvt.f32.s32 v10;
	[tilespmem:v7+s18+$0x0] =	vst.idx.add.f32.msk $0xffff, v1  }
0x356: {  	v12 =	vsub.f32 $1.000000000e+00, v14;
	vm2 =	veq.s32 v15, $0x0;
	[tilespmem:v7+s19+$0x0] =	vst.idx.add.f32.msk $0xffff, v9  }
0x357: {  	v7 =	vsel vm2, v16, v8;
	v10 =	vshll.u32 v10, $0x4;
	[tilespmem:v3+s20+$0x0] =	vst.idx.add.f32.msk $0xffff, v1  }
0x358: {  	v12 =	vsel vm2, v14, v12;
	v7 =	vmul.f32 $1.000000000e+01, v7;
	v10 =	vor.u32 v2, v10;
	[tilespmem:v3+s21+$0x0] =	vst.idx.add.f32.msk $0xffff, v9  }
0x359: {  	v3 =	vmul.f32 $1.000000000e+01, v12;
	v9 =	vld [tilespmem:s28+$0x30]  }
0x35a: {  	v7 =	vmin.f32 v7, $9.000000000e+00;
	v12 =	vld [tilespmem:s29+$0x30]  }
0x35b: {  	v6 =	vsel vm0, v6, v13;
	v13 =	vld [tilespmem:s28+$0xB0];
	v3 =	vmin.f32 v3, $9.000000000e+00;
	v7 =	vtrunc.f32 v7  }
0x35c: {  	[tilespmem:v4+s19+$0x0] =	vst.idx.add.f32.msk $0xffff, v6;
	v15 =	vsub.f32 $1.000000000e+00, v5;
	v3 =	vtrunc.f32 v3;
	v7 =	vcvt.f32.s32 v7  }
0x35d: {  	vm0 =	veq.s32 v11, $0x0;
	v3 =	vcvt.f32.s32 v3;
	[tilespmem:v10+s20+$0x0] =	vst.idx.add.f32.msk $0xffff, v1  }
0x35e: {  	v4 =	vshll.u32 v7, $0x4;
	v7 =	vsel vm0, v15, v5;
	[tilespmem:v10+s21+$0x0] =	vst.idx.add.f32.msk $0xffff, v6;
	v6 =	vsub.f32 $1.000000000e+00, v9  }
0x35f: {  	v4 =	vor.u32 v2, v4;
	v7 =	vmul.f32 $1.000000000e+01, v7;
	v10 =	vld [tilespmem:s28+$0xFFFFFF20];
	vm1 =	veq.s32 v12, $0x0  }
0x360: {  	v3 =	vshll.u32 v3, $0x4;
	v11 =	vsub.f32 $1.000000000e+00, v13;
	v12 =	vld [tilespmem:s28+$0xFFFFFFA0];
	v6 =	vsel vm1, v6, v9  }
0x361: {  	v15 =	vld [tilespmem:s29+$0xFFFFFFA0];
	v3 =	vor.u32 v2, v3;
	v7 =	vmin.f32 v7, $9.000000000e+00;
	v6 =	vmul.f32 $1.000000000e+01, v6  }
0x362: {  	v11 =	vsel vm1, v13, v11;
	v7 =	vtrunc.f32 v7  }
0x363: {  	v11 =	vmul.f32 $1.000000000e+01, v11;
	v7 =	vcvt.f32.s32 v7;
	v6 =	vmin.f32 v6, $9.000000000e+00  }
0x364: {  	v8 =	vsel vm2, v8, v14;
	[tilespmem:v4+s18+$0x0] =	vst.idx.add.f32.msk $0xffff, v1;
	v14 =	vsub.f32 $1.000000000e+00, v10;
	v6 =	vtrunc.f32 v6  }
0x365: {  	[tilespmem:v4+s19+$0x0] =	vst.idx.add.f32.msk $0xffff, v8;
	v4 =	vshll.u32 v7, $0x4;
	v7 =	vmin.f32 v11, $9.000000000e+00;
	v6 =	vcvt.f32.s32 v6  }
0x366: {  	vm2 =	veq.s32 v15, $0x0;
	v11 =	vsub.f32 $1.000000000e+00, v12;
	[tilespmem:v3+s20+$0x0] =	vst.idx.add.f32.msk $0xffff, v1;
	v7 =	vtrunc.f32 v7  }
0x367: {  	v4 =	vor.u32 v2, v4;
	[tilespmem:v3+s21+$0x0] =	vst.idx.add.f32.msk $0xffff, v8;
	v3 =	vcvt.f32.s32 v7;
	v6 =	vshll.u32 v6, $0x4  }
0x368: {  	v7 =	vsel vm2, v14, v10;
	v8 =	vsel vm2, v12, v11;
	v11 =	vld [tilespmem:s0+$0xFFFFFF50];
	v6 =	vor.u32 v2, v6  }
0x369: {  	v7 =	vmul.f32 $1.000000000e+01, v7;
	v14 =	vld [tilespmem:s14+$0xFFFFFFD0];
	v3 =	vshll.u32 v3, $0x4  }
0x36a: {  	v16 =	vld [tilespmem:s0+$0xF0];
	v3 =	vor.u32 v2, v3  }
0x36b: {  	v8 =	vmul.f32 $1.000000000e+01, v8;
	v15 =	vld [tilespmem:s0+$0xFFFFFFD0];
	v7 =	vmin.f32 v7, $9.000000000e+00  }
0x36c: {  	v9 =	vsel vm1, v9, v13;
	[tilespmem:v4+s18+$0x0] =	vst.idx.add.f32.msk $0xffff, v1;
	v7 =	vtrunc.f32 v7  }
0x36d: {  	v8 =	vmin.f32 v8, $9.000000000e+00;
	v7 =	vcvt.f32.s32 v7;
	v17 =	vsub.f32 $1.000000000e+00, v11;
	[tilespmem:v6+s18+$0x0] =	vst.idx.add.f32.msk $0xffff, v1  }
0x36e: {  	v8 =	vtrunc.f32 v8;
	vm3 =	veq.s32 v14, $0x0;
	[tilespmem:v6+s19+$0x0] =	vst.idx.add.f32.msk $0xffff, v9  }
0x36f: {  	v8 =	vcvt.f32.s32 v8;
	v6 =	vshll.u32 v7, $0x4;
	v13 =	vsel vm3, v17, v11;
	[tilespmem:v3+s20+$0x0] =	vst.idx.add.f32.msk $0xffff, v1  }
0x370: {  	v7 =	vsub.f32 $1.000000000e+00, v15;
	v6 =	vor.u32 v2, v6;
	v13 =	vmul.f32 $1.000000000e+01, v13;
	[tilespmem:v3+s21+$0x0] =	vst.idx.add.f32.msk $0xffff, v9  }
0x371: {  	v3 =	vshll.u32 v8, $0x4;
	v8 =	vld [tilespmem:s28+$0x40]  }
0x372: {  	v7 =	vsel vm3, v15, v7;
	v9 =	vor.u32 v2, v3;
	v13 =	vmin.f32 v13, $9.000000000e+00;
	v14 =	vld [tilespmem:s29+$0x40]  }
0x373: {  	v7 =	vmul.f32 $1.000000000e+01, v7;
	v3 =	vsel vm0, v5, v16;
	v5 =	vtrunc.f32 v13;
	v13 =	vld [tilespmem:s28+$0xC0]  }
0x374: {  	[tilespmem:v4+s19+$0x0] =	vst.idx.add.f32.msk $0xffff, v3  }
0x375: {  	v4 =	vmin.f32 v7, $9.000000000e+00;
	v5 =	vcvt.f32.s32 v5;
	v7 =	vsel vm2, v10, v12;
	[tilespmem:v6+s18+$0x0] =	vst.idx.add.f32.msk $0xffff, v1  }
0x376: {  	v4 =	vtrunc.f32 v4;
	[tilespmem:v6+s19+$0x0] =	vst.idx.add.f32.msk $0xffff, v7  }
0x377: {  	s30 =	simm.s32 $0xC500;
	v4 =	vcvt.f32.s32 v4;
	v5 =	vshll.u32 v5, $0x4;
	v6 =	vsub.f32 $1.000000000e+00, v8;
	[tilespmem:v9+s20+$0x0] =	vst.idx.add.f32.msk $0xffff, v1  }
0x378: {  	v5 =	vor.u32 v2, v5;
	vm1 =	veq.s32 v14, $0x0;
	v14 =	vld [tilespmem:s30+$0x0]  }
0x379: {  	[tilespmem:v9+s21+$0x0] =	vst.idx.add.f32.msk $0xffff, v7;
	v4 =	vshll.u32 v4, $0x4;
	v7 =	vsub.f32 $1.000000000e+00, v13;
	v6 =	vsel vm1, v6, v8  }
0x37a: {  	v9 =	vld [tilespmem:s28+$0xFFFFFF30];
	v4 =	vor.u32 v2, v4;
	v6 =	vmul.f32 $1.000000000e+01, v6  }
0x37b: {  	v10 =	vld [tilespmem:s28+$0xFFFFFFB0];
	v7 =	vsel vm1, v13, v7  }
0x37c: {  	v12 =	vld [tilespmem:s29+$0xFFFFFFB0];
	v7 =	vmul.f32 $1.000000000e+01, v7;
	v6 =	vmin.f32 v6, $9.000000000e+00  }
0x37d: {  	v11 =	vsel vm3, v11, v15;
	[tilespmem:v5+s18+$0x0] =	vst.idx.add.f32.msk $0xffff, v1;
	v6 =	vtrunc.f32 v6  }
0x37e: {  	[tilespmem:v5+s19+$0x0] =	vst.idx.add.f32.msk $0xffff, v11;
	v5 =	vcvt.f32.s32 v6;
	v6 =	vmin.f32 v7, $9.000000000e+00  }
0x37f: {  	[tilespmem:v4+s20+$0x0] =	vst.idx.add.f32.msk $0xffff, v1;
	v6 =	vtrunc.f32 v6  }
0x380: {  	v7 =	vsub.f32 $1.000000000e+00, v16;
	[tilespmem:v4+s21+$0x0] =	vst.idx.add.f32.msk $0xffff, v11;
	v4 =	vcvt.f32.s32 v6;
	v6 =	vshll.u32 v5, $0x4  }
0x381: {  	s31 =	simm.s32 $0x14280;
	v6 =	vor.u32 v2, v6  }
0x382: {  	v7 =	vsel vm0, v16, v7;
	vm0 =	veq.s32 v12, $0x0;
	v12 =	vld [tilespmem:s31+$0x0];
	v4 =	vshll.u32 v4, $0x4  }
0x383: {  	v19 =	vld [tilespmem:s30+$0xFFFFFF80];
	v11 =	vsub.f32 $1.000000000e+00, v9;
	v4 =	vor.u32 v2, v4  }
0x384: {  	v15 =	vsub.f32 $1.000000000e+00, v10;
	v16 =	vld [tilespmem:s30+$0x80];
	v7 =	vmul.f32 $1.000000000e+01, v7  }
0x385: {  	v8 =	vsel vm1, v8, v13;
	v13 =	vsub.f32 $1.000000000e+00, v14;
	v5 =	vld [tilespmem:s0+$0xFFFFFF60];
	v11 =	vsel vm0, v11, v9  }
0x386: {  	v15 =	vsel vm0, v10, v15;
	v11 =	vmul.f32 $1.000000000e+01, v11;
	v7 =	vmin.f32 v7, $9.000000000e+00;
	[tilespmem:v6+s18+$0x0] =	vst.idx.add.f32.msk $0xffff, v1  }
0x387: {  	v15 =	vmul.f32 $1.000000000e+01, v15;
	v7 =	vtrunc.f32 v7;
	vm1 =	veq.s32 v12, $0x0;
	[tilespmem:v6+s19+$0x0] =	vst.idx.add.f32.msk $0xffff, v8  }
0x388: {  	v11 =	vmin.f32 v11, $9.000000000e+00;
	v7 =	vcvt.f32.s32 v7;
	v12 =	vsel vm1, v13, v14;
	[tilespmem:v4+s20+$0x0] =	vst.idx.add.f32.msk $0xffff, v1  }
0x389: {  	v13 =	vsub.f32 $1.000000000e+00, v16;
	v6 =	vtrunc.f32 v11;
	v11 =	vmin.f32 v15, $9.000000000e+00;
	[tilespmem:v4+s21+$0x0] =	vst.idx.add.f32.msk $0xffff, v8  }
0x38a: {  	v6 =	vcvt.f32.s32 v6;
	v4 =	vshll.u32 v7, $0x4;
	v7 =	vtrunc.f32 v11;
	v11 =	vld [tilespmem:s28+$0x50]  }
0x38b: {  	v9 =	vsel vm0, v9, v10;
	v8 =	vmul.f32 $1.000000000e+01, v12;
	v12 =	vsel vm1, v16, v13;
	v13 =	vld [tilespmem:s29+$0x50]  }
0x38c: {  	v17 =	vld [tilespmem:s0+$0xFFFFFFE0];
	v7 =	vcvt.f32.s32 v7;
	v6 =	vshll.u32 v6, $0x4;
	v18 =	vor.u32 v2, v4  }
0x38d: {  	v10 =	vld [tilespmem:s30+$0xFFFFFF00];
	v12 =	vmul.f32 $1.000000000e+01, v12;
	v6 =	vor.u32 v2, v6;
	v8 =	vmin.f32 v8, $9.000000000e+00  }
0x38e: {  	v4 =	vshll.u32 v7, $0x4;
	v7 =	vld [tilespmem:s28+$0xD0];
	v8 =	vtrunc.f32 v8  }
0x38f: {  	v15 =	vld [tilespmem:s14+$0xFFFFFFE0];
	v12 =	vmin.f32 v12, $9.000000000e+00;
	v4 =	vor.u32 v2, v4;
	v8 =	vcvt.f32.s32 v8  }
0x390: {  	v12 =	vtrunc.f32 v12;
	v20 =	vsub.f32 $1.000000000e+00, v11;
	vm2 =	veq.s32 v13, $0x0;
	v13 =	vld [tilespmem:s31+$0xFFFFFF80]  }
0x391: {  	v12 =	vcvt.f32.s32 v12;
	v8 =	vshll.u32 v8, $0x4;
	[tilespmem:v18+s20+$0x0] =	vst.idx.add.f32.msk $0xffff, v1  }
0x392: {  	[tilespmem:v6+s18+$0x0] =	vst.idx.add.f32.msk $0xffff, v1;
	v8 =	vor.u32 v2, v8;
	v20 =	vsel vm2, v20, v11  }
0x393: {  	v12 =	vshll.u32 v12, $0x4;
	[tilespmem:v6+s19+$0x0] =	vst.idx.add.f32.msk $0xffff, v9;
	v6 =	vsub.f32 $1.000000000e+00, v7;
	v20 =	vmul.f32 $1.000000000e+01, v20  }
0x394: {  	v12 =	vor.u32 v2, v12;
	[tilespmem:v4+s20+$0x0] =	vst.idx.add.f32.msk $0xffff, v1  }
0x395: {  	v14 =	vsel vm1, v14, v16;
	[tilespmem:v4+s21+$0x0] =	vst.idx.add.f32.msk $0xffff, v9;
	v6 =	vsel vm2, v7, v6;
	v9 =	vmin.f32 v20, $9.000000000e+00  }
0x396: {  	v16 =	vsub.f32 $1.000000000e+00, v10;
	[tilespmem:v18+s21+$0x0] =	vst.idx.add.f32.msk $0xffff, v3;
	v6 =	vmul.f32 $1.000000000e+01, v6;
	v9 =	vtrunc.f32 v9  }
0x397: {  	vm0 =	veq.s32 v15, $0x0;
	v15 =	vsub.f32 $1.000000000e+00, v19;
	[tilespmem:v8+s18+$0x0] =	vst.idx.add.f32.msk $0xffff, v1;
	v9 =	vcvt.f32.s32 v9  }
0x398: {  	v4 =	vsub.f32 $1.000000000e+00, v5;
	v20 =	vsub.f32 $1.000000000e+00, v17;
	v6 =	vmin.f32 v6, $9.000000000e+00;
	[tilespmem:v8+s19+$0x0] =	vst.idx.add.f32.msk $0xffff, v14  }
0x399: {  	vm1 =	veq.s32 v13, $0x0;
	v6 =	vtrunc.f32 v6;
	[tilespmem:v12+s20+$0x0] =	vst.idx.add.f32.msk $0xffff, v1;
	v8 =	vshll.u32 v9, $0x4  }
0x39a: {  	v9 =	vsel vm1, v16, v10;
	v6 =	vcvt.f32.s32 v6;
	[tilespmem:v12+s21+$0x0] =	vst.idx.add.f32.msk $0xffff, v14;
	v8 =	vor.u32 v2, v8  }
0x39b: {  	v4 =	vsel vm0, v4, v5;
	v12 =	vsel vm0, v17, v20;
	v9 =	vmul.f32 $1.000000000e+01, v9;
	v13 =	vld [tilespmem:s30+$0x10]  }
0x39c: {  	v14 =	vmul.f32 $1.000000000e+01, v4;
	v4 =	vsel vm1, v19, v15;
	v15 =	vld [tilespmem:s31+$0x10];
	v6 =	vshll.u32 v6, $0x4  }
0x39d: {  	v16 =	vmul.f32 $1.000000000e+01, v4;
	v20 =	vld [tilespmem:s30+$0x90];
	v9 =	vmin.f32 v9, $9.000000000e+00;
	v6 =	vor.u32 v2, v6  }
0x39e: {  	v7 =	vsel vm2, v11, v7;
	v5 =	vsel vm0, v5, v17;
	v4 =	vld [tilespmem:s28+$0xFFFFFF40];
	v9 =	vtrunc.f32 v9  }
0x39f: {  	v12 =	vmul.f32 $1.000000000e+01, v12;
	v16 =	vmin.f32 v16, $9.000000000e+00;
	v9 =	vcvt.f32.s32 v9;
	[tilespmem:v8+s18+$0x0] =	vst.idx.add.f32.msk $0xffff, v1  }
0x3a0: {  	v11 =	vmin.f32 v14, $9.000000000e+00;
	v14 =	vtrunc.f32 v16;
	v16 =	vsub.f32 $1.000000000e+00, v13;
	[tilespmem:v8+s19+$0x0] =	vst.idx.add.f32.msk $0xffff, v7  }
0x3a1: {  	v14 =	vcvt.f32.s32 v14;
	vm2 =	veq.s32 v15, $0x0;
	v8 =	vld [tilespmem:s29+$0xFFFFFFC0];
	v9 =	vshll.u32 v9, $0x4  }
0x3a2: {  	v9 =	vor.u32 v2, v9;
	[tilespmem:v6+s20+$0x0] =	vst.idx.add.f32.msk $0xffff, v1;
	v15 =	vsel vm2, v16, v13;
	v16 =	vsub.f32 $1.000000000e+00, v20  }
0x3a3: {  	v12 =	vmin.f32 v12, $9.000000000e+00;
	v14 =	vshll.u32 v14, $0x4;
	[tilespmem:v6+s21+$0x0] =	vst.idx.add.f32.msk $0xffff, v7;
	v6 =	vmul.f32 $1.000000000e+01, v15  }
0x3a4: {  	v7 =	vtrunc.f32 v11;
	v11 =	vor.u32 v2, v14;
	v14 =	vld [tilespmem:s28+$0x60];
	v15 =	vsel vm2, v20, v16  }
0x3a5: {  	v12 =	vtrunc.f32 v12;
	v16 =	vld [tilespmem:s29+$0x60];
	v6 =	vmin.f32 v6, $9.000000000e+00;
	v15 =	vmul.f32 $1.000000000e+01, v15  }
0x3a6: {  	v10 =	vsel vm1, v10, v19;
	v7 =	vcvt.f32.s32 v7;
	v17 =	vld [tilespmem:s28+$0xE0];
	v6 =	vtrunc.f32 v6  }
0x3a7: {  	v19 =	vsub.f32 $1.000000000e+00, v4;
	[tilespmem:v9+s18+$0x0] =	vst.idx.add.f32.msk $0xffff, v1;
	v6 =	vcvt.f32.s32 v6;
	v15 =	vmin.f32 v15, $9.000000000e+00  }
0x3a8: {  	vm0 =	veq.s32 v8, $0x0;
	v7 =	vshll.u32 v7, $0x4;
	[tilespmem:v9+s19+$0x0] =	vst.idx.add.f32.msk $0xffff, v10;
	v9 =	vtrunc.f32 v15  }
0x3a9: {  	[tilespmem:v11+s20+$0x0] =	vst.idx.add.f32.msk $0xffff, v1;
	v8 =	vcvt.f32.s32 v9;
	v6 =	vshll.u32 v6, $0x4;
	v9 =	vsel vm0, v19, v4  }
0x3aa: {  	[tilespmem:v11+s21+$0x0] =	vst.idx.add.f32.msk $0xffff, v10;
	v6 =	vor.u32 v2, v6;
	v9 =	vmul.f32 $1.000000000e+01, v9;
	v10 =	vsub.f32 $1.000000000e+00, v14  }
0x3ab: {  	vm1 =	veq.s32 v16, $0x0;
	v16 =	vsub.f32 $1.000000000e+00, v17;
	v11 =	vld [tilespmem:s30+$0xFFFFFF10];
	v8 =	vshll.u32 v8, $0x4  }
0x3ac: {  	v19 =	vld [tilespmem:s31+$0xFFFFFF90];
	v8 =	vor.u32 v2, v8;
	v9 =	vmin.f32 v9, $9.000000000e+00;
	v10 =	vsel vm1, v10, v14  }
0x3ad: {  	v3 =	vor.u32 v2, v7;
	v15 =	vld [tilespmem:s30+$0xFFFFFF90];
	v7 =	vtrunc.f32 v9;
	v9 =	vmul.f32 $1.000000000e+01, v10  }
0x3ae: {  	v12 =	vcvt.f32.s32 v12;
	v10 =	vsel vm1, v17, v16;
	v7 =	vcvt.f32.s32 v7  }
0x3af: {  	v13 =	vsel vm2, v13, v20;
	v10 =	vmul.f32 $1.000000000e+01, v10;
	[tilespmem:v6+s18+$0x0] =	vst.idx.add.f32.msk $0xffff, v1;
	v9 =	vmin.f32 v9, $9.000000000e+00  }
0x3b0: {  	[tilespmem:v6+s19+$0x0] =	vst.idx.add.f32.msk $0xffff, v13;
	v6 =	vshll.u32 v7, $0x4;
	v7 =	vtrunc.f32 v9;
	v9 =	vsub.f32 $1.000000000e+00, v11  }
0x3b1: {  	v12 =	vshll.u32 v12, $0x4;
	v10 =	vmin.f32 v10, $9.000000000e+00;
	vm2 =	veq.s32 v19, $0x0;
	[tilespmem:v8+s20+$0x0] =	vst.idx.add.f32.msk $0xffff, v1  }
0x3b2: {  	v16 =	vsub.f32 $1.000000000e+00, v15;
	v7 =	vcvt.f32.s32 v7;
	[tilespmem:v8+s21+$0x0] =	vst.idx.add.f32.msk $0xffff, v13;
	v9 =	vsel vm2, v9, v11  }
0x3b3: {  	v12 =	vor.u32 v2, v12;
	v8 =	vtrunc.f32 v10;
	v10 =	vld [tilespmem:s30+$0x20];
	v9 =	vmul.f32 $1.000000000e+01, v9  }
0x3b4: {  	v13 =	vsel vm2, v15, v16;
	v8 =	vcvt.f32.s32 v8;
	v16 =	vld [tilespmem:s31+$0x20];
	v7 =	vshll.u32 v7, $0x4  }
0x3b5: {  	v13 =	vmul.f32 $1.000000000e+01, v13;
	v18 =	vld [tilespmem:s30+$0xA0];
	v7 =	vor.u32 v2, v7;
	v9 =	vmin.f32 v9, $9.000000000e+00  }
0x3b6: {  	[tilespmem:v3+s18+$0x0] =	vst.idx.add.f32.msk $0xffff, v1;
	v14 =	vsel vm1, v14, v17;
	v9 =	vtrunc.f32 v9  }
0x3b7: {  	[tilespmem:v3+s19+$0x0] =	vst.idx.add.f32.msk $0xffff, v5;
	v8 =	vshll.u32 v8, $0x4;
	v13 =	vmin.f32 v13, $9.000000000e+00;
	v3 =	vcvt.f32.s32 v9  }
0x3b8: {  	[tilespmem:v12+s20+$0x0] =	vst.idx.add.f32.msk $0xffff, v1;
	v8 =	vor.u32 v2, v8;
	v9 =	vtrunc.f32 v13;
	v13 =	vsub.f32 $1.000000000e+00, v10  }
0x3b9: {  	[tilespmem:v12+s21+$0x0] =	vst.idx.add.f32.msk $0xffff, v5;
	v9 =	vcvt.f32.s32 v9;
	vm3 =	veq.s32 v16, $0x0;
	v3 =	vshll.u32 v3, $0x4  }
0x3ba: {  	v16 =	vsub.f32 $1.000000000e+00, v18;
	[tilespmem:v7+s18+$0x0] =	vst.idx.add.f32.msk $0xffff, v1;
	v13 =	vsel vm3, v13, v10;
	v3 =	vor.u32 v2, v3  }
0x3bb: {  	[tilespmem:v7+s19+$0x0] =	vst.idx.add.f32.msk $0xffff, v14;
	v7 =	vshll.u32 v9, $0x4;
	v13 =	vmul.f32 $1.000000000e+01, v13  }
0x3bc: {  	v19 =	vld [tilespmem:s28+$0xFFFFFFC0];
	v9 =	vsel vm3, v18, v16;
	v7 =	vor.u32 v2, v7  }
0x3bd: {  	[tilespmem:v8+s20+$0x0] =	vst.idx.add.f32.msk $0xffff, v1;
	v9 =	vmul.f32 $1.000000000e+01, v9;
	v13 =	vmin.f32 v13, $9.000000000e+00  }
0x3be: {  	[tilespmem:v8+s21+$0x0] =	vst.idx.add.f32.msk $0xffff, v14;
	v8 =	vtrunc.f32 v13  }
0x3bf: {  	v11 =	vsel vm2, v11, v15;
	v9 =	vmin.f32 v9, $9.000000000e+00;
	v8 =	vcvt.f32.s32 v8;
	[tilespmem:v3+s18+$0x0] =	vst.idx.add.f32.msk $0xffff, v1  }
0x3c0: {  	v6 =	vor.u32 v2, v6;
	v9 =	vtrunc.f32 v9;
	[tilespmem:v3+s19+$0x0] =	vst.idx.add.f32.msk $0xffff, v11  }
0x3c1: {  	v3 =	vcvt.f32.s32 v9;
	v9 =	vsub.f32 $1.000000000e+00, v19;
	v8 =	vshll.u32 v8, $0x4;
	[tilespmem:v7+s20+$0x0] =	vst.idx.add.f32.msk $0xffff, v1  }
0x3c2: {  	v8 =	vor.u32 v2, v8;
	[tilespmem:v7+s21+$0x0] =	vst.idx.add.f32.msk $0xffff, v11  }
0x3c3: {  	v3 =	vshll.u32 v3, $0x4;
	v7 =	vsel vm0, v19, v9;
	v9 =	vld [tilespmem:s30+$0xFFFFFF20]  }
0x3c4: {  	v3 =	vor.u32 v2, v3;
	v7 =	vmul.f32 $1.000000000e+01, v7;
	v13 =	vld [tilespmem:s31+$0xFFFFFFA0]  }
0x3c5: {  	[tilespmem:v6+s18+$0x0] =	vst.idx.add.f32.msk $0xffff, v1  }
0x3c6: {  	v11 =	vld [tilespmem:s30+$0xFFFFFFA0];
	v7 =	vmin.f32 v7, $9.000000000e+00  }
0x3c7: {  	v10 =	vsel vm3, v10, v18;
	v7 =	vtrunc.f32 v7;
	[tilespmem:v8+s18+$0x0] =	vst.idx.add.f32.msk $0xffff, v1  }
0x3c8: {  	v7 =	vcvt.f32.s32 v7;
	[tilespmem:v8+s19+$0x0] =	vst.idx.add.f32.msk $0xffff, v10;
	v8 =	vsub.f32 $1.000000000e+00, v9  }
0x3c9: {  	vm2 =	veq.s32 v13, $0x0;
	[tilespmem:v3+s20+$0x0] =	vst.idx.add.f32.msk $0xffff, v1  }
0x3ca: {  	[tilespmem:v3+s21+$0x0] =	vst.idx.add.f32.msk $0xffff, v10;
	v3 =	vshll.u32 v7, $0x4;
	v8 =	vsel vm2, v8, v9  }
0x3cb: {  	v10 =	vsub.f32 $1.000000000e+00, v11;
	v7 =	vld [tilespmem:s30+$0x30];
	v3 =	vor.u32 v2, v3;
	v8 =	vmul.f32 $1.000000000e+01, v8  }
0x3cc: {  	v13 =	vld [tilespmem:s31+$0x30]  }
0x3cd: {  	v4 =	vsel vm0, v4, v19;
	v15 =	vld [tilespmem:s30+$0xB0];
	v10 =	vsel vm2, v11, v10;
	v8 =	vmin.f32 v8, $9.000000000e+00  }
0x3ce: {  	[tilespmem:v6+s19+$0x0] =	vst.idx.add.f32.msk $0xffff, v4;
	v10 =	vmul.f32 $1.000000000e+01, v10;
	v6 =	vtrunc.f32 v8  }
0x3cf: {  	v14 =	vld [tilespmem:s28+$0x70];
	v6 =	vcvt.f32.s32 v6  }
0x3d0: {  	v10 =	vmin.f32 v10, $9.000000000e+00;
	v8 =	vsub.f32 $1.000000000e+00, v7;
	[tilespmem:v3+s20+$0x0] =	vst.idx.add.f32.msk $0xffff, v1  }
0x3d1: {  	vm1 =	veq.s32 v13, $0x0;
	[tilespmem:v3+s21+$0x0] =	vst.idx.add.f32.msk $0xffff, v4;
	v3 =	vtrunc.f32 v10;
	v6 =	vshll.u32 v6, $0x4  }
0x3d2: {  	v16 =	vld [tilespmem:s29+$0x70];
	v4 =	vsel vm1, v8, v7;
	v8 =	vsub.f32 $1.000000000e+00, v15;
	v3 =	vcvt.f32.s32 v3  }
0x3d3: {  	v17 =	vld [tilespmem:s28+$0xF0];
	v6 =	vor.u32 v2, v6;
	v4 =	vmul.f32 $1.000000000e+01, v4  }
0x3d4: {  	v10 =	vld [tilespmem:s28+$0xFFFFFF50];
	v8 =	vsel vm1, v15, v8;
	v3 =	vshll.u32 v3, $0x4  }
0x3d5: {  	v18 =	vld [tilespmem:s28+$0xFFFFFFD0];
	v4 =	vmin.f32 v4, $9.000000000e+00;
	v8 =	vmul.f32 $1.000000000e+01, v8;
	v20 =	vor.u32 v2, v3  }
0x3d6: {  	v19 =	vsub.f32 $1.000000000e+00, v14;
	v13 =	vld [tilespmem:s29+$0xFFFFFFD0];
	v3 =	vtrunc.f32 v4  }
0x3d7: {  	vm0 =	veq.s32 v16, $0x0;
	v5 =	vcvt.f32.s32 v3;
	v4 =	vmin.f32 v8, $9.000000000e+00;
	v3 =	vld [tilespmem:s0+$0xFFFFFF70]  }
0x3d8: {  	v12 =	vsub.f32 $1.000000000e+00, v17;
	v9 =	vsel vm2, v9, v11;
	[tilespmem:v6+s18+$0x0] =	vst.idx.add.f32.msk $0xffff, v1;
	v16 =	vtrunc.f32 v4  }
0x3d9: {  	v8 =	vsel vm0, v19, v14;
	[tilespmem:v6+s19+$0x0] =	vst.idx.add.f32.msk $0xffff, v9;
	v11 =	vcvt.f32.s32 v16;
	v5 =	vshll.u32 v5, $0x4  }
0x3da: {  	v12 =	vsel vm0, v17, v12;
	v8 =	vmul.f32 $1.000000000e+01, v8;
	v5 =	vor.u32 v2, v5;
	[tilespmem:v20+s20+$0x0] =	vst.idx.add.f32.msk $0xffff, v1  }
0x3db: {  	v6 =	vmul.f32 $1.000000000e+01, v12;
	v11 =	vshll.u32 v11, $0x4;
	[tilespmem:v20+s21+$0x0] =	vst.idx.add.f32.msk $0xffff, v9  }
0x3dc: {  	v12 =	vsub.f32 $1.000000000e+00, v10;
	v8 =	vmin.f32 v8, $9.000000000e+00;
	v9 =	vor.u32 v2, v11;
	v11 =	vld [tilespmem:s30+$0xFFFFFF30]  }
0x3dd: {  	vm2 =	veq.s32 v13, $0x0;
	v13 =	vsub.f32 $1.000000000e+00, v18;
	v8 =	vtrunc.f32 v8;
	v16 =	vld [tilespmem:s30+$0xFFFFFFB0]  }
0x3de: {  	v6 =	vmin.f32 v6, $9.000000000e+00;
	v12 =	vsel vm2, v12, v10;
	v8 =	vcvt.f32.s32 v8;
	v19 =	vld [tilespmem:s31+$0xFFFFFFB0]  }
0x3df: {  	v7 =	vsel vm1, v7, v15;
	v6 =	vtrunc.f32 v6;
	v12 =	vmul.f32 $1.000000000e+01, v12;
	[tilespmem:v5+s18+$0x0] =	vst.idx.add.f32.msk $0xffff, v1  }
0x3e0: {  	v6 =	vcvt.f32.s32 v6;
	[tilespmem:v5+s19+$0x0] =	vst.idx.add.f32.msk $0xffff, v7;
	v5 =	vshll.u32 v8, $0x4;
	v8 =	vsel vm2, v18, v13  }
0x3e1: {  	v12 =	vmin.f32 v12, $9.000000000e+00;
	[tilespmem:v9+s20+$0x0] =	vst.idx.add.f32.msk $0xffff, v1;
	v5 =	vor.u32 v2, v5;
	v8 =	vmul.f32 $1.000000000e+01, v8  }
0x3e2: {  	v12 =	vtrunc.f32 v12;
	[tilespmem:v9+s21+$0x0] =	vst.idx.add.f32.msk $0xffff, v7  }
0x3e3: {  	v6 =	vshll.u32 v6, $0x4;
	v7 =	vcvt.f32.s32 v12;
	v13 =	vld [tilespmem:s30+$0x40];
	v8 =	vmin.f32 v8, $9.000000000e+00  }
0x3e4: {  	v6 =	vor.u32 v2, v6;
	v9 =	vld [tilespmem:s31+$0x40];
	v8 =	vtrunc.f32 v8  }
0x3e5: {  	v15 =	vld [tilespmem:s30+$0xC0];
	v7 =	vshll.u32 v7, $0x4;
	v8 =	vcvt.f32.s32 v8  }
0x3e6: {  	v14 =	vsel vm0, v14, v17;
	v12 =	vor.u32 v2, v7;
	[tilespmem:v5+s18+$0x0] =	vst.idx.add.f32.msk $0xffff, v1  }
0x3e7: {  	[tilespmem:v5+s19+$0x0] =	vst.idx.add.f32.msk $0xffff, v14;
	v5 =	vshll.u32 v8, $0x4  }
0x3e8: {  	v4 =	vld [tilespmem:s0+$0xFFFFFFF0];
	v10 =	vsel vm2, v10, v18;
	v8 =	vsub.f32 $1.000000000e+00, v13;
	v18 =	vor.u32 v2, v5  }
0x3e9: {  	v17 =	vsub.f32 $1.000000000e+00, v11;
	vm1 =	veq.s32 v19, $0x0;
	[tilespmem:v6+s20+$0x0] =	vst.idx.add.f32.msk $0xffff, v1;
	vm0 =	veq.s32 v9, $0x0  }
0x3ea: {  	[tilespmem:v6+s21+$0x0] =	vst.idx.add.f32.msk $0xffff, v14;
	v6 =	vsub.f32 $1.000000000e+00, v16;
	v14 =	vsub.f32 $1.000000000e+00, v15;
	v8 =	vsel vm0, v8, v13  }
0x3eb: {  	v17 =	vsel vm1, v17, v11;
	[tilespmem:v12+s18+$0x0] =	vst.idx.add.f32.msk $0xffff, v1;
	v8 =	vmul.f32 $1.000000000e+01, v8  }
0x3ec: {  	v6 =	vsel vm1, v16, v6;
	v14 =	vsel vm0, v15, v14;
	[tilespmem:v12+s19+$0x0] =	vst.idx.add.f32.msk $0xffff, v10  }
0x3ed: {  	v12 =	vmul.f32 $1.000000000e+01, v17;
	v14 =	vmul.f32 $1.000000000e+01, v14;
	v8 =	vmin.f32 v8, $9.000000000e+00;
	[tilespmem:v18+s20+$0x0] =	vst.idx.add.f32.msk $0xffff, v1  }
0x3ee: {  	v16 =	vsel vm1, v11, v16;
	v11 =	vmul.f32 $1.000000000e+01, v6;
	v6 =	vtrunc.f32 v8;
	[tilespmem:v18+s21+$0x0] =	vst.idx.add.f32.msk $0xffff, v10  }
0x3ef: {  	v8 =	vmin.f32 v12, $9.000000000e+00;
	v12 =	vmin.f32 v14, $9.000000000e+00;
	v10 =	vcvt.f32.s32 v6;
	v6 =	vld [tilespmem:s28+$0xFFFFFF60]  }
0x3f0: {  	v14 =	vtrunc.f32 v12;
	v12 =	vld [tilespmem:s28+$0xFFFFFFE0]  }
0x3f1: {  	v7 =	vsub.f32 $1.000000000e+00, v3  }
0x3f2: {  	v5 =	vsub.f32 $1.000000000e+00, v4;
	v11 =	vmin.f32 v11, $9.000000000e+00;
	v17 =	vcvt.f32.s32 v14;
	v14 =	vld [tilespmem:s29+$0xFFFFFFE0]  }
0x3f3: {  	v8 =	vtrunc.f32 v8;
	v11 =	vtrunc.f32 v11;
	v10 =	vshll.u32 v10, $0x4  }
0x3f4: {  	s1 =	simm.s32 $0x4;
	s0 =	simm.s32 $0x14280;
	v9 =	vld [tilespmem:s14+$0xFFFFFFF0];
	s14 =	simm.s32 $0xC700;
	v19 =	vcvt.f32.s32 v8;
	v18 =	vcvt.f32.s32 v11;
	v11 =	vor.u32 v2, v10  }
.LBB2_5:
0x3f5: {  	v10 =	vld [tilespmem:s14+$0x0];
	v8 =	vshll.u32 v17, $0x4;
	s31 =	sadd.s32 $0x100, s31;
	v17 =	vsub.f32 $1.000000000e+00, v6;
	v20 =	vsub.f32 $1.000000000e+00, v12  }
0x3f6: {  	v21 =	vld [tilespmem:s31+$0x0];
	v19 =	vshll.u32 v19, $0x4;
	v18 =	vshll.u32 v18, $0x4;
	v8 =	vor.u32 v2, v8  }
0x3f7: {  	vm1 =	veq.s32 v14, $0x0;
	v22 =	vld [tilespmem:s14+$0x80];
	v19 =	vor.u32 v2, v19;
	v18 =	vor.u32 v2, v18  }
0x3f8: {  	v17 =	vsel vm1, v17, v6;
	v20 =	vsel vm1, v12, v20;
	v6 =	vsel vm1, v6, v12;
	v14 =	vld [tilespmem:s14+$0xFFFFFF80]  }
0x3f9: {  	v12 =	vsel vm0, v13, v15;
	v13 =	vmul.f32 $1.000000000e+01, v17;
	v15 =	vmul.f32 $1.000000000e+01, v20;
	[tilespmem:v11+s18+$0x0] =	vst.idx.add.f32.msk $0xffff, v1  }
0x3fa: {  	vm0 =	veq.s32 v9, $0x0;
	v17 =	vsub.f32 $1.000000000e+00, v10;
	[tilespmem:v11+s19+$0x0] =	vst.idx.add.f32.msk $0xffff, v12  }
0x3fb: {  	v9 =	vmin.f32 v13, $9.000000000e+00;
	v11 =	vmin.f32 v15, $9.000000000e+00;
	vm1 =	veq.s32 v21, $0x0;
	[tilespmem:v8+s20+$0x0] =	vst.idx.add.f32.msk $0xffff, v1  }
0x3fc: {  	v13 =	vsel vm1, v17, v10;
	v15 =	vsub.f32 $1.000000000e+00, v22;
	[tilespmem:v8+s21+$0x0] =	vst.idx.add.f32.msk $0xffff, v12;
	v8 =	vtrunc.f32 v9  }
0x3fd: {  	v11 =	vtrunc.f32 v11;
	v9 =	vsub.f32 $1.000000000e+00, v14;
	v12 =	vmul.f32 $1.000000000e+01, v13;
	v13 =	vld [tilespmem:s30+$0x50]  }
0x3fe: {  	v11 =	vcvt.f32.s32 v11;
	v8 =	vcvt.f32.s32 v8;
	v15 =	vsel vm1, v22, v15;
	v17 =	vld [tilespmem:s0+$0x50]  }
0x3ff: {  	v21 =	vsel vm0, v7, v3;
	v12 =	vmin.f32 v12, $9.000000000e+00;
	v15 =	vmul.f32 $1.000000000e+01, v15;
	v20 =	vld [tilespmem:s30+$0xD0]  }
0x400: {  	v11 =	vshll.u32 v11, $0x4;
	v8 =	vshll.u32 v8, $0x4;
	v23 =	vld [tilespmem:s14+$0xFFFFFF00];
	v7 =	vtrunc.f32 v12  }
0x401: {  	v8 =	vor.u32 v2, v8;
	v12 =	vld [tilespmem:s31+$0xFFFFFF80];
	v24 =	vcvt.f32.s32 v7;
	v7 =	vmin.f32 v15, $9.000000000e+00  }
0x402: {  	v15 =	vtrunc.f32 v7;
	[tilespmem:v19+s18+$0x0] =	vst.idx.add.f32.msk $0xffff, v1;
	v25 =	vsub.f32 $1.000000000e+00, v13;
	v7 =	vor.u32 v2, v11  }
0x403: {  	v11 =	vcvt.f32.s32 v15;
	v15 =	vshll.u32 v24, $0x4;
	[tilespmem:v19+s19+$0x0] =	vst.idx.add.f32.msk $0xffff, v16;
	vm2 =	veq.s32 v17, $0x0  }
0x404: {  	v15 =	vor.u32 v2, v15;
	[tilespmem:v18+s20+$0x0] =	vst.idx.add.f32.msk $0xffff, v1;
	v17 =	vsel vm2, v25, v13;
	v19 =	vsub.f32 $1.000000000e+00, v20  }
0x405: {  	v24 =	vsub.f32 $1.000000000e+00, v23;
	v11 =	vshll.u32 v11, $0x4;
	[tilespmem:v18+s21+$0x0] =	vst.idx.add.f32.msk $0xffff, v16;
	v16 =	vmul.f32 $1.000000000e+01, v17  }
0x406: {  	vm3 =	veq.s32 v12, $0x0;
	v11 =	vor.u32 v2, v11;
	v12 =	vld [tilespmem:s30+$0xFFFFFF40];
	v17 =	vsel vm2, v20, v19  }
0x407: {  	v18 =	vsel vm3, v24, v23;
	v19 =	vld [tilespmem:s30+$0xFFFFFFC0];
	v16 =	vmin.f32 v16, $9.000000000e+00;
	v17 =	vmul.f32 $1.000000000e+01, v17  }
0x408: {  	v9 =	vsel vm3, v14, v9;
	v18 =	vmul.f32 $1.000000000e+01, v18;
	v24 =	vld [tilespmem:s0+$0xFFFFFFC0];
	v16 =	vtrunc.f32 v16  }
0x409: {  	v10 =	vsel vm1, v10, v22;
	[tilespmem:v15+s18+$0x0] =	vst.idx.add.f32.msk $0xffff, v1;
	v16 =	vcvt.f32.s32 v16;
	v17 =	vmin.f32 v17, $9.000000000e+00  }
0x40a: {  	v9 =	vmul.f32 $1.000000000e+01, v9;
	v18 =	vmin.f32 v18, $9.000000000e+00;
	[tilespmem:v15+s19+$0x0] =	vst.idx.add.f32.msk $0xffff, v10;
	v15 =	vtrunc.f32 v17  }
0x40b: {  	v17 =	vtrunc.f32 v18;
	[tilespmem:v11+s20+$0x0] =	vst.idx.add.f32.msk $0xffff, v1;
	v15 =	vcvt.f32.s32 v15;
	v16 =	vshll.u32 v16, $0x4  }
0x40c: {  	v9 =	vmin.f32 v9, $9.000000000e+00;
	v17 =	vcvt.f32.s32 v17;
	[tilespmem:v11+s21+$0x0] =	vst.idx.add.f32.msk $0xffff, v10;
	v10 =	vor.u32 v2, v16  }
0x40d: {  	s1 =	sadd.s32 $0x2, s1;
	v9 =	vtrunc.f32 v9;
	v11 =	vsel vm3, v23, v14;
	v14 =	vld [tilespmem:s14+$0x10];
	v15 =	vshll.u32 v15, $0x4  }
0x40e: {  	p1 =	slt.u32 s1, $0x7E;
	v9 =	vcvt.f32.s32 v9;
	v16 =	vshll.u32 v17, $0x4;
	v17 =	vld [tilespmem:s31+$0x10];
	v15 =	vor.u32 v2, v15  }
0x40f: {  	v22 =	vsub.f32 $1.000000000e+00, v12;
	v23 =	vsub.f32 $1.000000000e+00, v19;
	v16 =	vor.u32 v2, v16;
	v18 =	vld [tilespmem:s14+$0x90]  }
0x410: {  	vm3 =	veq.s32 v24, $0x0;
	v24 =	vsel vm0, v4, v5;
	v9 =	vshll.u32 v9, $0x4;
	[tilespmem:v8+s18+$0x0] =	vst.idx.add.f32.msk $0xffff, v1  }
0x411: {  	v13 =	vsel vm2, v13, v20;
	v20 =	vmul.f32 $1.000000000e+01, v21;
	v9 =	vor.u32 v2, v9;
	[tilespmem:v10+s18+$0x0] =	vst.idx.add.f32.msk $0xffff, v1  }
0x412: {  	v21 =	vsel vm3, v22, v12;
	v22 =	vsel vm3, v19, v23;
	v5 =	vsub.f32 $1.000000000e+00, v14;
	[tilespmem:v10+s19+$0x0] =	vst.idx.add.f32.msk $0xffff, v13  }
0x413: {  	v10 =	vmul.f32 $1.000000000e+01, v21;
	vm1 =	veq.s32 v17, $0x0;
	v17 =	vmul.f32 $1.000000000e+01, v22;
	[tilespmem:v15+s20+$0x0] =	vst.idx.add.f32.msk $0xffff, v1  }
0x414: {  	v21 =	vsel vm1, v5, v14;
	v22 =	vsub.f32 $1.000000000e+00, v18;
	v5 =	vsel vm3, v12, v19;
	[tilespmem:v15+s21+$0x0] =	vst.idx.add.f32.msk $0xffff, v13  }
0x415: {  	v10 =	vmin.f32 v10, $9.000000000e+00;
	v12 =	vmul.f32 $1.000000000e+01, v21;
	v13 =	vmin.f32 v17, $9.000000000e+00;
	v15 =	vld [tilespmem:s30+$0x60]  }
0x416: {  	v10 =	vtrunc.f32 v10;
	v17 =	vsel vm1, v18, v22;
	v13 =	vtrunc.f32 v13;
	v19 =	vld [tilespmem:s0+$0x60]  }
0x417: {  	v10 =	vcvt.f32.s32 v10;
	v12 =	vmin.f32 v12, $9.000000000e+00;
	v17 =	vmul.f32 $1.000000000e+01, v17;
	v21 =	vld [tilespmem:s30+$0xE0]  }
0x418: {  	v20 =	vmin.f32 v20, $9.000000000e+00;
	v13 =	vcvt.f32.s32 v13;
	[tilespmem:v16+s18+$0x0] =	vst.idx.add.f32.msk $0xffff, v1;
	v12 =	vtrunc.f32 v12  }
0x419: {  	v10 =	vshll.u32 v10, $0x4;
	[tilespmem:v16+s19+$0x0] =	vst.idx.add.f32.msk $0xffff, v11;
	v12 =	vcvt.f32.s32 v12;
	v16 =	vmin.f32 v17, $9.000000000e+00  }
0x41a: {  	v13 =	vshll.u32 v13, $0x4;
	[tilespmem:v9+s20+$0x0] =	vst.idx.add.f32.msk $0xffff, v1;
	v16 =	vtrunc.f32 v16;
	v17 =	vsub.f32 $1.000000000e+00, v15  }
0x41b: {  	[tilespmem:v9+s21+$0x0] =	vst.idx.add.f32.msk $0xffff, v11;
	v9 =	vcvt.f32.s32 v16;
	v11 =	vshll.u32 v12, $0x4;
	vm2 =	veq.s32 v19, $0x0  }
0x41c: {  	v12 =	vld [tilespmem:s14+$0xFFFFFF10];
	v11 =	vor.u32 v2, v11;
	v16 =	vsel vm2, v17, v15;
	v17 =	vsub.f32 $1.000000000e+00, v21  }
0x41d: {  	v22 =	vor.u32 v2, v10;
	v19 =	vld [tilespmem:s14+$0xFFFFFF90];
	v9 =	vshll.u32 v9, $0x4;
	v10 =	vmul.f32 $1.000000000e+01, v16  }
0x41e: {  	v16 =	vld [tilespmem:s31+$0xFFFFFF90];
	v23 =	vor.u32 v2, v9;
	v9 =	vor.u32 v2, v13;
	v13 =	vsel vm2, v21, v17  }
0x41f: {  	v17 =	vmul.f32 $1.000000000e+01, v24;
	v10 =	vmin.f32 v10, $9.000000000e+00;
	v13 =	vmul.f32 $1.000000000e+01, v13;
	[tilespmem:v8+s19+$0x0] =	vst.idx.add.f32.msk $0xffff, v6  }
0x420: {  	v8 =	vsel vm0, v3, v4;
	v3 =	vtrunc.f32 v20;
	v10 =	vtrunc.f32 v10;
	[tilespmem:v7+s20+$0x0] =	vst.idx.add.f32.msk $0xffff, v1  }
0x421: {  	v4 =	vsel vm1, v14, v18;
	[tilespmem:v11+s18+$0x0] =	vst.idx.add.f32.msk $0xffff, v1;
	v10 =	vcvt.f32.s32 v10;
	v13 =	vmin.f32 v13, $9.000000000e+00  }
0x422: {  	v14 =	vsub.f32 $1.000000000e+00, v12;
	v18 =	vsub.f32 $1.000000000e+00, v19;
	[tilespmem:v11+s19+$0x0] =	vst.idx.add.f32.msk $0xffff, v4;
	v11 =	vtrunc.f32 v13  }
0x423: {  	vm0 =	veq.s32 v16, $0x0;
	[tilespmem:v23+s20+$0x0] =	vst.idx.add.f32.msk $0xffff, v1;
	v11 =	vcvt.f32.s32 v11;
	v10 =	vshll.u32 v10, $0x4  }
0x424: {  	v13 =	vsel vm0, v14, v12;
	[tilespmem:v23+s21+$0x0] =	vst.idx.add.f32.msk $0xffff, v4;
	v4 =	vor.u32 v2, v10;
	v10 =	vmin.f32 v17, $9.000000000e+00  }
0x425: {  	v14 =	vsel vm0, v19, v18;
	v13 =	vmul.f32 $1.000000000e+01, v13;
	v16 =	vld [tilespmem:s14+$0x20];
	v11 =	vshll.u32 v11, $0x4  }
0x426: {  	v12 =	vsel vm0, v12, v19;
	v14 =	vmul.f32 $1.000000000e+01, v14;
	v17 =	vld [tilespmem:s31+$0x20];
	v11 =	vor.u32 v2, v11  }
0x427: {  	v3 =	vcvt.f32.s32 v3;
	v10 =	vtrunc.f32 v10;
	v13 =	vmin.f32 v13, $9.000000000e+00;
	v18 =	vld [tilespmem:s14+$0xA0]  }
0x428: {  	v10 =	vcvt.f32.s32 v10;
	v14 =	vmin.f32 v14, $9.000000000e+00;
	v13 =	vtrunc.f32 v13;
	[tilespmem:v22+s18+$0x0] =	vst.idx.add.f32.msk $0xffff, v1  }
0x429: {  	v15 =	vsel vm2, v15, v21;
	v14 =	vtrunc.f32 v14;
	v13 =	vcvt.f32.s32 v13;
	[tilespmem:v4+s18+$0x0] =	vst.idx.add.f32.msk $0xffff, v1  }
0x42a: {  	v3 =	vshll.u32 v3, $0x4;
	v14 =	vcvt.f32.s32 v14;
	v19 =	vsub.f32 $1.000000000e+00, v16;
	[tilespmem:v4+s19+$0x0] =	vst.idx.add.f32.msk $0xffff, v15  }
0x42b: {  	v10 =	vshll.u32 v10, $0x4;
	v4 =	vshll.u32 v13, $0x4;
	vm0 =	veq.s32 v17, $0x0;
	[tilespmem:v11+s20+$0x0] =	vst.idx.add.f32.msk $0xffff, v1  }
0x42c: {  	v13 =	vshll.u32 v14, $0x4;
	v14 =	vsel vm0, v19, v16;
	v17 =	vsub.f32 $1.000000000e+00, v18;
	[tilespmem:v11+s21+$0x0] =	vst.idx.add.f32.msk $0xffff, v15  }
0x42d: {  	v4 =	vor.u32 v2, v4;
	v13 =	vor.u32 v2, v13;
	v14 =	vmul.f32 $1.000000000e+01, v14;
	v15 =	vld [tilespmem:s30+$0x70]  }
0x42e: {  	v10 =	vor.u32 v2, v10;
	v11 =	vor.u32 v2, v3;
	v17 =	vsel vm0, v18, v17;
	v19 =	vld [tilespmem:s0+$0x70]  }
0x42f: {  	v3 =	vmin.f32 v14, $9.000000000e+00;
	v14 =	vmul.f32 $1.000000000e+01, v17;
	v17 =	vld [tilespmem:s30+$0xF0]  }
0x430: {  	v3 =	vtrunc.f32 v3;
	[tilespmem:v22+s19+$0x0] =	vst.idx.add.f32.msk $0xffff, v5  }
0x431: {  	v3 =	vcvt.f32.s32 v3;
	v14 =	vmin.f32 v14, $9.000000000e+00;
	[tilespmem:v9+s20+$0x0] =	vst.idx.add.f32.msk $0xffff, v1  }
0x432: {  	[tilespmem:v4+s18+$0x0] =	vst.idx.add.f32.msk $0xffff, v1;
	v14 =	vtrunc.f32 v14;
	v20 =	vsub.f32 $1.000000000e+00, v15  }
0x433: {  	[tilespmem:v4+s19+$0x0] =	vst.idx.add.f32.msk $0xffff, v12;
	v4 =	vcvt.f32.s32 v14;
	v3 =	vshll.u32 v3, $0x4;
	vm1 =	veq.s32 v19, $0x0  }
0x434: {  	[tilespmem:v13+s20+$0x0] =	vst.idx.add.f32.msk $0xffff, v1;
	v3 =	vor.u32 v2, v3;
	v14 =	vsel vm1, v20, v15;
	v19 =	vsub.f32 $1.000000000e+00, v17  }
0x435: {  	[tilespmem:v13+s21+$0x0] =	vst.idx.add.f32.msk $0xffff, v12;
	v4 =	vshll.u32 v4, $0x4;
	v12 =	vmul.f32 $1.000000000e+01, v14  }
0x436: {  	v13 =	vld [tilespmem:s14+$0xFFFFFF20];
	v4 =	vor.u32 v2, v4;
	v14 =	vsel vm1, v17, v19  }
0x437: {  	v19 =	vld [tilespmem:s14+$0xFFFFFFA0];
	v12 =	vmin.f32 v12, $9.000000000e+00;
	v14 =	vmul.f32 $1.000000000e+01, v14  }
0x438: {  	v20 =	vld [tilespmem:s31+$0xFFFFFFA0];
	v12 =	vtrunc.f32 v12  }
0x439: {  	v16 =	vsel vm0, v16, v18;
	[tilespmem:v3+s18+$0x0] =	vst.idx.add.f32.msk $0xffff, v1;
	v12 =	vcvt.f32.s32 v12;
	v14 =	vmin.f32 v14, $9.000000000e+00  }
0x43a: {  	[tilespmem:v3+s19+$0x0] =	vst.idx.add.f32.msk $0xffff, v16;
	v3 =	vtrunc.f32 v14  }
0x43b: {  	v14 =	vsub.f32 $1.000000000e+00, v13;
	[tilespmem:v4+s20+$0x0] =	vst.idx.add.f32.msk $0xffff, v1;
	v3 =	vcvt.f32.s32 v3;
	v12 =	vshll.u32 v12, $0x4  }
0x43c: {  	v18 =	vsub.f32 $1.000000000e+00, v19;
	[tilespmem:v4+s21+$0x0] =	vst.idx.add.f32.msk $0xffff, v16;
	v4 =	vor.u32 v2, v12  }
0x43d: {  	vm0 =	veq.s32 v20, $0x0;
	v12 =	vld [tilespmem:s14+$0x30];
	v3 =	vshll.u32 v3, $0x4  }
0x43e: {  	v14 =	vsel vm0, v14, v13;
	v16 =	vsel vm0, v19, v18;
	v18 =	vld [tilespmem:s31+$0x30];
	v3 =	vor.u32 v2, v3  }
0x43f: {  	v13 =	vsel vm0, v13, v19;
	v14 =	vmul.f32 $1.000000000e+01, v14;
	v16 =	vmul.f32 $1.000000000e+01, v16;
	v19 =	vld [tilespmem:s14+$0xB0]  }
0x440: {  	[tilespmem:v9+s21+$0x0] =	vst.idx.add.f32.msk $0xffff, v5  }
0x441: {  	v5 =	vmin.f32 v14, $9.000000000e+00;
	v9 =	vmin.f32 v16, $9.000000000e+00;
	v14 =	vsel vm1, v15, v17;
	[tilespmem:v4+s18+$0x0] =	vst.idx.add.f32.msk $0xffff, v1  }
0x442: {  	v5 =	vtrunc.f32 v5;
	v9 =	vtrunc.f32 v9;
	v15 =	vsub.f32 $1.000000000e+00, v12;
	[tilespmem:v4+s19+$0x0] =	vst.idx.add.f32.msk $0xffff, v14  }
0x443: {  	v4 =	vcvt.f32.s32 v5;
	v5 =	vcvt.f32.s32 v9;
	vm0 =	veq.s32 v18, $0x0;
	[tilespmem:v3+s20+$0x0] =	vst.idx.add.f32.msk $0xffff, v1  }
0x444: {  	v9 =	vsel vm0, v15, v12;
	v15 =	vsub.f32 $1.000000000e+00, v19;
	[tilespmem:v3+s21+$0x0] =	vst.idx.add.f32.msk $0xffff, v14  }
0x445: {  	v3 =	vshll.u32 v4, $0x4;
	v4 =	vshll.u32 v5, $0x4;
	v5 =	vmul.f32 $1.000000000e+01, v9;
	v9 =	vld [tilespmem:s30+$0xFFFFFF50]  }
0x446: {  	v14 =	vor.u32 v2, v3;
	v16 =	vor.u32 v2, v4;
	v3 =	vsel vm0, v19, v15;
	v15 =	vld [tilespmem:s30+$0xFFFFFFD0]  }
0x447: {  	v4 =	vmin.f32 v5, $9.000000000e+00;
	v3 =	vmul.f32 $1.000000000e+01, v3;
	v5 =	vld [tilespmem:s0+$0xFFFFFFD0]  }
0x448: {  	v4 =	vtrunc.f32 v4;
	[tilespmem:v7+s21+$0x0] =	vst.idx.add.f32.msk $0xffff, v6  }
0x449: {  	v6 =	vcvt.f32.s32 v4;
	v4 =	vmin.f32 v3, $9.000000000e+00;
	v3 =	vld [tilespmem:s28+$0xFFFFFF70]  }
0x44a: {  	v7 =	vtrunc.f32 v4;
	v17 =	vsub.f32 $1.000000000e+00, v9;
	v4 =	vld [tilespmem:s28+$0xFFFFFFF0];
	s28 =	smov.u32 s30;
	s30 =	smov.u32 s14  }
0x44b: {  	[tilespmem:v14+s18+$0x0] =	vst.idx.add.f32.msk $0xffff, v1;
	v7 =	vcvt.f32.s32 v7;
	v6 =	vshll.u32 v6, $0x4;
	v18 =	vsub.f32 $1.000000000e+00, v15  }
0x44c: {  	[tilespmem:v14+s19+$0x0] =	vst.idx.add.f32.msk $0xffff, v13;
	v6 =	vor.u32 v2, v6;
	vm1 =	veq.s32 v5, $0x0  }
0x44d: {  	[tilespmem:v16+s20+$0x0] =	vst.idx.add.f32.msk $0xffff, v1;
	v5 =	vshll.u32 v7, $0x4;
	v7 =	vsel vm1, v17, v9;
	v14 =	vsel vm1, v15, v18  }
0x44e: {  	[tilespmem:v16+s21+$0x0] =	vst.idx.add.f32.msk $0xffff, v13;
	v13 =	vor.u32 v2, v5;
	v16 =	vmul.f32 $1.000000000e+01, v7;
	v14 =	vmul.f32 $1.000000000e+01, v14  }
0x44f: {  	v18 =	vsel vm1, v9, v15;
	v7 =	vsub.f32 $1.000000000e+00, v3;
	v17 =	vld [tilespmem:s14+$0xFFFFFF30];
	v5 =	vsub.f32 $1.000000000e+00, v4  }
0x450: {  	v20 =	vld [tilespmem:s14+$0xFFFFFFB0];
	v9 =	vmin.f32 v16, $9.000000000e+00;
	v14 =	vmin.f32 v14, $9.000000000e+00  }
0x451: {  	v12 =	vsel vm0, v12, v19;
	[tilespmem:v6+s18+$0x0] =	vst.idx.add.f32.msk $0xffff, v1;
	v9 =	vtrunc.f32 v9;
	v14 =	vtrunc.f32 v14  }
0x452: {  	[tilespmem:v6+s19+$0x0] =	vst.idx.add.f32.msk $0xffff, v12;
	v6 =	vcvt.f32.s32 v9;
	v9 =	vcvt.f32.s32 v14  }
0x453: {  	[tilespmem:v13+s20+$0x0] =	vst.idx.add.f32.msk $0xffff, v1  }
0x454: {  	v14 =	vsub.f32 $1.000000000e+00, v17;
	[tilespmem:v13+s21+$0x0] =	vst.idx.add.f32.msk $0xffff, v12;
	v6 =	vshll.u32 v6, $0x4;
	v9 =	vshll.u32 v9, $0x4  }
0x455: {  	v12 =	vsub.f32 $1.000000000e+00, v20;
	v13 =	vld [tilespmem:s14+$0x40];
	v6 =	vor.u32 v2, v6;
	v16 =	vor.u32 v2, v9  }
0x456: {  	v19 =	vld [tilespmem:s31+$0x40]  }
0x457: {  	v15 =	vld [tilespmem:s14+$0xC0]  }
0x458: {  	v21 =	vld [tilespmem:s31+$0xFFFFFFB0]  }
0x459: {  	v9 =	vld [tilespmem:s29+$0xFFFFFFF0];
	s29 =	smov.u32 s0;
	s0 =	smov.u32 s31  }
0x45a: {  	v22 =	vsub.f32 $1.000000000e+00, v13;
	[tilespmem:v6+s18+$0x0] =	vst.idx.add.f32.msk $0xffff, v1  }
0x45b: {  	vm0 =	veq.s32 v19, $0x0;
	[tilespmem:v6+s19+$0x0] =	vst.idx.add.f32.msk $0xffff, v18  }
0x45c: {  	v6 =	vsel vm0, v22, v13;
	v19 =	vsub.f32 $1.000000000e+00, v15;
	[tilespmem:v16+s20+$0x0] =	vst.idx.add.f32.msk $0xffff, v1  }
0x45d: {  	vm1 =	veq.s32 v21, $0x0;
	v21 =	vmul.f32 $1.000000000e+01, v6;
	[tilespmem:v16+s21+$0x0] =	vst.idx.add.f32.msk $0xffff, v18  }
0x45e: {  	v14 =	vsel vm1, v14, v17;
	v18 =	vsel vm1, v20, v12;
	v12 =	vsel vm0, v15, v19;
	v6 =	vld [tilespmem:s28+$0xFFFFFF60]  }
0x45f: {  	v19 =	vmul.f32 $1.000000000e+01, v14;
	v14 =	vmin.f32 v21, $9.000000000e+00;
	v21 =	vmul.f32 $1.000000000e+01, v12;
	v12 =	vld [tilespmem:s28+$0xFFFFFFE0]  }
.Ltmp3:
0x460: {  	v16 =	vsel vm1, v17, v20;
	v17 =	vmul.f32 $1.000000000e+01, v18;
	v18 =	vtrunc.f32 v14;
	v14 =	vld [tilespmem:s29+$0xFFFFFFE0];
	(pc) =	sbr.rel @p1 .LBB2_5-.Ltmp3, $4  }
0x461: {  	v19 =	vmin.f32 v19, $9.000000000e+00;
	v18 =	vcvt.f32.s32 v18;
	v20 =	vmin.f32 v21, $9.000000000e+00;
	[tilespmem:v11+s18+$0x0] =	vst.idx.add.f32.msk $0xffff, v1  }
0x462: {  	v17 =	vmin.f32 v17, $9.000000000e+00;
	v19 =	vtrunc.f32 v19;
	v20 =	vtrunc.f32 v20;
	[tilespmem:v11+s19+$0x0] =	vst.idx.add.f32.msk $0xffff, v8  }
0x463: {  	v11 =	vtrunc.f32 v17;
	v17 =	vcvt.f32.s32 v20;
	v20 =	vshll.u32 v18, $0x4;
	[tilespmem:v10+s20+$0x0] =	vst.idx.add.f32.msk $0xffff, v1  }
0x464: {  	s14 =	sadd.s32 $0x200, s14;
	v19 =	vcvt.f32.s32 v19;
	v18 =	vcvt.f32.s32 v11;
	v11 =	vor.u32 v2, v20;
	[tilespmem:v10+s21+$0x0] =	vst.idx.add.f32.msk $0xffff, v8  }
0x465: {  	_ = 	snop  }
0x466: {  	v8 =	vshll.u32 v19, $0x4  }
0x467: {  	v8 =	vor.u32 v2, v8  }
0x468: {  	v10 =	vshll.u32 v18, $0x4  }
0x469: {  	v10 =	vor.u32 v2, v10;
	_ =	sdelay $0x2  }
0x46a: {  	[tilespmem:v8+s18+$0x0] =	vst.idx.add.f32.msk $0xffff, v1  }
0x46b: {  	[tilespmem:v8+s19+$0x0] =	vst.idx.add.f32.msk $0xffff, v16  }
0x46c: {  	[tilespmem:v10+s20+$0x0] =	vst.idx.add.f32.msk $0xffff, v1  }
0x46d: {  	[tilespmem:v10+s21+$0x0] =	vst.idx.add.f32.msk $0xffff, v16  }
0x46e: {  	v8 =	vld [tilespmem:s30+$0xFFFFFF40]  }
0x46f: {  	v10 =	vld [tilespmem:s0+$0xFFFFFFC0]  }
0x470: {  	v34 =	vshll.u32 v17, $0x4;
	v35 =	vld [tilespmem:s30+$0xFFFFFFC0]  }
0x471: {  	v16 =	vor.u32 v2, v34;
	_ =	sdelay $0x1  }
0x472: {  	v36 =	vsub.f32 $1.000000000e+00, v8  }
0x473: {  	v13 =	vsel vm0, v13, v15;
	[tilespmem:v11+s18+$0x0] =	vst.idx.add.f32.msk $0xffff, v1;
	vm8 =	veq.s32 v10, $0x0  }
0x474: {  	[tilespmem:v11+s19+$0x0] =	vst.idx.add.f32.msk $0xffff, v13;
	v37 =	vsub.f32 $1.000000000e+00, v35;
	v38 =	vsel vm8, v36, v8  }
0x475: {  	[tilespmem:v16+s20+$0x0] =	vst.idx.add.f32.msk $0xffff, v1;
	v11 =	vmul.f32 $1.000000000e+01, v38  }
0x476: {  	[tilespmem:v16+s21+$0x0] =	vst.idx.add.f32.msk $0xffff, v13;
	v10 =	vsel vm8, v35, v37  }
0x477: {  	v13 =	vld [tilespmem:s30+$0x50];
	v10 =	vmul.f32 $1.000000000e+01, v10;
	v11 =	vmin.f32 v11, $9.000000000e+00  }
0x478: {  	v39 =	vld [tilespmem:s0+$0x50];
	v11 =	vtrunc.f32 v11  }
0x479: {  	v16 =	vld [tilespmem:s30+$0xD0];
	v10 =	vmin.f32 v10, $9.000000000e+00;
	v11 =	vcvt.f32.s32 v11  }
0x47a: {  	v10 =	vtrunc.f32 v10  }
0x47b: {  	v10 =	vcvt.f32.s32 v10;
	v11 =	vshll.u32 v11, $0x4  }
0x47c: {  	v40 =	vsub.f32 $1.000000000e+00, v13;
	v11 =	vor.u32 v2, v11  }
0x47d: {  	vm1 =	veq.s32 v39, $0x0;
	v10 =	vshll.u32 v10, $0x4  }
0x47e: {  	v41 =	vsub.f32 $1.000000000e+00, v16;
	v15 =	vsel vm1, v40, v13;
	v10 =	vor.u32 v2, v10  }
0x47f: {  	v15 =	vmul.f32 $1.000000000e+01, v15  }
0x480: {  	v18 =	vsel vm1, v16, v41  }
0x481: {  	v8 =	vsel vm8, v8, v35;
	v18 =	vmul.f32 $1.000000000e+01, v18;
	v15 =	vmin.f32 v15, $9.000000000e+00;
	[tilespmem:v11+s18+$0x0] =	vst.idx.add.f32.msk $0xffff, v1  }
0x482: {  	v15 =	vtrunc.f32 v15;
	[tilespmem:v11+s19+$0x0] =	vst.idx.add.f32.msk $0xffff, v8  }
0x483: {  	v43 =	vmin.f32 v18, $9.000000000e+00;
	v42 =	vcvt.f32.s32 v15;
	[tilespmem:v10+s20+$0x0] =	vst.idx.add.f32.msk $0xffff, v1  }
0x484: {  	v15 =	vtrunc.f32 v43;
	[tilespmem:v10+s21+$0x0] =	vst.idx.add.f32.msk $0xffff, v8  }
0x485: {  	v44 =	vcvt.f32.s32 v15;
	v45 =	vshll.u32 v42, $0x4;
	v46 =	vld [tilespmem:s30+$0xFFFFFF50]  }
0x486: {  	v10 =	vor.u32 v2, v45;
	v47 =	vld [tilespmem:s0+$0xFFFFFFD0]  }
0x487: {  	v8 =	vshll.u32 v44, $0x4;
	v48 =	vld [tilespmem:s30+$0xFFFFFFD0]  }
0x488: {  	v8 =	vor.u32 v2, v8;
	_ =	sdelay $0x1  }
0x489: {  	v49 =	vsub.f32 $1.000000000e+00, v46  }
0x48a: {  	v13 =	vsel vm1, v13, v16;
	[tilespmem:v10+s18+$0x0] =	vst.idx.add.f32.msk $0xffff, v1;
	vm9 =	veq.s32 v47, $0x0  }
0x48b: {  	[tilespmem:v10+s19+$0x0] =	vst.idx.add.f32.msk $0xffff, v13;
	v50 =	vsub.f32 $1.000000000e+00, v48;
	v15 =	vsel vm9, v49, v46  }
0x48c: {  	[tilespmem:v8+s20+$0x0] =	vst.idx.add.f32.msk $0xffff, v1;
	v15 =	vmul.f32 $1.000000000e+01, v15  }
0x48d: {  	[tilespmem:v8+s21+$0x0] =	vst.idx.add.f32.msk $0xffff, v13;
	v51 =	vsel vm9, v48, v50  }
0x48e: {  	v52 =	vld [tilespmem:s30+$0x60];
	v8 =	vmul.f32 $1.000000000e+01, v51;
	v53 =	vmin.f32 v15, $9.000000000e+00  }
0x48f: {  	v54 =	vld [tilespmem:s0+$0x60];
	v13 =	vtrunc.f32 v53  }
0x490: {  	v55 =	vld [tilespmem:s30+$0xE0];
	v8 =	vmin.f32 v8, $9.000000000e+00;
	v13 =	vcvt.f32.s32 v13  }
0x491: {  	v8 =	vtrunc.f32 v8  }
0x492: {  	v8 =	vcvt.f32.s32 v8;
	v13 =	vshll.u32 v13, $0x4  }
0x493: {  	v56 =	vsub.f32 $1.000000000e+00, v52;
	v13 =	vor.u32 v2, v13  }
0x494: {  	vm10 =	veq.s32 v54, $0x0;
	v8 =	vshll.u32 v8, $0x4  }
0x495: {  	v57 =	vsub.f32 $1.000000000e+00, v55;
	v15 =	vsel vm10, v56, v52;
	v8 =	vor.u32 v2, v8  }
0x496: {  	v15 =	vmul.f32 $1.000000000e+01, v15  }
0x497: {  	v18 =	vsel vm10, v55, v57  }
0x498: {  	v11 =	vsel vm9, v46, v48;
	v18 =	vmul.f32 $1.000000000e+01, v18;
	v15 =	vmin.f32 v15, $9.000000000e+00;
	[tilespmem:v13+s18+$0x0] =	vst.idx.add.f32.msk $0xffff, v1  }
0x499: {  	v15 =	vtrunc.f32 v15;
	[tilespmem:v13+s19+$0x0] =	vst.idx.add.f32.msk $0xffff, v11  }
0x49a: {  	v58 =	vsub.f32 $1.000000000e+00, v6;
	v59 =	vmin.f32 v18, $9.000000000e+00;
	v15 =	vcvt.f32.s32 v15;
	[tilespmem:v8+s20+$0x0] =	vst.idx.add.f32.msk $0xffff, v1  }
0x49b: {  	v60 =	vsub.f32 $1.000000000e+00, v12;
	vm11 =	veq.s32 v14, $0x0;
	v61 =	vtrunc.f32 v59;
	[tilespmem:v8+s21+$0x0] =	vst.idx.add.f32.msk $0xffff, v11  }
0x49c: {  	v62 =	vsel vm11, v58, v6;
	v63 =	vcvt.f32.s32 v61;
	v20 =	vshll.u32 v15, $0x4;
	v21 =	vld [tilespmem:s30+$0xFFFFFF60]  }
0x49d: {  	v22 =	vsel vm11, v12, v60;
	v8 =	vmul.f32 $1.000000000e+01, v62;
	v13 =	vor.u32 v2, v20;
	v23 =	vld [tilespmem:s0+$0xFFFFFFE0]  }
0x49e: {  	v15 =	vmul.f32 $1.000000000e+01, v22;
	v11 =	vshll.u32 v63, $0x4;
	v24 =	vld [tilespmem:s30+$0xFFFFFFE0]  }
0x49f: {  	v11 =	vor.u32 v2, v11;
	v8 =	vmin.f32 v8, $9.000000000e+00  }
0x4a0: {  	v15 =	vmin.f32 v15, $9.000000000e+00;
	v8 =	vtrunc.f32 v8  }
0x4a1: {  	v15 =	vtrunc.f32 v15;
	v8 =	vcvt.f32.s32 v8;
	v25 =	vsub.f32 $1.000000000e+00, v21  }
0x4a2: {  	v10 =	vsel vm10, v52, v55;
	v15 =	vcvt.f32.s32 v15;
	[tilespmem:v13+s18+$0x0] =	vst.idx.add.f32.msk $0xffff, v1;
	vm12 =	veq.s32 v23, $0x0  }
0x4a3: {  	v8 =	vshll.u32 v8, $0x4;
	[tilespmem:v13+s19+$0x0] =	vst.idx.add.f32.msk $0xffff, v10;
	v26 =	vsub.f32 $1.000000000e+00, v24;
	v27 =	vsel vm12, v25, v21  }
0x4a4: {  	v8 =	vor.u32 v2, v8;
	[tilespmem:v11+s20+$0x0] =	vst.idx.add.f32.msk $0xffff, v1;
	v16 =	vmul.f32 $1.000000000e+01, v27  }
0x4a5: {  	v15 =	vshll.u32 v15, $0x4;
	[tilespmem:v11+s21+$0x0] =	vst.idx.add.f32.msk $0xffff, v10;
	v28 =	vsel vm12, v24, v26  }
0x4a6: {  	v29 =	vor.u32 v2, v15;
	v30 =	vld [tilespmem:s30+$0x70];
	v10 =	vmul.f32 $1.000000000e+01, v28;
	v31 =	vmin.f32 v16, $9.000000000e+00  }
0x4a7: {  	vm13 =	veq.s32 v9, $0x0;
	v32 =	vld [tilespmem:s0+$0x70];
	v15 =	vtrunc.f32 v31  }
0x4a8: {  	v7 =	vsel vm13, v7, v3;
	v33 =	vld [tilespmem:s30+$0xF0];
	v10 =	vmin.f32 v10, $9.000000000e+00;
	v15 =	vcvt.f32.s32 v15  }
0x4a9: {  	v5 =	vsel vm13, v4, v5;
	v34 =	vsel vm11, v6, v12;
	[tilespmem:v8+s18+$0x0] =	vst.idx.add.f32.msk $0xffff, v1;
	v10 =	vtrunc.f32 v10  }
0x4aa: {  	v7 =	vmul.f32 $1.000000000e+01, v7;
	[tilespmem:v8+s19+$0x0] =	vst.idx.add.f32.msk $0xffff, v34;
	v35 =	vcvt.f32.s32 v10;
	v36 =	vshll.u32 v15, $0x4  }
0x4ab: {  	v5 =	vmul.f32 $1.000000000e+01, v5;
	[tilespmem:v29+s20+$0x0] =	vst.idx.add.f32.msk $0xffff, v1;
	v9 =	vor.u32 v2, v36  }
0x4ac: {  	v7 =	vmin.f32 v7, $9.000000000e+00;
	[tilespmem:v29+s21+$0x0] =	vst.idx.add.f32.msk $0xffff, v34;
	v38 =	vshll.u32 v35, $0x4  }
0x4ad: {  	v5 =	vmin.f32 v5, $9.000000000e+00;
	v7 =	vtrunc.f32 v7;
	v11 =	vld [tilespmem:s28+$0xFFFFFF70];
	v6 =	vor.u32 v2, v38  }
0x4ae: {  	v5 =	vtrunc.f32 v5;
	v37 =	vsub.f32 $1.000000000e+00, v30;
	v39 =	vsub.f32 $1.000000000e+00, v33;
	v40 =	vld [tilespmem:s28+$0xFFFFFFF0]  }
0x4af: {  	v7 =	vcvt.f32.s32 v7;
	v14 =	vsel vm12, v21, v24;
	vm2 =	veq.s32 v32, $0x0;
	v41 =	vld [tilespmem:s29+$0xFFFFFFF0]  }
0x4b0: {  	v5 =	vcvt.f32.s32 v5;
	v10 =	vsel vm2, v37, v30;
	v8 =	vsel vm2, v33, v39;
	[tilespmem:v9+s18+$0x0] =	vst.idx.add.f32.msk $0xffff, v1  }
0x4b1: {  	v10 =	vmul.f32 $1.000000000e+01, v10;
	v8 =	vmul.f32 $1.000000000e+01, v8;
	[tilespmem:v9+s19+$0x0] =	vst.idx.add.f32.msk $0xffff, v14  }
0x4b2: {  	v7 =	vshll.u32 v7, $0x4;
	[tilespmem:v6+s20+$0x0] =	vst.idx.add.f32.msk $0xffff, v1  }
0x4b3: {  	v5 =	vshll.u32 v5, $0x4;
	v10 =	vmin.f32 v10, $9.000000000e+00;
	v8 =	vmin.f32 v8, $9.000000000e+00;
	[tilespmem:v6+s21+$0x0] =	vst.idx.add.f32.msk $0xffff, v14  }
0x4b4: {  	v42 =	vtrunc.f32 v10;
	v8 =	vtrunc.f32 v8;
	v44 =	vsub.f32 $1.000000000e+00, v11;
	v45 =	vld [tilespmem:s30+$0xFFFFFF70]  }
0x4b5: {  	v46 =	vsub.f32 $1.000000000e+00, v40;
	vm14 =	veq.s32 v41, $0x0;
	v9 =	vcvt.f32.s32 v42;
	v47 =	vld [tilespmem:s0+$0xFFFFFFF0]  }
0x4b6: {  	v7 =	vor.u32 v2, v7;
	v43 =	vcvt.f32.s32 v8;
	v8 =	vsel vm14, v44, v11;
	v48 =	vld [tilespmem:s30+$0xFFFFFFF0]  }
0x4b7: {  	v9 =	vshll.u32 v9, $0x4;
	v14 =	vsel vm14, v40, v46;
	v8 =	vmul.f32 $1.000000000e+01, v8  }
0x4b8: {  	v6 =	vshll.u32 v43, $0x4;
	v9 =	vor.u32 v2, v9;
	v14 =	vmul.f32 $1.000000000e+01, v14  }
0x4b9: {  	v6 =	vor.u32 v2, v6;
	v8 =	vmin.f32 v8, $9.000000000e+00;
	v49 =	vsub.f32 $1.000000000e+00, v45  }
0x4ba: {  	v8 =	vtrunc.f32 v8;
	v14 =	vmin.f32 v14, $9.000000000e+00;
	vm15 =	veq.s32 v47, $0x0  }
0x4bb: {  	v8 =	vcvt.f32.s32 v8;
	v50 =	vsub.f32 $1.000000000e+00, v48;
	v17 =	vsel vm15, v49, v45  }
0x4bc: {  	v5 =	vor.u32 v2, v5;
	[tilespmem:v7+s18+$0x0] =	vst.idx.add.f32.msk $0xffff, v1;
	v14 =	vtrunc.f32 v14;
	v17 =	vmul.f32 $1.000000000e+01, v17  }
0x4bd: {  	v13 =	vsel vm2, v30, v33;
	v51 =	vcvt.f32.s32 v14;
	[tilespmem:v9+s18+$0x0] =	vst.idx.add.f32.msk $0xffff, v1;
	v52 =	vsel vm15, v48, v50  }
0x4be: {  	v8 =	vshll.u32 v8, $0x4;
	[tilespmem:v9+s19+$0x0] =	vst.idx.add.f32.msk $0xffff, v13;
	v14 =	vmul.f32 $1.000000000e+01, v52;
	v53 =	vmin.f32 v17, $9.000000000e+00  }
0x4bf: {  	v3 =	vsel vm13, v3, v4;
	v54 =	vor.u32 v2, v8;
	[tilespmem:v6+s20+$0x0] =	vst.idx.add.f32.msk $0xffff, v1;
	v55 =	vtrunc.f32 v53  }
0x4c0: {  	v56 =	vshll.u32 v51, $0x4;
	[tilespmem:v6+s21+$0x0] =	vst.idx.add.f32.msk $0xffff, v13;
	v57 =	vmin.f32 v14, $9.000000000e+00;
	v6 =	vcvt.f32.s32 v55  }
0x4c1: {  	[tilespmem:v7+s19+$0x0] =	vst.idx.add.f32.msk $0xffff, v3;
	v58 =	vor.u32 v2, v56;
	v59 =	vtrunc.f32 v57  }
0x4c2: {  	[tilespmem:v5+s20+$0x0] =	vst.idx.add.f32.msk $0xffff, v1;
	v8 =	vcvt.f32.s32 v59;
	v6 =	vshll.u32 v6, $0x4  }
0x4c3: {  	[tilespmem:v5+s21+$0x0] =	vst.idx.add.f32.msk $0xffff, v3;
	v3 =	vor.u32 v2, v6  }
0x4c4: {  	v60 =	vsel vm14, v11, v40;
	[tilespmem:v54+s18+$0x0] =	vst.idx.add.f32.msk $0xffff, v1;
	v61 =	vshll.u32 v8, $0x4  }
0x4c5: {  	[tilespmem:v54+s19+$0x0] =	vst.idx.add.f32.msk $0xffff, v60;
	v62 =	vor.u32 v2, v61  }
0x4c6: {  	[tilespmem:v58+s20+$0x0] =	vst.idx.add.f32.msk $0xffff, v1  }
.Ltmp4:
0x4c7: {  	[tilespmem:v58+s21+$0x0] =	vst.idx.add.f32.msk $0xffff, v60;
	(pc) =	sbr.rel @!p0 .LBB2_8-.Ltmp4, $4  }
0x4c8: {  	v63 =	vsel vm15, v45, v48;
	[tilespmem:v3+s18+$0x0] =	vst.idx.add.f32.msk $0xffff, v1  }
0x4c9: {  	[tilespmem:v3+s19+$0x0] =	vst.idx.add.f32.msk $0xffff, v63  }
0x4ca: {  	[tilespmem:v62+s20+$0x0] =	vst.idx.add.f32.msk $0xffff, v1  }
0x4cb: {  	[tilespmem:v62+s21+$0x0] =	vst.idx.add.f32.msk $0xffff, v63  }
.Ltmp5:
0x4cc: {  	(pc) =	sbr.rel .LBB2_2-.Ltmp5, $3  }
0x4cd: {  	_ =	sdelay $0x1  }
0x4ce: {  	[tilespmem:s15], [sflag:$0x2] =	stream.linear.gather [hbm4b:s9+s2], $0x8000, $0x38;
	[tilespmem:$0x18400] =	vst v63  }
0x4cf: {  	p0 =	por $0x0, $0x0;
	s0 =	smov.u32 s10  }
.LBB2_9:
0x4d0: {  	_ =	sfence.sel $0x180000  }
0x4d1: {  	[bflag:$0x0] =	sbarrier.arrive $0xFFFF  }
0x4d2: {  	_ =	strace $0x90000047  }
0x4d3: {  	s0 =	stileid.u32;
	[bflag:$0x2] =	sbarrier.arrive $0xFFFF  }
0x4d4: {  	p0 =	sne.s32 s0, $0x0;
	s0 =	rddreg [dreg:$0x3]  }
0x4d5: {  	s0 =	sadd.s32 @!p0 $0x100000, s0  }
0x4d6: {  	[sflag:s0] =	ssyncadd.tile.s32 @!p0 $0x1;
	_ =	shalt  }
.Lfunc_end2:
_tile_overlayer_lowered:
.L_overlay_start_2:
0x4d7: {  	(tag) =	ssettag $0x2  }
0x4d8: {  	s0 =	rddreg [dreg:$0x0];
	s2 =	stileid.u32  }
0x4d9: {  	s1 =	rddreg [dreg:$0x1];
	p0 =	sne.s32 s2, $0x0  }
0x4da: {  	s3 =	rddreg [dreg:$0x2];
	[bflag:$0x3] =	sbarrier.arrive $0xFFFF;
	s2 =	simm.s32 @!p0 $0x1C03  }
0x4db: {  	[timem:s3], [sflag:s2] =	dma.local @!p0 [hbm:s0], s1  }
0x4dc: {  	s0 =	simm.s32 @!p0 $0x3  }
0x4dd: {  	_ =	swait.ge @!p0 [sflag:s0], s1  }
0x4de: {  	s1 =	ssub.s32 @!p0 $0x0, s1;
	[sflag:s0] =	ssyncset.done @!p0 $0x0  }
0x4df: {  	[sflag:s0] =	ssyncadd.s32 @!p0 s1  }
0x4e0: {  	[bflag:$0x3] =	sbarrier.arrive $0xFFFF  }
0x4e1: {  	_ =	shalt  }

</sc_bundles>
